<compile_context>
chip_gen: v7x
topology: tpu7x:2x2x1
jax: 0.10.2.dev20260603
libtpu: 0.0.44.dev20260713+nightly
codegen_flags: <defaults>
</compile_context>

<pallas_src>
import functools

import jax
import jax.numpy as jnp
from jax import lax
from jax.experimental import pallas as pl
from jax.experimental.pallas import tpu as pltpu
from jax.experimental.pallas import tpu_sc as plsc

NNODES = 10000
D = 128
NC = 2
NS = 16
NW = NC * NS
L = 16

NP = 10240
CH = 128
EPT = 10240
EPAD = NW * EPT
NCHUNK = EPT // CH
ROWS_PER_TILE = NP // NS

GCH = 64
NBUF = 4
GCHUNKS = EPT // GCH
SPH = CH // GCH
NGRP = NBUF // SPH

_mesh = plsc.VectorSubcoreMesh(
    core_axis_name="c", subcore_axis_name="s", num_cores=NC, num_subcores=NS
)


def _deg_kernel(dst3, ones_rows):

    @functools.partial(
        pl.kernel,
        mesh=_mesh,
        out_type=jax.ShapeDtypeStruct((NC, NP, D), jnp.float32),
        scratch_types=[
            pltpu.VMEM((NCHUNK, CH), jnp.int32),
            pltpu.VMEM((CH, D), jnp.float32),
            pltpu.VMEM((CH, D), jnp.float32),
            pltpu.VMEM_SHARED((NP, D), jnp.float32),
            pltpu.SemaphoreType.DMA,
            pltpu.SemaphoreType.DMA,
        ],
    )
    def k(dst_ref, ones_ref, out_ref, didx, zbuf, buf, dacc, sem_a, sem_b):
        cid = lax.axis_index("c")
        sid = lax.axis_index("s")
        wid = sid * NC + cid

        pltpu.sync_copy(dst_ref.at[wid], didx)
        pltpu.sync_copy(ones_ref, buf)
        zero = jnp.zeros((L,), jnp.float32)

        def zrow(r, _):
            for c8 in range(D // L):
                zbuf[r, pl.ds(c8 * L, L)] = zero
            return 0

        lax.fori_loop(0, CH, zrow, 0)
        base = sid * ROWS_PER_TILE
        for j in range(ROWS_PER_TILE // CH):
            pltpu.sync_copy(zbuf, dacc.at[pl.ds(base + j * CH, CH)])
        plsc.subcore_barrier()

        pltpu.async_copy(buf, dacc.at[didx.at[0]], sem_a, add=True)
        pltpu.async_copy(buf, dacc.at[didx.at[1]], sem_b, add=True)

        def body(j2, _):
            j = 2 * j2
            pltpu.make_async_copy(buf, dacc.at[didx.at[j]], sem_a).wait()

            @pl.when(j + 2 < NCHUNK)
            def _():
                pltpu.async_copy(
                    buf, dacc.at[didx.at[j + 2]], sem_a, add=True
                )

            pltpu.make_async_copy(
                buf, dacc.at[didx.at[j + 1]], sem_b
            ).wait()

            @pl.when(j + 3 < NCHUNK)
            def _():
                pltpu.async_copy(
                    buf, dacc.at[didx.at[j + 3]], sem_b, add=True
                )

            return 0

        lax.fori_loop(0, NCHUNK // 2, body, 0)
        plsc.subcore_barrier()

        for j in range(ROWS_PER_TILE // CH):
            sl = pl.ds(base + j * CH, CH)
            pltpu.sync_copy(dacc.at[sl], out_ref.at[cid, sl])

    return k(dst3, ones_rows)


def _hop_kernel(t_hbm, src3, dst3):

    @functools.partial(
        pl.kernel,
        mesh=_mesh,
        out_type=jax.ShapeDtypeStruct((NC, NP, D), jnp.float32),
        scratch_types=[
            [pltpu.VMEM((GCH,), jnp.int32) for _ in range(NBUF)],
            pltpu.VMEM((NCHUNK, CH), jnp.int32),
            pltpu.VMEM((NBUF * GCH, D), jnp.float32),
            pltpu.VMEM_SHARED((NP, D), jnp.float32),
            [pltpu.SemaphoreType.DMA for _ in range(NBUF)],
        ],
    )
    def k(t_ref, src_ref, dst_ref, out_ref, sidx, didx, rows, acc, sem):
        cid = lax.axis_index("c")
        sid = lax.axis_index("s")
        wid = sid * NC + cid

        pltpu.sync_copy(dst_ref.at[wid], didx)

        zero = jnp.zeros((L,), jnp.float32)

        def zrow(r, _):
            for c8 in range(D // L):
                rows[r, pl.ds(c8 * L, L)] = zero
            return 0

        lax.fori_loop(0, CH, zrow, 0)
        zsrc = rows.at[pl.ds(0, CH)]
        base = sid * ROWS_PER_TILE
        for j in range(ROWS_PER_TILE // CH):
            pltpu.sync_copy(zsrc, acc.at[pl.ds(base + j * CH, CH)])
        plsc.subcore_barrier()

        def fire(sub, b):
            pltpu.sync_copy(src_ref.at[wid, sub], sidx[b])
            pltpu.async_copy(
                t_ref.at[sidx[b]], rows.at[pl.ds(b * GCH, GCH)], sem[b]
            )

        def drain(b):
            pltpu.make_async_copy(
                t_ref.at[sidx[b]], rows.at[pl.ds(b * GCH, GCH)], sem[b]
            ).wait()

        for b in range(NBUF):
            fire(b, b)

        def body(j2, _):
            j = NGRP * j2
            for h in range(NGRP):
                qbase = h * SPH
                for q in range(SPH):
                    drain(qbase + q)
                pltpu.sync_copy(
                    rows.at[pl.ds(qbase * GCH, CH)],
                    acc.at[didx.at[j + h]],
                    add=True,
                )
                sub = SPH * (j + h) + NBUF

                @pl.when(sub + SPH - 1 < GCHUNKS)
                def _():
                    for q in range(SPH):
                        fire(sub + q, qbase + q)
            return 0

        lax.fori_loop(0, NCHUNK // NGRP, body, 0)
        plsc.subcore_barrier()

        for j in range(ROWS_PER_TILE // CH):
            sl = pl.ds(base + j * CH, CH)
            pltpu.sync_copy(acc.at[sl], out_ref.at[cid, sl])

    return k(t_hbm, src3, dst3)


_ROWBLK = 256
_NBLK = NP // _ROWBLK


def _scale_x(x_pad, d0, d1):

    def body(x_ref, d0_ref, d1_ref, t0_ref, dc_ref):
        dcol = d0_ref[...] + d1_ref[...] + 1.0
        dc_ref[...] = dcol[:, :L]
        s = lax.rsqrt(dcol[:, 0:1])
        t0_ref[...] = x_ref[...] * s

    return pl.pallas_call(
        body,
        grid=(_NBLK,),
        in_specs=[
            pl.BlockSpec((_ROWBLK, D), lambda i: (i, 0)),
            pl.BlockSpec((_ROWBLK, D), lambda i: (i, 0)),
            pl.BlockSpec((_ROWBLK, D), lambda i: (i, 0)),
        ],
        out_specs=[
            pl.BlockSpec((_ROWBLK, D), lambda i: (i, 0)),
            pl.BlockSpec((_ROWBLK, L), lambda i: (i, 0)),
        ],
        out_shape=[
            jax.ShapeDtypeStruct((NP, D), jnp.float32),
            jax.ShapeDtypeStruct((NP, L), jnp.float32),
        ],
    )(x_pad, d0, d1)


def _mid_scale(p0, p1, t0, dc):

    def body(p0_ref, p1_ref, t0_ref, dc_ref, t2_ref):
        h = p0_ref[...] + p1_ref[...] + t0_ref[...]
        t2_ref[...] = h / dc_ref[:, 0:1]

    return pl.pallas_call(
        body,
        grid=(_NBLK,),
        in_specs=[
            pl.BlockSpec((_ROWBLK, D), lambda i: (i, 0)),
            pl.BlockSpec((_ROWBLK, D), lambda i: (i, 0)),
            pl.BlockSpec((_ROWBLK, D), lambda i: (i, 0)),
            pl.BlockSpec((_ROWBLK, L), lambda i: (i, 0)),
        ],
        out_specs=pl.BlockSpec((_ROWBLK, D), lambda i: (i, 0)),
        out_shape=jax.ShapeDtypeStruct((NP, D), jnp.float32),
    )(p0, p1, t0, dc)


def _final(q0, q1, t2, dc, W, b2):

    def body(q0_ref, q1_ref, t2_ref, dc_ref, w_ref, b_ref, o_ref):
        h = (q0_ref[...] + q1_ref[...] + t2_ref[...]) * lax.rsqrt(
            dc_ref[:, 0:1]
        )
        logits = (
            lax.dot_general(
                h,
                w_ref[...],
                (((1,), (1,)), ((), ())),
                preferred_element_type=jnp.float32,
            )
            + b_ref[...]
        )
        m = jnp.max(logits, axis=1, keepdims=True)
        e = jnp.exp(logits - m)
        lse = jnp.log(jnp.sum(e, axis=1, keepdims=True)) + m
        o_ref[...] = logits - lse

    return pl.pallas_call(
        body,
        grid=(_NBLK,),
        in_specs=[
            pl.BlockSpec((_ROWBLK, D), lambda i: (i, 0)),
            pl.BlockSpec((_ROWBLK, D), lambda i: (i, 0)),
            pl.BlockSpec((_ROWBLK, D), lambda i: (i, 0)),
            pl.BlockSpec((_ROWBLK, L), lambda i: (i, 0)),
            pl.BlockSpec((D, D), lambda i: (0, 0)),
            pl.BlockSpec((1, D), lambda i: (0, 0)),
        ],
        out_specs=pl.BlockSpec((_ROWBLK, D), lambda i: (i, 0)),
        out_shape=jax.ShapeDtypeStruct((NP, D), jnp.float32),
    )(q0, q1, t2, dc, W, b2)


def kernel(x, edge_index, W, b):
    n, d = x.shape
    e = edge_index.shape[1]
    pad_e = EPAD - e

    src = edge_index[0]
    dst = edge_index[1]
    fill = jnp.full((pad_e,), n, dtype=jnp.int32)
    src_pad = jnp.concatenate([src, fill])
    dst_pad = jnp.concatenate([dst, fill])
    src3 = src_pad.reshape(NW, GCHUNKS, GCH)
    dst3 = dst_pad.reshape(NW, NCHUNK, CH)
    x_pad = jnp.concatenate(
        [x, jnp.zeros((NP - n, d), dtype=x.dtype)], axis=0
    )

    ones_rows = jnp.ones((CH, D), jnp.float32)
    dparts = _deg_kernel(dst3, ones_rows)
    t0, dc = _scale_x(x_pad, dparts[0], dparts[1])
    p = _hop_kernel(t0, src3, dst3)
    t2 = _mid_scale(p[0], p[1], t0, dc)
    q = _hop_kernel(t2, src3, dst3)
    out = _final(q[0], q[1], t2, dc, W, b.reshape(1, D))
    return out[:n]

# --- scband reference (transcript-rebuilt; emitter-appended) ---
"""Pipeline reference for scband-sgc-49289044689242 (READ-ONLY COPY).

The authoritative reference and input builder live on the scoring server;
editing this copy changes nothing except your own understanding.
"""

import jax, jax.numpy as jnp
import numpy as np

N = 10000
E = 320000
D_IN = 128
D_OUT = 128
K = 2


def setup_inputs(seed: int = 0) -> dict:
    key = jax.random.key(seed)
    k1, k2, k3, k4 = jax.random.split(key, 4)
    x = jax.random.normal(k1, (N, D_IN), dtype=jnp.float32)
    edge_index = jax.random.randint(k2, (2, E), 0, N, dtype=jnp.int32)
    # Linear layer params of SGConv (out = h @ W.T + b)
    W = jax.random.normal(k3, (D_OUT, D_IN), dtype=jnp.float32) * (1.0 / np.sqrt(D_IN))
    b = jax.random.normal(k4, (D_OUT,), dtype=jnp.float32) * 0.01
    return {"x": x, "edge_index": edge_index, "W": W, "b": b}


def _gcn_norm(edge_index, num_nodes):
    src = edge_index[0]
    dst = edge_index[1]
    loop = jnp.arange(num_nodes, dtype=edge_index.dtype)
    src = jnp.concatenate([src, loop])
    dst = jnp.concatenate([dst, loop])
    ew = jnp.ones(src.shape[0], dtype=jnp.float32)
    deg = jax.ops.segment_sum(ew, dst, num_segments=num_nodes)
    deg_inv_sqrt = jnp.where(deg > 0, 1.0 / jnp.sqrt(deg), 0.0)
    norm = deg_inv_sqrt[src] * deg_inv_sqrt[dst]
    return src, dst, norm


def reference(x, edge_index, W, b):
    n = x.shape[0]
    src, dst, norm = _gcn_norm(edge_index, n)
    h = x
    for _ in range(K):
        msgs = h[src] * norm[:, None]
        h = jax.ops.segment_sum(msgs, dst, num_segments=n)
    out = h @ W.T + b
    return jax.nn.log_softmax(out, axis=1)

if __name__ == "__main__":
    import jax
    _d = setup_inputs()
    print(jax.jit(kernel)(*tuple(_d.values())))

</pallas_src>

<mosaic_0001>
#map = affine_map<(d0, d1) -> (0, 0)>
#map1 = affine_map<(d0, d1) -> (0, 0, 0)>
module attributes {stable_mosaic.version = 14 : i64} {
  func.func @k(%arg0: i32, %arg1: i32, %arg2: memref<10240x128xf32, #tpu.memory_space<hbm>>, %arg3: memref<32x160x64xi32, #tpu.memory_space<hbm>>, %arg4: memref<32x80x128xi32, #tpu.memory_space<hbm>>, %arg5: memref<2x10240x128xf32, #tpu.memory_space<hbm>>, %arg6: memref<64xi32, #tpu.memory_space<vmem>>, %arg7: memref<64xi32, #tpu.memory_space<vmem>>, %arg8: memref<64xi32, #tpu.memory_space<vmem>>, %arg9: memref<64xi32, #tpu.memory_space<vmem>>, %arg10: memref<80x128xi32, #tpu.memory_space<vmem>>, %arg11: memref<256x128xf32, #tpu.memory_space<vmem>>, %arg12: memref<10240x128xf32, #tpu.memory_space<vmem_shared>>, %arg13: memref<!tpu.dma_semaphore, #tpu.memory_space<semaphore_mem>>, %arg14: memref<!tpu.dma_semaphore, #tpu.memory_space<semaphore_mem>>, %arg15: memref<!tpu.dma_semaphore, #tpu.memory_space<semaphore_mem>>, %arg16: memref<!tpu.dma_semaphore, #tpu.memory_space<semaphore_mem>>) attributes {dimension_semantics = [#tpu.dimension_semantics<core_parallel>, #tpu.dimension_semantics<subcore_parallel>], iteration_bounds = array<i64: 2, 16>, scalar_prefetch = 0 : i64, scratch_operands = 11 : i64, tpu.core_type = #tpu.core_type<sc_vector_subcore>, window_params = [{transform_indices = #map}, {transform_indices = #map1}, {transform_indices = #map1}, {transform_indices = #map1}]} {
    %mul3A = arith.constant 2 : i32
    %mul3A_0 = arith.muli %arg1, %mul3A : i32
    %add3A = arith.addi %mul3A_0, %arg0 : i32
    "tpu.region"() ({
      %run_scoped3A_64 = tpu.sem_alloc : memref<!tpu.dma_semaphore, #tpu.memory_space<semaphore_mem>>
      %dma_start3A_65 = arith.constant 0 : i32
      %dma_start3A_66 = arith.constant 0 : i32
      %dma_start3A_67 = tpu.memref_slice %arg4[%add3A, %dma_start3A_65, %dma_start3A_66] : memref<32x80x128xi32, #tpu.memory_space<hbm>> -> memref<1x80x128xi32, #tpu.memory_space<hbm>>
      %dma_start3A_68 = tpu.memref_squeeze %dma_start3A_67 : memref<1x80x128xi32, #tpu.memory_space<hbm>> -> memref<80x128xi32, #tpu.memory_space<hbm>>
      %dma_start3A_69 = arith.constant 0 : i32
      %dma_start3A_70 = arith.constant 0 : i32
      %dma_start3A_71 = tpu.memref_slice %arg4[%add3A, %dma_start3A_69, %dma_start3A_70] : memref<32x80x128xi32, #tpu.memory_space<hbm>> -> memref<1x80x128xi32, #tpu.memory_space<hbm>>
      %dma_start3A_72 = tpu.memref_squeeze %dma_start3A_71 : memref<1x80x128xi32, #tpu.memory_space<hbm>> -> memref<80x128xi32, #tpu.memory_space<hbm>>
      tpu.enqueue_dma source(%dma_start3A_72 : memref<80x128xi32, #tpu.memory_space<hbm>>) target(%arg10 : memref<80x128xi32, #tpu.memory_space<vmem>>) target_semaphore(%run_scoped3A_64 : memref<!tpu.dma_semaphore, #tpu.memory_space<semaphore_mem>>)
      %dma_wait3A = arith.constant 0 : i32
      %dma_wait3A_73 = arith.constant 0 : i32
      %dma_wait3A_74 = tpu.memref_slice %arg4[%add3A, %dma_wait3A, %dma_wait3A_73] : memref<32x80x128xi32, #tpu.memory_space<hbm>> -> memref<1x80x128xi32, #tpu.memory_space<hbm>>
      %dma_wait3A_75 = tpu.memref_squeeze %dma_wait3A_74 : memref<1x80x128xi32, #tpu.memory_space<hbm>> -> memref<80x128xi32, #tpu.memory_space<hbm>>
      %dma_wait3A_76 = arith.constant 0 : i32
      %dma_wait3A_77 = arith.constant 0 : i32
      %dma_wait3A_78 = tpu.memref_slice %arg4[%add3A, %dma_wait3A_76, %dma_wait3A_77] : memref<32x80x128xi32, #tpu.memory_space<hbm>> -> memref<1x80x128xi32, #tpu.memory_space<hbm>>
      %dma_wait3A_79 = tpu.memref_squeeze %dma_wait3A_78 : memref<1x80x128xi32, #tpu.memory_space<hbm>> -> memref<80x128xi32, #tpu.memory_space<hbm>>
      tpu.wait_dma2 semaphore(%run_scoped3A_64 : memref<!tpu.dma_semaphore, #tpu.memory_space<semaphore_mem>>) src(%dma_wait3A_79 : memref<80x128xi32, #tpu.memory_space<hbm>>) dst(%arg10 : memref<80x128xi32, #tpu.memory_space<vmem>>)
      tpu.yield
    }) : () -> ()
    %broadcast_in_dim3A = arith.constant 0.000000e+00 : f32
    %broadcast_in_dim3A_1 = vector.broadcast %broadcast_in_dim3A : f32 to vector<16xf32>
    %scan3A = arith.constant 0 : i32
    %scan3A_2 = arith.constant 0 : i32
    %scan3A_3 = arith.constant 128 : i32
    %scan3A_4 = arith.addi %scan3A_2, %scan3A_3 : i32
    %scan3A_5 = arith.constant 1 : i32
    %scan3A_6 = scf.for %scan3A_64 = %scan3A_2 to %scan3A_4 step %scan3A_5 iter_args(%scan3A_65 = %scan3A) -> (i32)  : i32 {
      %swap3A = arith.index_cast %scan3A_64 : i32 to index
      %swap3A_66 = arith.constant 0 : index
      %swap3A_67 = tpu.vector_load %arg11[%swap3A, %swap3A_66] {strides = array<i32>} : memref<256x128xf32, #tpu.memory_space<vmem>>, vector<1x16xf32>,
      %swap3A_68 = vector.shape_cast %swap3A_67 : vector<1x16xf32> to vector<16xf32>
      %swap3A_69 = vector.shape_cast %broadcast_in_dim3A_1 : vector<16xf32> to vector<1x16xf32>
      tpu.vector_store %arg11[%swap3A, %swap3A_66], %swap3A_69 {strides = array<i32>} : memref<256x128xf32, #tpu.memory_space<vmem>>, vector<1x16xf32>,
      %swap3A_70 = arith.index_cast %scan3A_64 : i32 to index
      %swap3A_71 = arith.constant 16 : index
      %swap3A_72 = tpu.vector_load %arg11[%swap3A_70, %swap3A_71] {strides = array<i32>} : memref<256x128xf32, #tpu.memory_space<vmem>>, vector<1x16xf32>,
      %swap3A_73 = vector.shape_cast %swap3A_72 : vector<1x16xf32> to vector<16xf32>
      %swap3A_74 = vector.shape_cast %broadcast_in_dim3A_1 : vector<16xf32> to vector<1x16xf32>
      tpu.vector_store %arg11[%swap3A_70, %swap3A_71], %swap3A_74 {strides = array<i32>} : memref<256x128xf32, #tpu.memory_space<vmem>>, vector<1x16xf32>,
      %swap3A_75 = arith.index_cast %scan3A_64 : i32 to index
      %swap3A_76 = arith.constant 32 : index
      %swap3A_77 = tpu.vector_load %arg11[%swap3A_75, %swap3A_76] {strides = array<i32>} : memref<256x128xf32, #tpu.memory_space<vmem>>, vector<1x16xf32>,
      %swap3A_78 = vector.shape_cast %swap3A_77 : vector<1x16xf32> to vector<16xf32>
      %swap3A_79 = vector.shape_cast %broadcast_in_dim3A_1 : vector<16xf32> to vector<1x16xf32>
      tpu.vector_store %arg11[%swap3A_75, %swap3A_76], %swap3A_79 {strides = array<i32>} : memref<256x128xf32, #tpu.memory_space<vmem>>, vector<1x16xf32>,
      %swap3A_80 = arith.index_cast %scan3A_64 : i32 to index
      %swap3A_81 = arith.constant 48 : index
      %swap3A_82 = tpu.vector_load %arg11[%swap3A_80, %swap3A_81] {strides = array<i32>} : memref<256x128xf32, #tpu.memory_space<vmem>>, vector<1x16xf32>,
      %swap3A_83 = vector.shape_cast %swap3A_82 : vector<1x16xf32> to vector<16xf32>
      %swap3A_84 = vector.shape_cast %broadcast_in_dim3A_1 : vector<16xf32> to vector<1x16xf32>
      tpu.vector_store %arg11[%swap3A_80, %swap3A_81], %swap3A_84 {strides = array<i32>} : memref<256x128xf32, #tpu.memory_space<vmem>>, vector<1x16xf32>,
      %swap3A_85 = arith.index_cast %scan3A_64 : i32 to index
      %swap3A_86 = arith.constant 64 : index
      %swap3A_87 = tpu.vector_load %arg11[%swap3A_85, %swap3A_86] {strides = array<i32>} : memref<256x128xf32, #tpu.memory_space<vmem>>, vector<1x16xf32>,
      %swap3A_88 = vector.shape_cast %swap3A_87 : vector<1x16xf32> to vector<16xf32>
      %swap3A_89 = vector.shape_cast %broadcast_in_dim3A_1 : vector<16xf32> to vector<1x16xf32>
      tpu.vector_store %arg11[%swap3A_85, %swap3A_86], %swap3A_89 {strides = array<i32>} : memref<256x128xf32, #tpu.memory_space<vmem>>, vector<1x16xf32>,
      %swap3A_90 = arith.index_cast %scan3A_64 : i32 to index
      %swap3A_91 = arith.constant 80 : index
      %swap3A_92 = tpu.vector_load %arg11[%swap3A_90, %swap3A_91] {strides = array<i32>} : memref<256x128xf32, #tpu.memory_space<vmem>>, vector<1x16xf32>,
      %swap3A_93 = vector.shape_cast %swap3A_92 : vector<1x16xf32> to vector<16xf32>
      %swap3A_94 = vector.shape_cast %broadcast_in_dim3A_1 : vector<16xf32> to vector<1x16xf32>
      tpu.vector_store %arg11[%swap3A_90, %swap3A_91], %swap3A_94 {strides = array<i32>} : memref<256x128xf32, #tpu.memory_space<vmem>>, vector<1x16xf32>,
      %swap3A_95 = arith.index_cast %scan3A_64 : i32 to index
      %swap3A_96 = arith.constant 96 : index
      %swap3A_97 = tpu.vector_load %arg11[%swap3A_95, %swap3A_96] {strides = array<i32>} : memref<256x128xf32, #tpu.memory_space<vmem>>, vector<1x16xf32>,
      %swap3A_98 = vector.shape_cast %swap3A_97 : vector<1x16xf32> to vector<16xf32>
      %swap3A_99 = vector.shape_cast %broadcast_in_dim3A_1 : vector<16xf32> to vector<1x16xf32>
      tpu.vector_store %arg11[%swap3A_95, %swap3A_96], %swap3A_99 {strides = array<i32>} : memref<256x128xf32, #tpu.memory_space<vmem>>, vector<1x16xf32>,
      %swap3A_100 = arith.index_cast %scan3A_64 : i32 to index
      %swap3A_101 = arith.constant 112 : index
      %swap3A_102 = tpu.vector_load %arg11[%swap3A_100, %swap3A_101] {strides = array<i32>} : memref<256x128xf32, #tpu.memory_space<vmem>>, vector<1x16xf32>,
      %swap3A_103 = vector.shape_cast %swap3A_102 : vector<1x16xf32> to vector<16xf32>
      %swap3A_104 = vector.shape_cast %broadcast_in_dim3A_1 : vector<16xf32> to vector<1x16xf32>
      tpu.vector_store %arg11[%swap3A_100, %swap3A_101], %swap3A_104 {strides = array<i32>} : memref<256x128xf32, #tpu.memory_space<vmem>>, vector<1x16xf32>,
      %scan3A_105 = arith.constant 0 : i32
      scf.yield %scan3A_105 : i32
    }
    %scan3A_7 = arith.constant 128 : i32
    %mul3A_8 = arith.constant 640 : i32
    %mul3A_9 = arith.muli %arg1, %mul3A_8 : i32
    %add3A_10 = arith.constant 0 : i32
    %add3A_11 = arith.addi %mul3A_9, %add3A_10 : i32
    "tpu.region"() ({
      %run_scoped3A_64 = tpu.sem_alloc : memref<!tpu.dma_semaphore, #tpu.memory_space<semaphore_mem>>
      %dma_start3A_65 = arith.constant 0 : i32
      %dma_start3A_66 = arith.constant 0 : i32
      %dma_start3A_67 = tpu.memref_slice %arg11[%dma_start3A_65, %dma_start3A_66] : memref<256x128xf32, #tpu.memory_space<vmem>> -> memref<128x128xf32, #tpu.memory_space<vmem>>
      %dma_start3A_68 = arith.constant 0 : i32
      %dma_start3A_69 = tpu.memref_slice %arg12[%add3A_11, %dma_start3A_68] : memref<10240x128xf32, #tpu.memory_space<vmem_shared>> -> memref<128x128xf32, #tpu.memory_space<vmem_shared>>
      %dma_start3A_70 = arith.constant 0 : i32
      %dma_start3A_71 = tpu.memref_slice %arg12[%add3A_11, %dma_start3A_70] : memref<10240x128xf32, #tpu.memory_space<vmem_shared>> -> memref<128x128xf32, #tpu.memory_space<vmem_shared>>
      %dma_start3A_72 = arith.constant 0 : i32
      %dma_start3A_73 = arith.constant 0 : i32
      %dma_start3A_74 = tpu.memref_slice %arg11[%dma_start3A_72, %dma_start3A_73] : memref<256x128xf32, #tpu.memory_space<vmem>> -> memref<128x128xf32, #tpu.memory_space<vmem>>
      tpu.enqueue_dma source(%dma_start3A_74 : memref<128x128xf32, #tpu.memory_space<vmem>>) target(%dma_start3A_71 : memref<128x128xf32, #tpu.memory_space<vmem_shared>>) target_semaphore(%run_scoped3A_64 : memref<!tpu.dma_semaphore, #tpu.memory_space<semaphore_mem>>)
      %dma_wait3A = arith.constant 0 : i32
      %dma_wait3A_75 = arith.constant 0 : i32
      %dma_wait3A_76 = tpu.memref_slice %arg11[%dma_wait3A, %dma_wait3A_75] : memref<256x128xf32, #tpu.memory_space<vmem>> -> memref<128x128xf32, #tpu.memory_space<vmem>>
      %dma_wait3A_77 = arith.constant 0 : i32
      %dma_wait3A_78 = tpu.memref_slice %arg12[%add3A_11, %dma_wait3A_77] : memref<10240x128xf32, #tpu.memory_space<vmem_shared>> -> memref<128x128xf32, #tpu.memory_space<vmem_shared>>
      %dma_wait3A_79 = arith.constant 0 : i32
      %dma_wait3A_80 = tpu.memref_slice %arg12[%add3A_11, %dma_wait3A_79] : memref<10240x128xf32, #tpu.memory_space<vmem_shared>> -> memref<128x128xf32, #tpu.memory_space<vmem_shared>>
      %dma_wait3A_81 = arith.constant 0 : i32
      %dma_wait3A_82 = arith.constant 0 : i32
      %dma_wait3A_83 = tpu.memref_slice %arg11[%dma_wait3A_81, %dma_wait3A_82] : memref<256x128xf32, #tpu.memory_space<vmem>> -> memref<128x128xf32, #tpu.memory_space<vmem>>
      tpu.wait_dma2 semaphore(%run_scoped3A_64 : memref<!tpu.dma_semaphore, #tpu.memory_space<semaphore_mem>>) src(%dma_wait3A_83 : memref<128x128xf32, #tpu.memory_space<vmem>>) dst(%dma_wait3A_80 : memref<128x128xf32, #tpu.memory_space<vmem_shared>>)
      tpu.yield
    }) : () -> ()
    %add3A_12 = arith.constant 128 : i32
    %add3A_13 = arith.addi %mul3A_9, %add3A_12 : i32
    "tpu.region"() ({
      %run_scoped3A_64 = tpu.sem_alloc : memref<!tpu.dma_semaphore, #tpu.memory_space<semaphore_mem>>
      %dma_start3A_65 = arith.constant 0 : i32
      %dma_start3A_66 = arith.constant 0 : i32
      %dma_start3A_67 = tpu.memref_slice %arg11[%dma_start3A_65, %dma_start3A_66] : memref<256x128xf32, #tpu.memory_space<vmem>> -> memref<128x128xf32, #tpu.memory_space<vmem>>
      %dma_start3A_68 = arith.constant 0 : i32
      %dma_start3A_69 = tpu.memref_slice %arg12[%add3A_13, %dma_start3A_68] : memref<10240x128xf32, #tpu.memory_space<vmem_shared>> -> memref<128x128xf32, #tpu.memory_space<vmem_shared>>
      %dma_start3A_70 = arith.constant 0 : i32
      %dma_start3A_71 = tpu.memref_slice %arg12[%add3A_13, %dma_start3A_70] : memref<10240x128xf32, #tpu.memory_space<vmem_shared>> -> memref<128x128xf32, #tpu.memory_space<vmem_shared>>
      %dma_start3A_72 = arith.constant 0 : i32
      %dma_start3A_73 = arith.constant 0 : i32
      %dma_start3A_74 = tpu.memref_slice %arg11[%dma_start3A_72, %dma_start3A_73] : memref<256x128xf32, #tpu.memory_space<vmem>> -> memref<128x128xf32, #tpu.memory_space<vmem>>
      tpu.enqueue_dma source(%dma_start3A_74 : memref<128x128xf32, #tpu.memory_space<vmem>>) target(%dma_start3A_71 : memref<128x128xf32, #tpu.memory_space<vmem_shared>>) target_semaphore(%run_scoped3A_64 : memref<!tpu.dma_semaphore, #tpu.memory_space<semaphore_mem>>)
      %dma_wait3A = arith.constant 0 : i32
      %dma_wait3A_75 = arith.constant 0 : i32
      %dma_wait3A_76 = tpu.memref_slice %arg11[%dma_wait3A, %dma_wait3A_75] : memref<256x128xf32, #tpu.memory_space<vmem>> -> memref<128x128xf32, #tpu.memory_space<vmem>>
      %dma_wait3A_77 = arith.constant 0 : i32
      %dma_wait3A_78 = tpu.memref_slice %arg12[%add3A_13, %dma_wait3A_77] : memref<10240x128xf32, #tpu.memory_space<vmem_shared>> -> memref<128x128xf32, #tpu.memory_space<vmem_shared>>
      %dma_wait3A_79 = arith.constant 0 : i32
      %dma_wait3A_80 = tpu.memref_slice %arg12[%add3A_13, %dma_wait3A_79] : memref<10240x128xf32, #tpu.memory_space<vmem_shared>> -> memref<128x128xf32, #tpu.memory_space<vmem_shared>>
      %dma_wait3A_81 = arith.constant 0 : i32
      %dma_wait3A_82 = arith.constant 0 : i32
      %dma_wait3A_83 = tpu.memref_slice %arg11[%dma_wait3A_81, %dma_wait3A_82] : memref<256x128xf32, #tpu.memory_space<vmem>> -> memref<128x128xf32, #tpu.memory_space<vmem>>
      tpu.wait_dma2 semaphore(%run_scoped3A_64 : memref<!tpu.dma_semaphore, #tpu.memory_space<semaphore_mem>>) src(%dma_wait3A_83 : memref<128x128xf32, #tpu.memory_space<vmem>>) dst(%dma_wait3A_80 : memref<128x128xf32, #tpu.memory_space<vmem_shared>>)
      tpu.yield
    }) : () -> ()
    %add3A_14 = arith.constant 256 : i32
    %add3A_15 = arith.addi %mul3A_9, %add3A_14 : i32
    "tpu.region"() ({
      %run_scoped3A_64 = tpu.sem_alloc : memref<!tpu.dma_semaphore, #tpu.memory_space<semaphore_mem>>
      %dma_start3A_65 = arith.constant 0 : i32
      %dma_start3A_66 = arith.constant 0 : i32
      %dma_start3A_67 = tpu.memref_slice %arg11[%dma_start3A_65, %dma_start3A_66] : memref<256x128xf32, #tpu.memory_space<vmem>> -> memref<128x128xf32, #tpu.memory_space<vmem>>
      %dma_start3A_68 = arith.constant 0 : i32
      %dma_start3A_69 = tpu.memref_slice %arg12[%add3A_15, %dma_start3A_68] : memref<10240x128xf32, #tpu.memory_space<vmem_shared>> -> memref<128x128xf32, #tpu.memory_space<vmem_shared>>
      %dma_start3A_70 = arith.constant 0 : i32
      %dma_start3A_71 = tpu.memref_slice %arg12[%add3A_15, %dma_start3A_70] : memref<10240x128xf32, #tpu.memory_space<vmem_shared>> -> memref<128x128xf32, #tpu.memory_space<vmem_shared>>
      %dma_start3A_72 = arith.constant 0 : i32
      %dma_start3A_73 = arith.constant 0 : i32
      %dma_start3A_74 = tpu.memref_slice %arg11[%dma_start3A_72, %dma_start3A_73] : memref<256x128xf32, #tpu.memory_space<vmem>> -> memref<128x128xf32, #tpu.memory_space<vmem>>
      tpu.enqueue_dma source(%dma_start3A_74 : memref<128x128xf32, #tpu.memory_space<vmem>>) target(%dma_start3A_71 : memref<128x128xf32, #tpu.memory_space<vmem_shared>>) target_semaphore(%run_scoped3A_64 : memref<!tpu.dma_semaphore, #tpu.memory_space<semaphore_mem>>)
      %dma_wait3A = arith.constant 0 : i32
      %dma_wait3A_75 = arith.constant 0 : i32
      %dma_wait3A_76 = tpu.memref_slice %arg11[%dma_wait3A, %dma_wait3A_75] : memref<256x128xf32, #tpu.memory_space<vmem>> -> memref<128x128xf32, #tpu.memory_space<vmem>>
      %dma_wait3A_77 = arith.constant 0 : i32
      %dma_wait3A_78 = tpu.memref_slice %arg12[%add3A_15, %dma_wait3A_77] : memref<10240x128xf32, #tpu.memory_space<vmem_shared>> -> memref<128x128xf32, #tpu.memory_space<vmem_shared>>
      %dma_wait3A_79 = arith.constant 0 : i32
      %dma_wait3A_80 = tpu.memref_slice %arg12[%add3A_15, %dma_wait3A_79] : memref<10240x128xf32, #tpu.memory_space<vmem_shared>> -> memref<128x128xf32, #tpu.memory_space<vmem_shared>>
      %dma_wait3A_81 = arith.constant 0 : i32
      %dma_wait3A_82 = arith.constant 0 : i32
      %dma_wait3A_83 = tpu.memref_slice %arg11[%dma_wait3A_81, %dma_wait3A_82] : memref<256x128xf32, #tpu.memory_space<vmem>> -> memref<128x128xf32, #tpu.memory_space<vmem>>
      tpu.wait_dma2 semaphore(%run_scoped3A_64 : memref<!tpu.dma_semaphore, #tpu.memory_space<semaphore_mem>>) src(%dma_wait3A_83 : memref<128x128xf32, #tpu.memory_space<vmem>>) dst(%dma_wait3A_80 : memref<128x128xf32, #tpu.memory_space<vmem_shared>>)
      tpu.yield
    }) : () -> ()
    %add3A_16 = arith.constant 384 : i32
    %add3A_17 = arith.addi %mul3A_9, %add3A_16 : i32
    "tpu.region"() ({
      %run_scoped3A_64 = tpu.sem_alloc : memref<!tpu.dma_semaphore, #tpu.memory_space<semaphore_mem>>
      %dma_start3A_65 = arith.constant 0 : i32
      %dma_start3A_66 = arith.constant 0 : i32
      %dma_start3A_67 = tpu.memref_slice %arg11[%dma_start3A_65, %dma_start3A_66] : memref<256x128xf32, #tpu.memory_space<vmem>> -> memref<128x128xf32, #tpu.memory_space<vmem>>
      %dma_start3A_68 = arith.constant 0 : i32
      %dma_start3A_69 = tpu.memref_slice %arg12[%add3A_17, %dma_start3A_68] : memref<10240x128xf32, #tpu.memory_space<vmem_shared>> -> memref<128x128xf32, #tpu.memory_space<vmem_shared>>
      %dma_start3A_70 = arith.constant 0 : i32
      %dma_start3A_71 = tpu.memref_slice %arg12[%add3A_17, %dma_start3A_70] : memref<10240x128xf32, #tpu.memory_space<vmem_shared>> -> memref<128x128xf32, #tpu.memory_space<vmem_shared>>
      %dma_start3A_72 = arith.constant 0 : i32
      %dma_start3A_73 = arith.constant 0 : i32
      %dma_start3A_74 = tpu.memref_slice %arg11[%dma_start3A_72, %dma_start3A_73] : memref<256x128xf32, #tpu.memory_space<vmem>> -> memref<128x128xf32, #tpu.memory_space<vmem>>
      tpu.enqueue_dma source(%dma_start3A_74 : memref<128x128xf32, #tpu.memory_space<vmem>>) target(%dma_start3A_71 : memref<128x128xf32, #tpu.memory_space<vmem_shared>>) target_semaphore(%run_scoped3A_64 : memref<!tpu.dma_semaphore, #tpu.memory_space<semaphore_mem>>)
      %dma_wait3A = arith.constant 0 : i32
      %dma_wait3A_75 = arith.constant 0 : i32
      %dma_wait3A_76 = tpu.memref_slice %arg11[%dma_wait3A, %dma_wait3A_75] : memref<256x128xf32, #tpu.memory_space<vmem>> -> memref<128x128xf32, #tpu.memory_space<vmem>>
      %dma_wait3A_77 = arith.constant 0 : i32
      %dma_wait3A_78 = tpu.memref_slice %arg12[%add3A_17, %dma_wait3A_77] : memref<10240x128xf32, #tpu.memory_space<vmem_shared>> -> memref<128x128xf32, #tpu.memory_space<vmem_shared>>
      %dma_wait3A_79 = arith.constant 0 : i32
      %dma_wait3A_80 = tpu.memref_slice %arg12[%add3A_17, %dma_wait3A_79] : memref<10240x128xf32, #tpu.memory_space<vmem_shared>> -> memref<128x128xf32, #tpu.memory_space<vmem_shared>>
      %dma_wait3A_81 = arith.constant 0 : i32
      %dma_wait3A_82 = arith.constant 0 : i32
      %dma_wait3A_83 = tpu.memref_slice %arg11[%dma_wait3A_81, %dma_wait3A_82] : memref<256x128xf32, #tpu.memory_space<vmem>> -> memref<128x128xf32, #tpu.memory_space<vmem>>
      tpu.wait_dma2 semaphore(%run_scoped3A_64 : memref<!tpu.dma_semaphore, #tpu.memory_space<semaphore_mem>>) src(%dma_wait3A_83 : memref<128x128xf32, #tpu.memory_space<vmem>>) dst(%dma_wait3A_80 : memref<128x128xf32, #tpu.memory_space<vmem_shared>>)
      tpu.yield
    }) : () -> ()
    %add3A_18 = arith.constant 512 : i32
    %add3A_19 = arith.addi %mul3A_9, %add3A_18 : i32
    "tpu.region"() ({
      %run_scoped3A_64 = tpu.sem_alloc : memref<!tpu.dma_semaphore, #tpu.memory_space<semaphore_mem>>
      %dma_start3A_65 = arith.constant 0 : i32
      %dma_start3A_66 = arith.constant 0 : i32
      %dma_start3A_67 = tpu.memref_slice %arg11[%dma_start3A_65, %dma_start3A_66] : memref<256x128xf32, #tpu.memory_space<vmem>> -> memref<128x128xf32, #tpu.memory_space<vmem>>
      %dma_start3A_68 = arith.constant 0 : i32
      %dma_start3A_69 = tpu.memref_slice %arg12[%add3A_19, %dma_start3A_68] : memref<10240x128xf32, #tpu.memory_space<vmem_shared>> -> memref<128x128xf32, #tpu.memory_space<vmem_shared>>
      %dma_start3A_70 = arith.constant 0 : i32
      %dma_start3A_71 = tpu.memref_slice %arg12[%add3A_19, %dma_start3A_70] : memref<10240x128xf32, #tpu.memory_space<vmem_shared>> -> memref<128x128xf32, #tpu.memory_space<vmem_shared>>
      %dma_start3A_72 = arith.constant 0 : i32
      %dma_start3A_73 = arith.constant 0 : i32
      %dma_start3A_74 = tpu.memref_slice %arg11[%dma_start3A_72, %dma_start3A_73] : memref<256x128xf32, #tpu.memory_space<vmem>> -> memref<128x128xf32, #tpu.memory_space<vmem>>
      tpu.enqueue_dma source(%dma_start3A_74 : memref<128x128xf32, #tpu.memory_space<vmem>>) target(%dma_start3A_71 : memref<128x128xf32, #tpu.memory_space<vmem_shared>>) target_semaphore(%run_scoped3A_64 : memref<!tpu.dma_semaphore, #tpu.memory_space<semaphore_mem>>)
      %dma_wait3A = arith.constant 0 : i32
      %dma_wait3A_75 = arith.constant 0 : i32
      %dma_wait3A_76 = tpu.memref_slice %arg11[%dma_wait3A, %dma_wait3A_75] : memref<256x128xf32, #tpu.memory_space<vmem>> -> memref<128x128xf32, #tpu.memory_space<vmem>>
      %dma_wait3A_77 = arith.constant 0 : i32
      %dma_wait3A_78 = tpu.memref_slice %arg12[%add3A_19, %dma_wait3A_77] : memref<10240x128xf32, #tpu.memory_space<vmem_shared>> -> memref<128x128xf32, #tpu.memory_space<vmem_shared>>
      %dma_wait3A_79 = arith.constant 0 : i32
      %dma_wait3A_80 = tpu.memref_slice %arg12[%add3A_19, %dma_wait3A_79] : memref<10240x128xf32, #tpu.memory_space<vmem_shared>> -> memref<128x128xf32, #tpu.memory_space<vmem_shared>>
      %dma_wait3A_81 = arith.constant 0 : i32
      %dma_wait3A_82 = arith.constant 0 : i32
      %dma_wait3A_83 = tpu.memref_slice %arg11[%dma_wait3A_81, %dma_wait3A_82] : memref<256x128xf32, #tpu.memory_space<vmem>> -> memref<128x128xf32, #tpu.memory_space<vmem>>
      tpu.wait_dma2 semaphore(%run_scoped3A_64 : memref<!tpu.dma_semaphore, #tpu.memory_space<semaphore_mem>>) src(%dma_wait3A_83 : memref<128x128xf32, #tpu.memory_space<vmem>>) dst(%dma_wait3A_80 : memref<128x128xf32, #tpu.memory_space<vmem_shared>>)
      tpu.yield
    }) : () -> ()
    %barrier3A = arith.constant 0 : index
    tpu.barrier barrier_id(%barrier3A)
    %run_scoped3A = arith.constant 0 : i32
    "tpu.region"() ({
      %run_scoped3A_64 = tpu.sem_alloc : memref<!tpu.dma_semaphore, #tpu.memory_space<semaphore_mem>>
      %dma_start3A_65 = arith.constant 0 : i32
      %dma_start3A_66 = tpu.memref_slice %arg3[%add3A, %run_scoped3A, %dma_start3A_65] : memref<32x160x64xi32, #tpu.memory_space<hbm>> -> memref<1x1x64xi32, #tpu.memory_space<hbm>>
      %dma_start3A_67 = tpu.memref_squeeze %dma_start3A_66 : memref<1x1x64xi32, #tpu.memory_space<hbm>> -> memref<64xi32, #tpu.memory_space<hbm>>
      %dma_start3A_68 = arith.constant 0 : i32
      %dma_start3A_69 = tpu.memref_slice %arg3[%add3A, %run_scoped3A, %dma_start3A_68] : memref<32x160x64xi32, #tpu.memory_space<hbm>> -> memref<1x1x64xi32, #tpu.memory_space<hbm>>
      %dma_start3A_70 = tpu.memref_squeeze %dma_start3A_69 : memref<1x1x64xi32, #tpu.memory_space<hbm>> -> memref<64xi32, #tpu.memory_space<hbm>>
      tpu.enqueue_dma source(%dma_start3A_70 : memref<64xi32, #tpu.memory_space<hbm>>) target(%arg6 : memref<64xi32, #tpu.memory_space<vmem>>) target_semaphore(%run_scoped3A_64 : memref<!tpu.dma_semaphore, #tpu.memory_space<semaphore_mem>>)
      %dma_wait3A = arith.constant 0 : i32
      %dma_wait3A_71 = tpu.memref_slice %arg3[%add3A, %run_scoped3A, %dma_wait3A] : memref<32x160x64xi32, #tpu.memory_space<hbm>> -> memref<1x1x64xi32, #tpu.memory_space<hbm>>
      %dma_wait3A_72 = tpu.memref_squeeze %dma_wait3A_71 : memref<1x1x64xi32, #tpu.memory_space<hbm>> -> memref<64xi32, #tpu.memory_space<hbm>>
      %dma_wait3A_73 = arith.constant 0 : i32
      %dma_wait3A_74 = tpu.memref_slice %arg3[%add3A, %run_scoped3A, %dma_wait3A_73] : memref<32x160x64xi32, #tpu.memory_space<hbm>> -> memref<1x1x64xi32, #tpu.memory_space<hbm>>
      %dma_wait3A_75 = tpu.memref_squeeze %dma_wait3A_74 : memref<1x1x64xi32, #tpu.memory_space<hbm>> -> memref<64xi32, #tpu.memory_space<hbm>>
      tpu.wait_dma2 semaphore(%run_scoped3A_64 : memref<!tpu.dma_semaphore, #tpu.memory_space<semaphore_mem>>) src(%dma_wait3A_75 : memref<64xi32, #tpu.memory_space<hbm>>) dst(%arg6 : memref<64xi32, #tpu.memory_space<vmem>>)
      tpu.yield
    }) : () -> ()
    %dma_start3A = arith.constant 0 : i32
    %dma_start3A_20 = arith.constant 0 : i32
    %dma_start3A_21 = tpu.memref_slice %arg11[%dma_start3A, %dma_start3A_20] : memref<256x128xf32, #tpu.memory_space<vmem>> -> memref<64x128xf32, #tpu.memory_space<vmem>>
    %dma_start3A_22 = arith.constant 0 : i32
    %dma_start3A_23 = arith.constant 0 : i32
    %dma_start3A_24 = tpu.memref_slice %arg2[%dma_start3A_22, %dma_start3A_23] : memref<10240x128xf32, #tpu.memory_space<hbm>> -> memref<10240x128xf32, #tpu.memory_space<hbm>>
    tpu.enqueue_indirect_dma source(%dma_start3A_24 : memref<10240x128xf32, #tpu.memory_space<hbm>>) target(%dma_start3A_21 : memref<64x128xf32, #tpu.memory_space<vmem>>) offsets(%arg6 : memref<64xi32, #tpu.memory_space<vmem>>) semaphore(%arg13 : memref<!tpu.dma_semaphore, #tpu.memory_space<semaphore_mem>>)
    %run_scoped3A_25 = arith.constant 1 : i32
    "tpu.region"() ({
      %run_scoped3A_64 = tpu.sem_alloc : memref<!tpu.dma_semaphore, #tpu.memory_space<semaphore_mem>>
      %dma_start3A_65 = arith.constant 0 : i32
      %dma_start3A_66 = tpu.memref_slice %arg3[%add3A, %run_scoped3A_25, %dma_start3A_65] : memref<32x160x64xi32, #tpu.memory_space<hbm>> -> memref<1x1x64xi32, #tpu.memory_space<hbm>>
      %dma_start3A_67 = tpu.memref_squeeze %dma_start3A_66 : memref<1x1x64xi32, #tpu.memory_space<hbm>> -> memref<64xi32, #tpu.memory_space<hbm>>
      %dma_start3A_68 = arith.constant 0 : i32
      %dma_start3A_69 = tpu.memref_slice %arg3[%add3A, %run_scoped3A_25, %dma_start3A_68] : memref<32x160x64xi32, #tpu.memory_space<hbm>> -> memref<1x1x64xi32, #tpu.memory_space<hbm>>
      %dma_start3A_70 = tpu.memref_squeeze %dma_start3A_69 : memref<1x1x64xi32, #tpu.memory_space<hbm>> -> memref<64xi32, #tpu.memory_space<hbm>>
      tpu.enqueue_dma source(%dma_start3A_70 : memref<64xi32, #tpu.memory_space<hbm>>) target(%arg7 : memref<64xi32, #tpu.memory_space<vmem>>) target_semaphore(%run_scoped3A_64 : memref<!tpu.dma_semaphore, #tpu.memory_space<semaphore_mem>>)
      %dma_wait3A = arith.constant 0 : i32
      %dma_wait3A_71 = tpu.memref_slice %arg3[%add3A, %run_scoped3A_25, %dma_wait3A] : memref<32x160x64xi32, #tpu.memory_space<hbm>> -> memref<1x1x64xi32, #tpu.memory_space<hbm>>
      %dma_wait3A_72 = tpu.memref_squeeze %dma_wait3A_71 : memref<1x1x64xi32, #tpu.memory_space<hbm>> -> memref<64xi32, #tpu.memory_space<hbm>>
      %dma_wait3A_73 = arith.constant 0 : i32
      %dma_wait3A_74 = tpu.memref_slice %arg3[%add3A, %run_scoped3A_25, %dma_wait3A_73] : memref<32x160x64xi32, #tpu.memory_space<hbm>> -> memref<1x1x64xi32, #tpu.memory_space<hbm>>
      %dma_wait3A_75 = tpu.memref_squeeze %dma_wait3A_74 : memref<1x1x64xi32, #tpu.memory_space<hbm>> -> memref<64xi32, #tpu.memory_space<hbm>>
      tpu.wait_dma2 semaphore(%run_scoped3A_64 : memref<!tpu.dma_semaphore, #tpu.memory_space<semaphore_mem>>) src(%dma_wait3A_75 : memref<64xi32, #tpu.memory_space<hbm>>) dst(%arg7 : memref<64xi32, #tpu.memory_space<vmem>>)
      tpu.yield
    }) : () -> ()
    %dma_start3A_26 = arith.constant 64 : i32
    %dma_start3A_27 = arith.constant 0 : i32
    %dma_start3A_28 = tpu.memref_slice %arg11[%dma_start3A_26, %dma_start3A_27] : memref<256x128xf32, #tpu.memory_space<vmem>> -> memref<64x128xf32, #tpu.memory_space<vmem>>
    %dma_start3A_29 = arith.constant 0 : i32
    %dma_start3A_30 = arith.constant 0 : i32
    %dma_start3A_31 = tpu.memref_slice %arg2[%dma_start3A_29, %dma_start3A_30] : memref<10240x128xf32, #tpu.memory_space<hbm>> -> memref<10240x128xf32, #tpu.memory_space<hbm>>
    tpu.enqueue_indirect_dma source(%dma_start3A_31 : memref<10240x128xf32, #tpu.memory_space<hbm>>) target(%dma_start3A_28 : memref<64x128xf32, #tpu.memory_space<vmem>>) offsets(%arg7 : memref<64xi32, #tpu.memory_space<vmem>>) semaphore(%arg14 : memref<!tpu.dma_semaphore, #tpu.memory_space<semaphore_mem>>)
    %run_scoped3A_32 = arith.constant 2 : i32
    "tpu.region"() ({
      %run_scoped3A_64 = tpu.sem_alloc : memref<!tpu.dma_semaphore, #tpu.memory_space<semaphore_mem>>
      %dma_start3A_65 = arith.constant 0 : i32
      %dma_start3A_66 = tpu.memref_slice %arg3[%add3A, %run_scoped3A_32, %dma_start3A_65] : memref<32x160x64xi32, #tpu.memory_space<hbm>> -> memref<1x1x64xi32, #tpu.memory_space<hbm>>
      %dma_start3A_67 = tpu.memref_squeeze %dma_start3A_66 : memref<1x1x64xi32, #tpu.memory_space<hbm>> -> memref<64xi32, #tpu.memory_space<hbm>>
      %dma_start3A_68 = arith.constant 0 : i32
      %dma_start3A_69 = tpu.memref_slice %arg3[%add3A, %run_scoped3A_32, %dma_start3A_68] : memref<32x160x64xi32, #tpu.memory_space<hbm>> -> memref<1x1x64xi32, #tpu.memory_space<hbm>>
      %dma_start3A_70 = tpu.memref_squeeze %dma_start3A_69 : memref<1x1x64xi32, #tpu.memory_space<hbm>> -> memref<64xi32, #tpu.memory_space<hbm>>
      tpu.enqueue_dma source(%dma_start3A_70 : memref<64xi32, #tpu.memory_space<hbm>>) target(%arg8 : memref<64xi32, #tpu.memory_space<vmem>>) target_semaphore(%run_scoped3A_64 : memref<!tpu.dma_semaphore, #tpu.memory_space<semaphore_mem>>)
      %dma_wait3A = arith.constant 0 : i32
      %dma_wait3A_71 = tpu.memref_slice %arg3[%add3A, %run_scoped3A_32, %dma_wait3A] : memref<32x160x64xi32, #tpu.memory_space<hbm>> -> memref<1x1x64xi32, #tpu.memory_space<hbm>>
      %dma_wait3A_72 = tpu.memref_squeeze %dma_wait3A_71 : memref<1x1x64xi32, #tpu.memory_space<hbm>> -> memref<64xi32, #tpu.memory_space<hbm>>
      %dma_wait3A_73 = arith.constant 0 : i32
      %dma_wait3A_74 = tpu.memref_slice %arg3[%add3A, %run_scoped3A_32, %dma_wait3A_73] : memref<32x160x64xi32, #tpu.memory_space<hbm>> -> memref<1x1x64xi32, #tpu.memory_space<hbm>>
      %dma_wait3A_75 = tpu.memref_squeeze %dma_wait3A_74 : memref<1x1x64xi32, #tpu.memory_space<hbm>> -> memref<64xi32, #tpu.memory_space<hbm>>
      tpu.wait_dma2 semaphore(%run_scoped3A_64 : memref<!tpu.dma_semaphore, #tpu.memory_space<semaphore_mem>>) src(%dma_wait3A_75 : memref<64xi32, #tpu.memory_space<hbm>>) dst(%arg8 : memref<64xi32, #tpu.memory_space<vmem>>)
      tpu.yield
    }) : () -> ()
    %dma_start3A_33 = arith.constant 128 : i32
    %dma_start3A_34 = arith.constant 0 : i32
    %dma_start3A_35 = tpu.memref_slice %arg11[%dma_start3A_33, %dma_start3A_34] : memref<256x128xf32, #tpu.memory_space<vmem>> -> memref<64x128xf32, #tpu.memory_space<vmem>>
    %dma_start3A_36 = arith.constant 0 : i32
    %dma_start3A_37 = arith.constant 0 : i32
    %dma_start3A_38 = tpu.memref_slice %arg2[%dma_start3A_36, %dma_start3A_37] : memref<10240x128xf32, #tpu.memory_space<hbm>> -> memref<10240x128xf32, #tpu.memory_space<hbm>>
    tpu.enqueue_indirect_dma source(%dma_start3A_38 : memref<10240x128xf32, #tpu.memory_space<hbm>>) target(%dma_start3A_35 : memref<64x128xf32, #tpu.memory_space<vmem>>) offsets(%arg8 : memref<64xi32, #tpu.memory_space<vmem>>) semaphore(%arg15 : memref<!tpu.dma_semaphore, #tpu.memory_space<semaphore_mem>>)
    %run_scoped3A_39 = arith.constant 3 : i32
    "tpu.region"() ({
      %run_scoped3A_64 = tpu.sem_alloc : memref<!tpu.dma_semaphore, #tpu.memory_space<semaphore_mem>>
      %dma_start3A_65 = arith.constant 0 : i32
      %dma_start3A_66 = tpu.memref_slice %arg3[%add3A, %run_scoped3A_39, %dma_start3A_65] : memref<32x160x64xi32, #tpu.memory_space<hbm>> -> memref<1x1x64xi32, #tpu.memory_space<hbm>>
      %dma_start3A_67 = tpu.memref_squeeze %dma_start3A_66 : memref<1x1x64xi32, #tpu.memory_space<hbm>> -> memref<64xi32, #tpu.memory_space<hbm>>
      %dma_start3A_68 = arith.constant 0 : i32
      %dma_start3A_69 = tpu.memref_slice %arg3[%add3A, %run_scoped3A_39, %dma_start3A_68] : memref<32x160x64xi32, #tpu.memory_space<hbm>> -> memref<1x1x64xi32, #tpu.memory_space<hbm>>
      %dma_start3A_70 = tpu.memref_squeeze %dma_start3A_69 : memref<1x1x64xi32, #tpu.memory_space<hbm>> -> memref<64xi32, #tpu.memory_space<hbm>>
      tpu.enqueue_dma source(%dma_start3A_70 : memref<64xi32, #tpu.memory_space<hbm>>) target(%arg9 : memref<64xi32, #tpu.memory_space<vmem>>) target_semaphore(%run_scoped3A_64 : memref<!tpu.dma_semaphore, #tpu.memory_space<semaphore_mem>>)
      %dma_wait3A = arith.constant 0 : i32
      %dma_wait3A_71 = tpu.memref_slice %arg3[%add3A, %run_scoped3A_39, %dma_wait3A] : memref<32x160x64xi32, #tpu.memory_space<hbm>> -> memref<1x1x64xi32, #tpu.memory_space<hbm>>
      %dma_wait3A_72 = tpu.memref_squeeze %dma_wait3A_71 : memref<1x1x64xi32, #tpu.memory_space<hbm>> -> memref<64xi32, #tpu.memory_space<hbm>>
      %dma_wait3A_73 = arith.constant 0 : i32
      %dma_wait3A_74 = tpu.memref_slice %arg3[%add3A, %run_scoped3A_39, %dma_wait3A_73] : memref<32x160x64xi32, #tpu.memory_space<hbm>> -> memref<1x1x64xi32, #tpu.memory_space<hbm>>
      %dma_wait3A_75 = tpu.memref_squeeze %dma_wait3A_74 : memref<1x1x64xi32, #tpu.memory_space<hbm>> -> memref<64xi32, #tpu.memory_space<hbm>>
      tpu.wait_dma2 semaphore(%run_scoped3A_64 : memref<!tpu.dma_semaphore, #tpu.memory_space<semaphore_mem>>) src(%dma_wait3A_75 : memref<64xi32, #tpu.memory_space<hbm>>) dst(%arg9 : memref<64xi32, #tpu.memory_space<vmem>>)
      tpu.yield
    }) : () -> ()
    %dma_start3A_40 = arith.constant 192 : i32
    %dma_start3A_41 = arith.constant 0 : i32
    %dma_start3A_42 = tpu.memref_slice %arg11[%dma_start3A_40, %dma_start3A_41] : memref<256x128xf32, #tpu.memory_space<vmem>> -> memref<64x128xf32, #tpu.memory_space<vmem>>
    %dma_start3A_43 = arith.constant 0 : i32
    %dma_start3A_44 = arith.constant 0 : i32
    %dma_start3A_45 = tpu.memref_slice %arg2[%dma_start3A_43, %dma_start3A_44] : memref<10240x128xf32, #tpu.memory_space<hbm>> -> memref<10240x128xf32, #tpu.memory_space<hbm>>
    tpu.enqueue_indirect_dma source(%dma_start3A_45 : memref<10240x128xf32, #tpu.memory_space<hbm>>) target(%dma_start3A_42 : memref<64x128xf32, #tpu.memory_space<vmem>>) offsets(%arg9 : memref<64xi32, #tpu.memory_space<vmem>>) semaphore(%arg16 : memref<!tpu.dma_semaphore, #tpu.memory_space<semaphore_mem>>)
    %scan3A_46 = arith.constant 0 : i32
    %scan3A_47 = arith.constant 0 : i32
    %scan3A_48 = arith.constant 40 : i32
    %scan3A_49 = arith.addi %scan3A_47, %scan3A_48 : i32
    %scan3A_50 = arith.constant 1 : i32
    %scan3A_51 = scf.for %scan3A_64 = %scan3A_47 to %scan3A_49 step %scan3A_50 iter_args(%scan3A_65 = %scan3A_46) -> (i32)  : i32 {
      %mul3A_66 = arith.constant 2 : i32
      %mul3A_67 = arith.muli %mul3A_66, %scan3A_64 : i32
      %dma_wait3A = arith.constant 0 : i32
      %dma_wait3A_68 = arith.constant 0 : i32
      %dma_wait3A_69 = tpu.memref_slice %arg11[%dma_wait3A, %dma_wait3A_68] : memref<256x128xf32, #tpu.memory_space<vmem>> -> memref<64x128xf32, #tpu.memory_space<vmem>>
      %dma_wait3A_70 = arith.constant 0 : i32
      %dma_wait3A_71 = arith.constant 0 : i32
      %dma_wait3A_72 = tpu.memref_slice %arg2[%dma_wait3A_70, %dma_wait3A_71] : memref<10240x128xf32, #tpu.memory_space<hbm>> -> memref<10240x128xf32, #tpu.memory_space<hbm>>
      tpu.wait_indirect_dma semaphore(%arg13 : memref<!tpu.dma_semaphore, #tpu.memory_space<semaphore_mem>>) src(%dma_wait3A_72 : memref<10240x128xf32, #tpu.memory_space<hbm>>) dst(%dma_wait3A_69 : memref<64x128xf32, #tpu.memory_space<vmem>>)
      %dma_wait3A_73 = arith.constant 64 : i32
      %dma_wait3A_74 = arith.constant 0 : i32
      %dma_wait3A_75 = tpu.memref_slice %arg11[%dma_wait3A_73, %dma_wait3A_74] : memref<256x128xf32, #tpu.memory_space<vmem>> -> memref<64x128xf32, #tpu.memory_space<vmem>>
      %dma_wait3A_76 = arith.constant 0 : i32
      %dma_wait3A_77 = arith.constant 0 : i32
      %dma_wait3A_78 = tpu.memref_slice %arg2[%dma_wait3A_76, %dma_wait3A_77] : memref<10240x128xf32, #tpu.memory_space<hbm>> -> memref<10240x128xf32, #tpu.memory_space<hbm>>
      tpu.wait_indirect_dma semaphore(%arg14 : memref<!tpu.dma_semaphore, #tpu.memory_space<semaphore_mem>>) src(%dma_wait3A_78 : memref<10240x128xf32, #tpu.memory_space<hbm>>) dst(%dma_wait3A_75 : memref<64x128xf32, #tpu.memory_space<vmem>>)
      %add3A_79 = arith.constant 0 : i32
      %add3A_80 = arith.addi %mul3A_67, %add3A_79 : i32
      "tpu.region"() ({
        %run_scoped3A_122 = tpu.sem_alloc : memref<!tpu.dma_semaphore, #tpu.memory_space<semaphore_mem>>
        %dma_start3A_123 = arith.constant 0 : i32
        %dma_start3A_124 = arith.constant 0 : i32
        %dma_start3A_125 = tpu.memref_slice %arg11[%dma_start3A_123, %dma_start3A_124] : memref<256x128xf32, #tpu.memory_space<vmem>> -> memref<128x128xf32, #tpu.memory_space<vmem>>
        %dma_start3A_126 = arith.constant 0 : i32
        %dma_start3A_127 = tpu.memref_slice %arg10[%add3A_80, %dma_start3A_126] : memref<80x128xi32, #tpu.memory_space<vmem>> -> memref<1x128xi32, #tpu.memory_space<vmem>>
        %dma_start3A_128 = tpu.memref_squeeze %dma_start3A_127 : memref<1x128xi32, #tpu.memory_space<vmem>> -> memref<128xi32, #tpu.memory_space<vmem>>
        %dma_start3A_129 = arith.constant 0 : i32
        %dma_start3A_130 = arith.constant 0 : i32
        %dma_start3A_131 = tpu.memref_slice %arg12[%dma_start3A_129, %dma_start3A_130] : memref<10240x128xf32, #tpu.memory_space<vmem_shared>> -> memref<10240x128xf32, #tpu.memory_space<vmem_shared>>
        tpu.enqueue_indirect_dma source(%dma_start3A_125 : memref<128x128xf32, #tpu.memory_space<vmem>>) target(%dma_start3A_131 : memref<10240x128xf32, #tpu.memory_space<vmem_shared>>) offsets(%dma_start3A_128 : memref<128xi32, #tpu.memory_space<vmem>>) semaphore(%run_scoped3A_122 : memref<!tpu.dma_semaphore, #tpu.memory_space<semaphore_mem>>) {add = true}
        %dma_wait3A_132 = arith.constant 0 : i32
        %dma_wait3A_133 = arith.constant 0 : i32
        %dma_wait3A_134 = tpu.memref_slice %arg11[%dma_wait3A_132, %dma_wait3A_133] : memref<256x128xf32, #tpu.memory_space<vmem>> -> memref<128x128xf32, #tpu.memory_space<vmem>>
        %dma_wait3A_135 = arith.constant 0 : i32
        %dma_wait3A_136 = tpu.memref_slice %arg10[%add3A_80, %dma_wait3A_135] : memref<80x128xi32, #tpu.memory_space<vmem>> -> memref<1x128xi32, #tpu.memory_space<vmem>>
        %dma_wait3A_137 = tpu.memref_squeeze %dma_wait3A_136 : memref<1x128xi32, #tpu.memory_space<vmem>> -> memref<128xi32, #tpu.memory_space<vmem>>
        %dma_wait3A_138 = arith.constant 0 : i32
        %dma_wait3A_139 = arith.constant 0 : i32
        %dma_wait3A_140 = tpu.memref_slice %arg12[%dma_wait3A_138, %dma_wait3A_139] : memref<10240x128xf32, #tpu.memory_space<vmem_shared>> -> memref<10240x128xf32, #tpu.memory_space<vmem_shared>>
        tpu.wait_indirect_dma semaphore(%run_scoped3A_122 : memref<!tpu.dma_semaphore, #tpu.memory_space<semaphore_mem>>) src(%dma_wait3A_134 : memref<128x128xf32, #tpu.memory_space<vmem>>) dst(%dma_wait3A_140 : memref<10240x128xf32, #tpu.memory_space<vmem_shared>>)
        tpu.yield
      }) : () -> ()
      %add3A_81 = arith.constant 0 : i32
      %add3A_82 = arith.addi %mul3A_67, %add3A_81 : i32
      %mul3A_83 = arith.constant 2 : i32
      %mul3A_84 = arith.muli %mul3A_83, %add3A_82 : i32
      %add3A_85 = arith.constant 4 : i32
      %add3A_86 = arith.addi %mul3A_84, %add3A_85 : i32
      %add3A_87 = arith.constant 2 : i32
      %add3A_88 = arith.addi %add3A_86, %add3A_87 : i32
      %sub3A = arith.constant 1 : i32
      %sub3A_89 = arith.subi %add3A_88, %sub3A : i32
      %lt3A = arith.constant 160 : i32
      %lt3A_90 = arith.cmpi slt, %sub3A_89, %lt3A : i32
      %convert_element_type3A = arith.extui %lt3A_90 : i1 to i32
      %cond3A = arith.constant 0 : i32
      %cond3A_91 = arith.cmpi ne, %convert_element_type3A, %cond3A : i32
      scf.if %cond3A_91 {
        %add3A_122 = arith.constant 0 : i32
        %add3A_123 = arith.addi %add3A_86, %add3A_122 : i32
        "tpu.region"() ({
          %run_scoped3A_138 = tpu.sem_alloc : memref<!tpu.dma_semaphore, #tpu.memory_space<semaphore_mem>>
          %dma_start3A_139 = arith.constant 0 : i32
          %dma_start3A_140 = tpu.memref_slice %arg3[%add3A, %add3A_123, %dma_start3A_139] : memref<32x160x64xi32, #tpu.memory_space<hbm>> -> memref<1x1x64xi32, #tpu.memory_space<hbm>>
          %dma_start3A_141 = tpu.memref_squeeze %dma_start3A_140 : memref<1x1x64xi32, #tpu.memory_space<hbm>> -> memref<64xi32, #tpu.memory_space<hbm>>
          %dma_start3A_142 = arith.constant 0 : i32
          %dma_start3A_143 = tpu.memref_slice %arg3[%add3A, %add3A_123, %dma_start3A_142] : memref<32x160x64xi32, #tpu.memory_space<hbm>> -> memref<1x1x64xi32, #tpu.memory_space<hbm>>
          %dma_start3A_144 = tpu.memref_squeeze %dma_start3A_143 : memref<1x1x64xi32, #tpu.memory_space<hbm>> -> memref<64xi32, #tpu.memory_space<hbm>>
          tpu.enqueue_dma source(%dma_start3A_144 : memref<64xi32, #tpu.memory_space<hbm>>) target(%arg6 : memref<64xi32, #tpu.memory_space<vmem>>) target_semaphore(%run_scoped3A_138 : memref<!tpu.dma_semaphore, #tpu.memory_space<semaphore_mem>>)
          %dma_wait3A_145 = arith.constant 0 : i32
          %dma_wait3A_146 = tpu.memref_slice %arg3[%add3A, %add3A_123, %dma_wait3A_145] : memref<32x160x64xi32, #tpu.memory_space<hbm>> -> memref<1x1x64xi32, #tpu.memory_space<hbm>>
          %dma_wait3A_147 = tpu.memref_squeeze %dma_wait3A_146 : memref<1x1x64xi32, #tpu.memory_space<hbm>> -> memref<64xi32, #tpu.memory_space<hbm>>
          %dma_wait3A_148 = arith.constant 0 : i32
          %dma_wait3A_149 = tpu.memref_slice %arg3[%add3A, %add3A_123, %dma_wait3A_148] : memref<32x160x64xi32, #tpu.memory_space<hbm>> -> memref<1x1x64xi32, #tpu.memory_space<hbm>>
          %dma_wait3A_150 = tpu.memref_squeeze %dma_wait3A_149 : memref<1x1x64xi32, #tpu.memory_space<hbm>> -> memref<64xi32, #tpu.memory_space<hbm>>
          tpu.wait_dma2 semaphore(%run_scoped3A_138 : memref<!tpu.dma_semaphore, #tpu.memory_space<semaphore_mem>>) src(%dma_wait3A_150 : memref<64xi32, #tpu.memory_space<hbm>>) dst(%arg6 : memref<64xi32, #tpu.memory_space<vmem>>)
          tpu.yield
        }) : () -> ()
        %dma_start3A_124 = arith.constant 0 : i32
        %dma_start3A_125 = arith.constant 0 : i32
        %dma_start3A_126 = tpu.memref_slice %arg11[%dma_start3A_124, %dma_start3A_125] : memref<256x128xf32, #tpu.memory_space<vmem>> -> memref<64x128xf32, #tpu.memory_space<vmem>>
        %dma_start3A_127 = arith.constant 0 : i32
        %dma_start3A_128 = arith.constant 0 : i32
        %dma_start3A_129 = tpu.memref_slice %arg2[%dma_start3A_127, %dma_start3A_128] : memref<10240x128xf32, #tpu.memory_space<hbm>> -> memref<10240x128xf32, #tpu.memory_space<hbm>>
        tpu.enqueue_indirect_dma source(%dma_start3A_129 : memref<10240x128xf32, #tpu.memory_space<hbm>>) target(%dma_start3A_126 : memref<64x128xf32, #tpu.memory_space<vmem>>) offsets(%arg6 : memref<64xi32, #tpu.memory_space<vmem>>) semaphore(%arg13 : memref<!tpu.dma_semaphore, #tpu.memory_space<semaphore_mem>>)
        %add3A_130 = arith.constant 1 : i32
        %add3A_131 = arith.addi %add3A_86, %add3A_130 : i32
        "tpu.region"() ({
          %run_scoped3A_138 = tpu.sem_alloc : memref<!tpu.dma_semaphore, #tpu.memory_space<semaphore_mem>>
          %dma_start3A_139 = arith.constant 0 : i32
          %dma_start3A_140 = tpu.memref_slice %arg3[%add3A, %add3A_131, %dma_start3A_139] : memref<32x160x64xi32, #tpu.memory_space<hbm>> -> memref<1x1x64xi32, #tpu.memory_space<hbm>>
          %dma_start3A_141 = tpu.memref_squeeze %dma_start3A_140 : memref<1x1x64xi32, #tpu.memory_space<hbm>> -> memref<64xi32, #tpu.memory_space<hbm>>
          %dma_start3A_142 = arith.constant 0 : i32
          %dma_start3A_143 = tpu.memref_slice %arg3[%add3A, %add3A_131, %dma_start3A_142] : memref<32x160x64xi32, #tpu.memory_space<hbm>> -> memref<1x1x64xi32, #tpu.memory_space<hbm>>
          %dma_start3A_144 = tpu.memref_squeeze %dma_start3A_143 : memref<1x1x64xi32, #tpu.memory_space<hbm>> -> memref<64xi32, #tpu.memory_space<hbm>>
          tpu.enqueue_dma source(%dma_start3A_144 : memref<64xi32, #tpu.memory_space<hbm>>) target(%arg7 : memref<64xi32, #tpu.memory_space<vmem>>) target_semaphore(%run_scoped3A_138 : memref<!tpu.dma_semaphore, #tpu.memory_space<semaphore_mem>>)
          %dma_wait3A_145 = arith.constant 0 : i32
          %dma_wait3A_146 = tpu.memref_slice %arg3[%add3A, %add3A_131, %dma_wait3A_145] : memref<32x160x64xi32, #tpu.memory_space<hbm>> -> memref<1x1x64xi32, #tpu.memory_space<hbm>>
          %dma_wait3A_147 = tpu.memref_squeeze %dma_wait3A_146 : memref<1x1x64xi32, #tpu.memory_space<hbm>> -> memref<64xi32, #tpu.memory_space<hbm>>
          %dma_wait3A_148 = arith.constant 0 : i32
          %dma_wait3A_149 = tpu.memref_slice %arg3[%add3A, %add3A_131, %dma_wait3A_148] : memref<32x160x64xi32, #tpu.memory_space<hbm>> -> memref<1x1x64xi32, #tpu.memory_space<hbm>>
          %dma_wait3A_150 = tpu.memref_squeeze %dma_wait3A_149 : memref<1x1x64xi32, #tpu.memory_space<hbm>> -> memref<64xi32, #tpu.memory_space<hbm>>
          tpu.wait_dma2 semaphore(%run_scoped3A_138 : memref<!tpu.dma_semaphore, #tpu.memory_space<semaphore_mem>>) src(%dma_wait3A_150 : memref<64xi32, #tpu.memory_space<hbm>>) dst(%arg7 : memref<64xi32, #tpu.memory_space<vmem>>)
          tpu.yield
        }) : () -> ()
        %dma_start3A_132 = arith.constant 64 : i32
        %dma_start3A_133 = arith.constant 0 : i32
        %dma_start3A_134 = tpu.memref_slice %arg11[%dma_start3A_132, %dma_start3A_133] : memref<256x128xf32, #tpu.memory_space<vmem>> -> memref<64x128xf32, #tpu.memory_space<vmem>>
        %dma_start3A_135 = arith.constant 0 : i32
        %dma_start3A_136 = arith.constant 0 : i32
        %dma_start3A_137 = tpu.memref_slice %arg2[%dma_start3A_135, %dma_start3A_136] : memref<10240x128xf32, #tpu.memory_space<hbm>> -> memref<10240x128xf32, #tpu.memory_space<hbm>>
        tpu.enqueue_indirect_dma source(%dma_start3A_137 : memref<10240x128xf32, #tpu.memory_space<hbm>>) target(%dma_start3A_134 : memref<64x128xf32, #tpu.memory_space<vmem>>) offsets(%arg7 : memref<64xi32, #tpu.memory_space<vmem>>) semaphore(%arg14 : memref<!tpu.dma_semaphore, #tpu.memory_space<semaphore_mem>>)
      } else {
      }
      %dma_wait3A_92 = arith.constant 128 : i32
      %dma_wait3A_93 = arith.constant 0 : i32
      %dma_wait3A_94 = tpu.memref_slice %arg11[%dma_wait3A_92, %dma_wait3A_93] : memref<256x128xf32, #tpu.memory_space<vmem>> -> memref<64x128xf32, #tpu.memory_space<vmem>>
      %dma_wait3A_95 = arith.constant 0 : i32
      %dma_wait3A_96 = arith.constant 0 : i32
      %dma_wait3A_97 = tpu.memref_slice %arg2[%dma_wait3A_95, %dma_wait3A_96] : memref<10240x128xf32, #tpu.memory_space<hbm>> -> memref<10240x128xf32, #tpu.memory_space<hbm>>
      tpu.wait_indirect_dma semaphore(%arg15 : memref<!tpu.dma_semaphore, #tpu.memory_space<semaphore_mem>>) src(%dma_wait3A_97 : memref<10240x128xf32, #tpu.memory_space<hbm>>) dst(%dma_wait3A_94 : memref<64x128xf32, #tpu.memory_space<vmem>>)
      %dma_wait3A_98 = arith.constant 192 : i32
      %dma_wait3A_99 = arith.constant 0 : i32
      %dma_wait3A_100 = tpu.memref_slice %arg11[%dma_wait3A_98, %dma_wait3A_99] : memref<256x128xf32, #tpu.memory_space<vmem>> -> memref<64x128xf32, #tpu.memory_space<vmem>>
      %dma_wait3A_101 = arith.constant 0 : i32
      %dma_wait3A_102 = arith.constant 0 : i32
      %dma_wait3A_103 = tpu.memref_slice %arg2[%dma_wait3A_101, %dma_wait3A_102] : memref<10240x128xf32, #tpu.memory_space<hbm>> -> memref<10240x128xf32, #tpu.memory_space<hbm>>
      tpu.wait_indirect_dma semaphore(%arg16 : memref<!tpu.dma_semaphore, #tpu.memory_space<semaphore_mem>>) src(%dma_wait3A_103 : memref<10240x128xf32, #tpu.memory_space<hbm>>) dst(%dma_wait3A_100 : memref<64x128xf32, #tpu.memory_space<vmem>>)
      %add3A_104 = arith.constant 1 : i32
      %add3A_105 = arith.addi %mul3A_67, %add3A_104 : i32
      "tpu.region"() ({
        %run_scoped3A_122 = tpu.sem_alloc : memref<!tpu.dma_semaphore, #tpu.memory_space<semaphore_mem>>
        %dma_start3A_123 = arith.constant 128 : i32
        %dma_start3A_124 = arith.constant 0 : i32
        %dma_start3A_125 = tpu.memref_slice %arg11[%dma_start3A_123, %dma_start3A_124] : memref<256x128xf32, #tpu.memory_space<vmem>> -> memref<128x128xf32, #tpu.memory_space<vmem>>
        %dma_start3A_126 = arith.constant 0 : i32
        %dma_start3A_127 = tpu.memref_slice %arg10[%add3A_105, %dma_start3A_126] : memref<80x128xi32, #tpu.memory_space<vmem>> -> memref<1x128xi32, #tpu.memory_space<vmem>>
        %dma_start3A_128 = tpu.memref_squeeze %dma_start3A_127 : memref<1x128xi32, #tpu.memory_space<vmem>> -> memref<128xi32, #tpu.memory_space<vmem>>
        %dma_start3A_129 = arith.constant 0 : i32
        %dma_start3A_130 = arith.constant 0 : i32
        %dma_start3A_131 = tpu.memref_slice %arg12[%dma_start3A_129, %dma_start3A_130] : memref<10240x128xf32, #tpu.memory_space<vmem_shared>> -> memref<10240x128xf32, #tpu.memory_space<vmem_shared>>
        tpu.enqueue_indirect_dma source(%dma_start3A_125 : memref<128x128xf32, #tpu.memory_space<vmem>>) target(%dma_start3A_131 : memref<10240x128xf32, #tpu.memory_space<vmem_shared>>) offsets(%dma_start3A_128 : memref<128xi32, #tpu.memory_space<vmem>>) semaphore(%run_scoped3A_122 : memref<!tpu.dma_semaphore, #tpu.memory_space<semaphore_mem>>) {add = true}
        %dma_wait3A_132 = arith.constant 128 : i32
        %dma_wait3A_133 = arith.constant 0 : i32
        %dma_wait3A_134 = tpu.memref_slice %arg11[%dma_wait3A_132, %dma_wait3A_133] : memref<256x128xf32, #tpu.memory_space<vmem>> -> memref<128x128xf32, #tpu.memory_space<vmem>>
        %dma_wait3A_135 = arith.constant 0 : i32
        %dma_wait3A_136 = tpu.memref_slice %arg10[%add3A_105, %dma_wait3A_135] : memref<80x128xi32, #tpu.memory_space<vmem>> -> memref<1x128xi32, #tpu.memory_space<vmem>>
        %dma_wait3A_137 = tpu.memref_squeeze %dma_wait3A_136 : memref<1x128xi32, #tpu.memory_space<vmem>> -> memref<128xi32, #tpu.memory_space<vmem>>
        %dma_wait3A_138 = arith.constant 0 : i32
        %dma_wait3A_139 = arith.constant 0 : i32
        %dma_wait3A_140 = tpu.memref_slice %arg12[%dma_wait3A_138, %dma_wait3A_139] : memref<10240x128xf32, #tpu.memory_space<vmem_shared>> -> memref<10240x128xf32, #tpu.memory_space<vmem_shared>>
        tpu.wait_indirect_dma semaphore(%run_scoped3A_122 : memref<!tpu.dma_semaphore, #tpu.memory_space<semaphore_mem>>) src(%dma_wait3A_134 : memref<128x128xf32, #tpu.memory_space<vmem>>) dst(%dma_wait3A_140 : memref<10240x128xf32, #tpu.memory_space<vmem_shared>>)
        tpu.yield
      }) : () -> ()
      %add3A_106 = arith.constant 1 : i32
      %add3A_107 = arith.addi %mul3A_67, %add3A_106 : i32
      %mul3A_108 = arith.constant 2 : i32
      %mul3A_109 = arith.muli %mul3A_108, %add3A_107 : i32
      %add3A_110 = arith.constant 4 : i32
      %add3A_111 = arith.addi %mul3A_109, %add3A_110 : i32
      %add3A_112 = arith.constant 2 : i32
      %add3A_113 = arith.addi %add3A_111, %add3A_112 : i32
      %sub3A_114 = arith.constant 1 : i32
      %sub3A_115 = arith.subi %add3A_113, %sub3A_114 : i32
      %lt3A_116 = arith.constant 160 : i32
      %lt3A_117 = arith.cmpi slt, %sub3A_115, %lt3A_116 : i32
      %convert_element_type3A_118 = arith.extui %lt3A_117 : i1 to i32
      %cond3A_119 = arith.constant 0 : i32
      %cond3A_120 = arith.cmpi ne, %convert_element_type3A_118, %cond3A_119 : i32
      scf.if %cond3A_120 {
        %add3A_122 = arith.constant 0 : i32
        %add3A_123 = arith.addi %add3A_111, %add3A_122 : i32
        "tpu.region"() ({
          %run_scoped3A_138 = tpu.sem_alloc : memref<!tpu.dma_semaphore, #tpu.memory_space<semaphore_mem>>
          %dma_start3A_139 = arith.constant 0 : i32
          %dma_start3A_140 = tpu.memref_slice %arg3[%add3A, %add3A_123, %dma_start3A_139] : memref<32x160x64xi32, #tpu.memory_space<hbm>> -> memref<1x1x64xi32, #tpu.memory_space<hbm>>
          %dma_start3A_141 = tpu.memref_squeeze %dma_start3A_140 : memref<1x1x64xi32, #tpu.memory_space<hbm>> -> memref<64xi32, #tpu.memory_space<hbm>>
          %dma_start3A_142 = arith.constant 0 : i32
          %dma_start3A_143 = tpu.memref_slice %arg3[%add3A, %add3A_123, %dma_start3A_142] : memref<32x160x64xi32, #tpu.memory_space<hbm>> -> memref<1x1x64xi32, #tpu.memory_space<hbm>>
          %dma_start3A_144 = tpu.memref_squeeze %dma_start3A_143 : memref<1x1x64xi32, #tpu.memory_space<hbm>> -> memref<64xi32, #tpu.memory_space<hbm>>
          tpu.enqueue_dma source(%dma_start3A_144 : memref<64xi32, #tpu.memory_space<hbm>>) target(%arg8 : memref<64xi32, #tpu.memory_space<vmem>>) target_semaphore(%run_scoped3A_138 : memref<!tpu.dma_semaphore, #tpu.memory_space<semaphore_mem>>)
          %dma_wait3A_145 = arith.constant 0 : i32
          %dma_wait3A_146 = tpu.memref_slice %arg3[%add3A, %add3A_123, %dma_wait3A_145] : memref<32x160x64xi32, #tpu.memory_space<hbm>> -> memref<1x1x64xi32, #tpu.memory_space<hbm>>
          %dma_wait3A_147 = tpu.memref_squeeze %dma_wait3A_146 : memref<1x1x64xi32, #tpu.memory_space<hbm>> -> memref<64xi32, #tpu.memory_space<hbm>>
          %dma_wait3A_148 = arith.constant 0 : i32
          %dma_wait3A_149 = tpu.memref_slice %arg3[%add3A, %add3A_123, %dma_wait3A_148] : memref<32x160x64xi32, #tpu.memory_space<hbm>> -> memref<1x1x64xi32, #tpu.memory_space<hbm>>
          %dma_wait3A_150 = tpu.memref_squeeze %dma_wait3A_149 : memref<1x1x64xi32, #tpu.memory_space<hbm>> -> memref<64xi32, #tpu.memory_space<hbm>>
          tpu.wait_dma2 semaphore(%run_scoped3A_138 : memref<!tpu.dma_semaphore, #tpu.memory_space<semaphore_mem>>) src(%dma_wait3A_150 : memref<64xi32, #tpu.memory_space<hbm>>) dst(%arg8 : memref<64xi32, #tpu.memory_space<vmem>>)
          tpu.yield
        }) : () -> ()
        %dma_start3A_124 = arith.constant 128 : i32
        %dma_start3A_125 = arith.constant 0 : i32
        %dma_start3A_126 = tpu.memref_slice %arg11[%dma_start3A_124, %dma_start3A_125] : memref<256x128xf32, #tpu.memory_space<vmem>> -> memref<64x128xf32, #tpu.memory_space<vmem>>
        %dma_start3A_127 = arith.constant 0 : i32
        %dma_start3A_128 = arith.constant 0 : i32
        %dma_start3A_129 = tpu.memref_slice %arg2[%dma_start3A_127, %dma_start3A_128] : memref<10240x128xf32, #tpu.memory_space<hbm>> -> memref<10240x128xf32, #tpu.memory_space<hbm>>
        tpu.enqueue_indirect_dma source(%dma_start3A_129 : memref<10240x128xf32, #tpu.memory_space<hbm>>) target(%dma_start3A_126 : memref<64x128xf32, #tpu.memory_space<vmem>>) offsets(%arg8 : memref<64xi32, #tpu.memory_space<vmem>>) semaphore(%arg15 : memref<!tpu.dma_semaphore, #tpu.memory_space<semaphore_mem>>)
        %add3A_130 = arith.constant 1 : i32
        %add3A_131 = arith.addi %add3A_111, %add3A_130 : i32
        "tpu.region"() ({
          %run_scoped3A_138 = tpu.sem_alloc : memref<!tpu.dma_semaphore, #tpu.memory_space<semaphore_mem>>
          %dma_start3A_139 = arith.constant 0 : i32
          %dma_start3A_140 = tpu.memref_slice %arg3[%add3A, %add3A_131, %dma_start3A_139] : memref<32x160x64xi32, #tpu.memory_space<hbm>> -> memref<1x1x64xi32, #tpu.memory_space<hbm>>
          %dma_start3A_141 = tpu.memref_squeeze %dma_start3A_140 : memref<1x1x64xi32, #tpu.memory_space<hbm>> -> memref<64xi32, #tpu.memory_space<hbm>>
          %dma_start3A_142 = arith.constant 0 : i32
          %dma_start3A_143 = tpu.memref_slice %arg3[%add3A, %add3A_131, %dma_start3A_142] : memref<32x160x64xi32, #tpu.memory_space<hbm>> -> memref<1x1x64xi32, #tpu.memory_space<hbm>>
          %dma_start3A_144 = tpu.memref_squeeze %dma_start3A_143 : memref<1x1x64xi32, #tpu.memory_space<hbm>> -> memref<64xi32, #tpu.memory_space<hbm>>
          tpu.enqueue_dma source(%dma_start3A_144 : memref<64xi32, #tpu.memory_space<hbm>>) target(%arg9 : memref<64xi32, #tpu.memory_space<vmem>>) target_semaphore(%run_scoped3A_138 : memref<!tpu.dma_semaphore, #tpu.memory_space<semaphore_mem>>)
          %dma_wait3A_145 = arith.constant 0 : i32
          %dma_wait3A_146 = tpu.memref_slice %arg3[%add3A, %add3A_131, %dma_wait3A_145] : memref<32x160x64xi32, #tpu.memory_space<hbm>> -> memref<1x1x64xi32, #tpu.memory_space<hbm>>
          %dma_wait3A_147 = tpu.memref_squeeze %dma_wait3A_146 : memref<1x1x64xi32, #tpu.memory_space<hbm>> -> memref<64xi32, #tpu.memory_space<hbm>>
          %dma_wait3A_148 = arith.constant 0 : i32
          %dma_wait3A_149 = tpu.memref_slice %arg3[%add3A, %add3A_131, %dma_wait3A_148] : memref<32x160x64xi32, #tpu.memory_space<hbm>> -> memref<1x1x64xi32, #tpu.memory_space<hbm>>
          %dma_wait3A_150 = tpu.memref_squeeze %dma_wait3A_149 : memref<1x1x64xi32, #tpu.memory_space<hbm>> -> memref<64xi32, #tpu.memory_space<hbm>>
          tpu.wait_dma2 semaphore(%run_scoped3A_138 : memref<!tpu.dma_semaphore, #tpu.memory_space<semaphore_mem>>) src(%dma_wait3A_150 : memref<64xi32, #tpu.memory_space<hbm>>) dst(%arg9 : memref<64xi32, #tpu.memory_space<vmem>>)
          tpu.yield
        }) : () -> ()
        %dma_start3A_132 = arith.constant 192 : i32
        %dma_start3A_133 = arith.constant 0 : i32
        %dma_start3A_134 = tpu.memref_slice %arg11[%dma_start3A_132, %dma_start3A_133] : memref<256x128xf32, #tpu.memory_space<vmem>> -> memref<64x128xf32, #tpu.memory_space<vmem>>
        %dma_start3A_135 = arith.constant 0 : i32
        %dma_start3A_136 = arith.constant 0 : i32
        %dma_start3A_137 = tpu.memref_slice %arg2[%dma_start3A_135, %dma_start3A_136] : memref<10240x128xf32, #tpu.memory_space<hbm>> -> memref<10240x128xf32, #tpu.memory_space<hbm>>
        tpu.enqueue_indirect_dma source(%dma_start3A_137 : memref<10240x128xf32, #tpu.memory_space<hbm>>) target(%dma_start3A_134 : memref<64x128xf32, #tpu.memory_space<vmem>>) offsets(%arg9 : memref<64xi32, #tpu.memory_space<vmem>>) semaphore(%arg16 : memref<!tpu.dma_semaphore, #tpu.memory_space<semaphore_mem>>)
      } else {
      }
      %scan3A_121 = arith.constant 0 : i32
      scf.yield %scan3A_121 : i32
    }
    %scan3A_52 = arith.constant 40 : i32
    %barrier3A_53 = arith.constant 0 : index
    tpu.barrier barrier_id(%barrier3A_53)
    %add3A_54 = arith.constant 0 : i32
    %add3A_55 = arith.addi %mul3A_9, %add3A_54 : i32
    "tpu.region"() ({
      %run_scoped3A_64 = tpu.sem_alloc : memref<!tpu.dma_semaphore, #tpu.memory_space<semaphore_mem>>
      %dma_start3A_65 = arith.constant 0 : i32
      %dma_start3A_66 = tpu.memref_slice %arg5[%arg0, %add3A_55, %dma_start3A_65] : memref<2x10240x128xf32, #tpu.memory_space<hbm>> -> memref<1x128x128xf32, #tpu.memory_space<hbm>>
      %dma_start3A_67 = tpu.memref_squeeze %dma_start3A_66 : memref<1x128x128xf32, #tpu.memory_space<hbm>> -> memref<128x128xf32, #tpu.memory_space<hbm>>
      %dma_start3A_68 = arith.constant 0 : i32
      %dma_start3A_69 = tpu.memref_slice %arg12[%add3A_55, %dma_start3A_68] : memref<10240x128xf32, #tpu.memory_space<vmem_shared>> -> memref<128x128xf32, #tpu.memory_space<vmem_shared>>
      tpu.enqueue_dma source(%dma_start3A_69 : memref<128x128xf32, #tpu.memory_space<vmem_shared>>) target(%dma_start3A_67 : memref<128x128xf32, #tpu.memory_space<hbm>>) target_semaphore(%run_scoped3A_64 : memref<!tpu.dma_semaphore, #tpu.memory_space<semaphore_mem>>)
      %dma_wait3A = arith.constant 0 : i32
      %dma_wait3A_70 = tpu.memref_slice %arg5[%arg0, %add3A_55, %dma_wait3A] : memref<2x10240x128xf32, #tpu.memory_space<hbm>> -> memref<1x128x128xf32, #tpu.memory_space<hbm>>
      %dma_wait3A_71 = tpu.memref_squeeze %dma_wait3A_70 : memref<1x128x128xf32, #tpu.memory_space<hbm>> -> memref<128x128xf32, #tpu.memory_space<hbm>>
      %dma_wait3A_72 = arith.constant 0 : i32
      %dma_wait3A_73 = tpu.memref_slice %arg12[%add3A_55, %dma_wait3A_72] : memref<10240x128xf32, #tpu.memory_space<vmem_shared>> -> memref<128x128xf32, #tpu.memory_space<vmem_shared>>
      tpu.wait_dma2 semaphore(%run_scoped3A_64 : memref<!tpu.dma_semaphore, #tpu.memory_space<semaphore_mem>>) src(%dma_wait3A_73 : memref<128x128xf32, #tpu.memory_space<vmem_shared>>) dst(%dma_wait3A_71 : memref<128x128xf32, #tpu.memory_space<hbm>>)
      tpu.yield
    }) : () -> ()
    %add3A_56 = arith.constant 128 : i32
    %add3A_57 = arith.addi %mul3A_9, %add3A_56 : i32
    "tpu.region"() ({
      %run_scoped3A_64 = tpu.sem_alloc : memref<!tpu.dma_semaphore, #tpu.memory_space<semaphore_mem>>
      %dma_start3A_65 = arith.constant 0 : i32
      %dma_start3A_66 = tpu.memref_slice %arg5[%arg0, %add3A_57, %dma_start3A_65] : memref<2x10240x128xf32, #tpu.memory_space<hbm>> -> memref<1x128x128xf32, #tpu.memory_space<hbm>>
      %dma_start3A_67 = tpu.memref_squeeze %dma_start3A_66 : memref<1x128x128xf32, #tpu.memory_space<hbm>> -> memref<128x128xf32, #tpu.memory_space<hbm>>
      %dma_start3A_68 = arith.constant 0 : i32
      %dma_start3A_69 = tpu.memref_slice %arg12[%add3A_57, %dma_start3A_68] : memref<10240x128xf32, #tpu.memory_space<vmem_shared>> -> memref<128x128xf32, #tpu.memory_space<vmem_shared>>
      tpu.enqueue_dma source(%dma_start3A_69 : memref<128x128xf32, #tpu.memory_space<vmem_shared>>) target(%dma_start3A_67 : memref<128x128xf32, #tpu.memory_space<hbm>>) target_semaphore(%run_scoped3A_64 : memref<!tpu.dma_semaphore, #tpu.memory_space<semaphore_mem>>)
      %dma_wait3A = arith.constant 0 : i32
      %dma_wait3A_70 = tpu.memref_slice %arg5[%arg0, %add3A_57, %dma_wait3A] : memref<2x10240x128xf32, #tpu.memory_space<hbm>> -> memref<1x128x128xf32, #tpu.memory_space<hbm>>
      %dma_wait3A_71 = tpu.memref_squeeze %dma_wait3A_70 : memref<1x128x128xf32, #tpu.memory_space<hbm>> -> memref<128x128xf32, #tpu.memory_space<hbm>>
      %dma_wait3A_72 = arith.constant 0 : i32
      %dma_wait3A_73 = tpu.memref_slice %arg12[%add3A_57, %dma_wait3A_72] : memref<10240x128xf32, #tpu.memory_space<vmem_shared>> -> memref<128x128xf32, #tpu.memory_space<vmem_shared>>
      tpu.wait_dma2 semaphore(%run_scoped3A_64 : memref<!tpu.dma_semaphore, #tpu.memory_space<semaphore_mem>>) src(%dma_wait3A_73 : memref<128x128xf32, #tpu.memory_space<vmem_shared>>) dst(%dma_wait3A_71 : memref<128x128xf32, #tpu.memory_space<hbm>>)
      tpu.yield
    }) : () -> ()
    %add3A_58 = arith.constant 256 : i32
    %add3A_59 = arith.addi %mul3A_9, %add3A_58 : i32
    "tpu.region"() ({
      %run_scoped3A_64 = tpu.sem_alloc : memref<!tpu.dma_semaphore, #tpu.memory_space<semaphore_mem>>
      %dma_start3A_65 = arith.constant 0 : i32
      %dma_start3A_66 = tpu.memref_slice %arg5[%arg0, %add3A_59, %dma_start3A_65] : memref<2x10240x128xf32, #tpu.memory_space<hbm>> -> memref<1x128x128xf32, #tpu.memory_space<hbm>>
      %dma_start3A_67 = tpu.memref_squeeze %dma_start3A_66 : memref<1x128x128xf32, #tpu.memory_space<hbm>> -> memref<128x128xf32, #tpu.memory_space<hbm>>
      %dma_start3A_68 = arith.constant 0 : i32
      %dma_start3A_69 = tpu.memref_slice %arg12[%add3A_59, %dma_start3A_68] : memref<10240x128xf32, #tpu.memory_space<vmem_shared>> -> memref<128x128xf32, #tpu.memory_space<vmem_shared>>
      tpu.enqueue_dma source(%dma_start3A_69 : memref<128x128xf32, #tpu.memory_space<vmem_shared>>) target(%dma_start3A_67 : memref<128x128xf32, #tpu.memory_space<hbm>>) target_semaphore(%run_scoped3A_64 : memref<!tpu.dma_semaphore, #tpu.memory_space<semaphore_mem>>)
      %dma_wait3A = arith.constant 0 : i32
      %dma_wait3A_70 = tpu.memref_slice %arg5[%arg0, %add3A_59, %dma_wait3A] : memref<2x10240x128xf32, #tpu.memory_space<hbm>> -> memref<1x128x128xf32, #tpu.memory_space<hbm>>
      %dma_wait3A_71 = tpu.memref_squeeze %dma_wait3A_70 : memref<1x128x128xf32, #tpu.memory_space<hbm>> -> memref<128x128xf32, #tpu.memory_space<hbm>>
      %dma_wait3A_72 = arith.constant 0 : i32
      %dma_wait3A_73 = tpu.memref_slice %arg12[%add3A_59, %dma_wait3A_72] : memref<10240x128xf32, #tpu.memory_space<vmem_shared>> -> memref<128x128xf32, #tpu.memory_space<vmem_shared>>
      tpu.wait_dma2 semaphore(%run_scoped3A_64 : memref<!tpu.dma_semaphore, #tpu.memory_space<semaphore_mem>>) src(%dma_wait3A_73 : memref<128x128xf32, #tpu.memory_space<vmem_shared>>) dst(%dma_wait3A_71 : memref<128x128xf32, #tpu.memory_space<hbm>>)
      tpu.yield
    }) : () -> ()
    %add3A_60 = arith.constant 384 : i32
    %add3A_61 = arith.addi %mul3A_9, %add3A_60 : i32
    "tpu.region"() ({
      %run_scoped3A_64 = tpu.sem_alloc : memref<!tpu.dma_semaphore, #tpu.memory_space<semaphore_mem>>
      %dma_start3A_65 = arith.constant 0 : i32
      %dma_start3A_66 = tpu.memref_slice %arg5[%arg0, %add3A_61, %dma_start3A_65] : memref<2x10240x128xf32, #tpu.memory_space<hbm>> -> memref<1x128x128xf32, #tpu.memory_space<hbm>>
      %dma_start3A_67 = tpu.memref_squeeze %dma_start3A_66 : memref<1x128x128xf32, #tpu.memory_space<hbm>> -> memref<128x128xf32, #tpu.memory_space<hbm>>
      %dma_start3A_68 = arith.constant 0 : i32
      %dma_start3A_69 = tpu.memref_slice %arg12[%add3A_61, %dma_start3A_68] : memref<10240x128xf32, #tpu.memory_space<vmem_shared>> -> memref<128x128xf32, #tpu.memory_space<vmem_shared>>
      tpu.enqueue_dma source(%dma_start3A_69 : memref<128x128xf32, #tpu.memory_space<vmem_shared>>) target(%dma_start3A_67 : memref<128x128xf32, #tpu.memory_space<hbm>>) target_semaphore(%run_scoped3A_64 : memref<!tpu.dma_semaphore, #tpu.memory_space<semaphore_mem>>)
      %dma_wait3A = arith.constant 0 : i32
      %dma_wait3A_70 = tpu.memref_slice %arg5[%arg0, %add3A_61, %dma_wait3A] : memref<2x10240x128xf32, #tpu.memory_space<hbm>> -> memref<1x128x128xf32, #tpu.memory_space<hbm>>
      %dma_wait3A_71 = tpu.memref_squeeze %dma_wait3A_70 : memref<1x128x128xf32, #tpu.memory_space<hbm>> -> memref<128x128xf32, #tpu.memory_space<hbm>>
      %dma_wait3A_72 = arith.constant 0 : i32
      %dma_wait3A_73 = tpu.memref_slice %arg12[%add3A_61, %dma_wait3A_72] : memref<10240x128xf32, #tpu.memory_space<vmem_shared>> -> memref<128x128xf32, #tpu.memory_space<vmem_shared>>
      tpu.wait_dma2 semaphore(%run_scoped3A_64 : memref<!tpu.dma_semaphore, #tpu.memory_space<semaphore_mem>>) src(%dma_wait3A_73 : memref<128x128xf32, #tpu.memory_space<vmem_shared>>) dst(%dma_wait3A_71 : memref<128x128xf32, #tpu.memory_space<hbm>>)
      tpu.yield
    }) : () -> ()
    %add3A_62 = arith.constant 512 : i32
    %add3A_63 = arith.addi %mul3A_9, %add3A_62 : i32
    "tpu.region"() ({
      %run_scoped3A_64 = tpu.sem_alloc : memref<!tpu.dma_semaphore, #tpu.memory_space<semaphore_mem>>
      %dma_start3A_65 = arith.constant 0 : i32
      %dma_start3A_66 = tpu.memref_slice %arg5[%arg0, %add3A_63, %dma_start3A_65] : memref<2x10240x128xf32, #tpu.memory_space<hbm>> -> memref<1x128x128xf32, #tpu.memory_space<hbm>>
      %dma_start3A_67 = tpu.memref_squeeze %dma_start3A_66 : memref<1x128x128xf32, #tpu.memory_space<hbm>> -> memref<128x128xf32, #tpu.memory_space<hbm>>
      %dma_start3A_68 = arith.constant 0 : i32
      %dma_start3A_69 = tpu.memref_slice %arg12[%add3A_63, %dma_start3A_68] : memref<10240x128xf32, #tpu.memory_space<vmem_shared>> -> memref<128x128xf32, #tpu.memory_space<vmem_shared>>
      tpu.enqueue_dma source(%dma_start3A_69 : memref<128x128xf32, #tpu.memory_space<vmem_shared>>) target(%dma_start3A_67 : memref<128x128xf32, #tpu.memory_space<hbm>>) target_semaphore(%run_scoped3A_64 : memref<!tpu.dma_semaphore, #tpu.memory_space<semaphore_mem>>)
      %dma_wait3A = arith.constant 0 : i32
      %dma_wait3A_70 = tpu.memref_slice %arg5[%arg0, %add3A_63, %dma_wait3A] : memref<2x10240x128xf32, #tpu.memory_space<hbm>> -> memref<1x128x128xf32, #tpu.memory_space<hbm>>
      %dma_wait3A_71 = tpu.memref_squeeze %dma_wait3A_70 : memref<1x128x128xf32, #tpu.memory_space<hbm>> -> memref<128x128xf32, #tpu.memory_space<hbm>>
      %dma_wait3A_72 = arith.constant 0 : i32
      %dma_wait3A_73 = tpu.memref_slice %arg12[%add3A_63, %dma_wait3A_72] : memref<10240x128xf32, #tpu.memory_space<vmem_shared>> -> memref<128x128xf32, #tpu.memory_space<vmem_shared>>
      tpu.wait_dma2 semaphore(%run_scoped3A_64 : memref<!tpu.dma_semaphore, #tpu.memory_space<semaphore_mem>>) src(%dma_wait3A_73 : memref<128x128xf32, #tpu.memory_space<vmem_shared>>) dst(%dma_wait3A_71 : memref<128x128xf32, #tpu.memory_space<hbm>>)
      tpu.yield
    }) : () -> ()
    return
  }
}

#map = affine_map<(d0, d1) -> (0, 0)>
#map1 = affine_map<(d0, d1) -> (0, 0, 0)>
module attributes {stable_mosaic.version = 14 : i64} {
  func.func @k(%arg0: i32, %arg1: i32, %arg2: memref<10240x128xf32, #tpu.memory_space<hbm>>, %arg3: memref<32x160x64xi32, #tpu.memory_space<hbm>>, %arg4: memref<32x80x128xi32, #tpu.memory_space<hbm>>, %arg5: memref<2x10240x128xf32, #tpu.memory_space<hbm>>, %arg6: memref<64xi32, #tpu.memory_space<vmem>>, %arg7: memref<64xi32, #tpu.memory_space<vmem>>, %arg8: memref<64xi32, #tpu.memory_space<vmem>>, %arg9: memref<64xi32, #tpu.memory_space<vmem>>, %arg10: memref<80x128xi32, #tpu.memory_space<vmem>>, %arg11: memref<256x128xf32, #tpu.memory_space<vmem>>, %arg12: memref<10240x128xf32, #tpu.memory_space<vmem_shared>>, %arg13: memref<!tpu.dma_semaphore, #tpu.memory_space<semaphore_mem>>, %arg14: memref<!tpu.dma_semaphore, #tpu.memory_space<semaphore_mem>>, %arg15: memref<!tpu.dma_semaphore, #tpu.memory_space<semaphore_mem>>, %arg16: memref<!tpu.dma_semaphore, #tpu.memory_space<semaphore_mem>>) attributes {dimension_semantics = [#tpu.dimension_semantics<core_parallel>, #tpu.dimension_semantics<subcore_parallel>], iteration_bounds = array<i64: 2, 16>, scalar_prefetch = 0 : i64, scratch_operands = 11 : i64, tpu.core_type = #tpu.core_type<sc_vector_subcore>, window_params = [{transform_indices = #map}, {transform_indices = #map1}, {transform_indices = #map1}, {transform_indices = #map1}]} {
    %mul3A = arith.constant 2 : i32
    %mul3A_0 = arith.muli %arg1, %mul3A : i32
    %add3A = arith.addi %mul3A_0, %arg0 : i32
    "tpu.region"() ({
      %run_scoped3A_64 = tpu.sem_alloc : memref<!tpu.dma_semaphore, #tpu.memory_space<semaphore_mem>>
      %dma_start3A_65 = arith.constant 0 : i32
      %dma_start3A_66 = arith.constant 0 : i32
      %dma_start3A_67 = tpu.memref_slice %arg4[%add3A, %dma_start3A_65, %dma_start3A_66] : memref<32x80x128xi32, #tpu.memory_space<hbm>> -> memref<1x80x128xi32, #tpu.memory_space<hbm>>
      %dma_start3A_68 = tpu.memref_squeeze %dma_start3A_67 : memref<1x80x128xi32, #tpu.memory_space<hbm>> -> memref<80x128xi32, #tpu.memory_space<hbm>>
      %dma_start3A_69 = arith.constant 0 : i32
      %dma_start3A_70 = arith.constant 0 : i32
      %dma_start3A_71 = tpu.memref_slice %arg4[%add3A, %dma_start3A_69, %dma_start3A_70] : memref<32x80x128xi32, #tpu.memory_space<hbm>> -> memref<1x80x128xi32, #tpu.memory_space<hbm>>
      %dma_start3A_72 = tpu.memref_squeeze %dma_start3A_71 : memref<1x80x128xi32, #tpu.memory_space<hbm>> -> memref<80x128xi32, #tpu.memory_space<hbm>>
      tpu.enqueue_dma source(%dma_start3A_72 : memref<80x128xi32, #tpu.memory_space<hbm>>) target(%arg10 : memref<80x128xi32, #tpu.memory_space<vmem>>) target_semaphore(%run_scoped3A_64 : memref<!tpu.dma_semaphore, #tpu.memory_space<semaphore_mem>>)
      %dma_wait3A = arith.constant 0 : i32
      %dma_wait3A_73 = arith.constant 0 : i32
      %dma_wait3A_74 = tpu.memref_slice %arg4[%add3A, %dma_wait3A, %dma_wait3A_73] : memref<32x80x128xi32, #tpu.memory_space<hbm>> -> memref<1x80x128xi32, #tpu.memory_space<hbm>>
      %dma_wait3A_75 = tpu.memref_squeeze %dma_wait3A_74 : memref<1x80x128xi32, #tpu.memory_space<hbm>> -> memref<80x128xi32, #tpu.memory_space<hbm>>
      %dma_wait3A_76 = arith.constant 0 : i32
      %dma_wait3A_77 = arith.constant 0 : i32
      %dma_wait3A_78 = tpu.memref_slice %arg4[%add3A, %dma_wait3A_76, %dma_wait3A_77] : memref<32x80x128xi32, #tpu.memory_space<hbm>> -> memref<1x80x128xi32, #tpu.memory_space<hbm>>
      %dma_wait3A_79 = tpu.memref_squeeze %dma_wait3A_78 : memref<1x80x128xi32, #tpu.memory_space<hbm>> -> memref<80x128xi32, #tpu.memory_space<hbm>>
      tpu.wait_dma2 semaphore(%run_scoped3A_64 : memref<!tpu.dma_semaphore, #tpu.memory_space<semaphore_mem>>) src(%dma_wait3A_79 : memref<80x128xi32, #tpu.memory_space<hbm>>) dst(%arg10 : memref<80x128xi32, #tpu.memory_space<vmem>>)
      tpu.yield
    }) : () -> ()
    %broadcast_in_dim3A = arith.constant 0.000000e+00 : f32
    %broadcast_in_dim3A_1 = vector.broadcast %broadcast_in_dim3A : f32 to vector<16xf32>
    %scan3A = arith.constant 0 : i32
    %scan3A_2 = arith.constant 0 : i32
    %scan3A_3 = arith.constant 128 : i32
    %scan3A_4 = arith.addi %scan3A_2, %scan3A_3 : i32
    %scan3A_5 = arith.constant 1 : i32
    %scan3A_6 = scf.for %scan3A_64 = %scan3A_2 to %scan3A_4 step %scan3A_5 iter_args(%scan3A_65 = %scan3A) -> (i32)  : i32 {
      %swap3A = arith.index_cast %scan3A_64 : i32 to index
      %swap3A_66 = arith.constant 0 : index
      %swap3A_67 = tpu.vector_load %arg11[%swap3A, %swap3A_66] {strides = array<i32>} : memref<256x128xf32, #tpu.memory_space<vmem>>, vector<1x16xf32>,
      %swap3A_68 = vector.shape_cast %swap3A_67 : vector<1x16xf32> to vector<16xf32>
      %swap3A_69 = vector.shape_cast %broadcast_in_dim3A_1 : vector<16xf32> to vector<1x16xf32>
      tpu.vector_store %arg11[%swap3A, %swap3A_66], %swap3A_69 {strides = array<i32>} : memref<256x128xf32, #tpu.memory_space<vmem>>, vector<1x16xf32>,
      %swap3A_70 = arith.index_cast %scan3A_64 : i32 to index
      %swap3A_71 = arith.constant 16 : index
      %swap3A_72 = tpu.vector_load %arg11[%swap3A_70, %swap3A_71] {strides = array<i32>} : memref<256x128xf32, #tpu.memory_space<vmem>>, vector<1x16xf32>,
      %swap3A_73 = vector.shape_cast %swap3A_72 : vector<1x16xf32> to vector<16xf32>
      %swap3A_74 = vector.shape_cast %broadcast_in_dim3A_1 : vector<16xf32> to vector<1x16xf32>
      tpu.vector_store %arg11[%swap3A_70, %swap3A_71], %swap3A_74 {strides = array<i32>} : memref<256x128xf32, #tpu.memory_space<vmem>>, vector<1x16xf32>,
      %swap3A_75 = arith.index_cast %scan3A_64 : i32 to index
      %swap3A_76 = arith.constant 32 : index
      %swap3A_77 = tpu.vector_load %arg11[%swap3A_75, %swap3A_76] {strides = array<i32>} : memref<256x128xf32, #tpu.memory_space<vmem>>, vector<1x16xf32>,
      %swap3A_78 = vector.shape_cast %swap3A_77 : vector<1x16xf32> to vector<16xf32>
      %swap3A_79 = vector.shape_cast %broadcast_in_dim3A_1 : vector<16xf32> to vector<1x16xf32>
      tpu.vector_store %arg11[%swap3A_75, %swap3A_76], %swap3A_79 {strides = array<i32>} : memref<256x128xf32, #tpu.memory_space<vmem>>, vector<1x16xf32>,
      %swap3A_80 = arith.index_cast %scan3A_64 : i32 to index
      %swap3A_81 = arith.constant 48 : index
      %swap3A_82 = tpu.vector_load %arg11[%swap3A_80, %swap3A_81] {strides = array<i32>} : memref<256x128xf32, #tpu.memory_space<vmem>>, vector<1x16xf32>,
      %swap3A_83 = vector.shape_cast %swap3A_82 : vector<1x16xf32> to vector<16xf32>
      %swap3A_84 = vector.shape_cast %broadcast_in_dim3A_1 : vector<16xf32> to vector<1x16xf32>
      tpu.vector_store %arg11[%swap3A_80, %swap3A_81], %swap3A_84 {strides = array<i32>} : memref<256x128xf32, #tpu.memory_space<vmem>>, vector<1x16xf32>,
      %swap3A_85 = arith.index_cast %scan3A_64 : i32 to index
      %swap3A_86 = arith.constant 64 : index
      %swap3A_87 = tpu.vector_load %arg11[%swap3A_85, %swap3A_86] {strides = array<i32>} : memref<256x128xf32, #tpu.memory_space<vmem>>, vector<1x16xf32>,
      %swap3A_88 = vector.shape_cast %swap3A_87 : vector<1x16xf32> to vector<16xf32>
      %swap3A_89 = vector.shape_cast %broadcast_in_dim3A_1 : vector<16xf32> to vector<1x16xf32>
      tpu.vector_store %arg11[%swap3A_85, %swap3A_86], %swap3A_89 {strides = array<i32>} : memref<256x128xf32, #tpu.memory_space<vmem>>, vector<1x16xf32>,
      %swap3A_90 = arith.index_cast %scan3A_64 : i32 to index
      %swap3A_91 = arith.constant 80 : index
      %swap3A_92 = tpu.vector_load %arg11[%swap3A_90, %swap3A_91] {strides = array<i32>} : memref<256x128xf32, #tpu.memory_space<vmem>>, vector<1x16xf32>,
      %swap3A_93 = vector.shape_cast %swap3A_92 : vector<1x16xf32> to vector<16xf32>
      %swap3A_94 = vector.shape_cast %broadcast_in_dim3A_1 : vector<16xf32> to vector<1x16xf32>
      tpu.vector_store %arg11[%swap3A_90, %swap3A_91], %swap3A_94 {strides = array<i32>} : memref<256x128xf32, #tpu.memory_space<vmem>>, vector<1x16xf32>,
      %swap3A_95 = arith.index_cast %scan3A_64 : i32 to index
      %swap3A_96 = arith.constant 96 : index
      %swap3A_97 = tpu.vector_load %arg11[%swap3A_95, %swap3A_96] {strides = array<i32>} : memref<256x128xf32, #tpu.memory_space<vmem>>, vector<1x16xf32>,
      %swap3A_98 = vector.shape_cast %swap3A_97 : vector<1x16xf32> to vector<16xf32>
      %swap3A_99 = vector.shape_cast %broadcast_in_dim3A_1 : vector<16xf32> to vector<1x16xf32>
      tpu.vector_store %arg11[%swap3A_95, %swap3A_96], %swap3A_99 {strides = array<i32>} : memref<256x128xf32, #tpu.memory_space<vmem>>, vector<1x16xf32>,
      %swap3A_100 = arith.index_cast %scan3A_64 : i32 to index
      %swap3A_101 = arith.constant 112 : index
      %swap3A_102 = tpu.vector_load %arg11[%swap3A_100, %swap3A_101] {strides = array<i32>} : memref<256x128xf32, #tpu.memory_space<vmem>>, vector<1x16xf32>,
      %swap3A_103 = vector.shape_cast %swap3A_102 : vector<1x16xf32> to vector<16xf32>
      %swap3A_104 = vector.shape_cast %broadcast_in_dim3A_1 : vector<16xf32> to vector<1x16xf32>
      tpu.vector_store %arg11[%swap3A_100, %swap3A_101], %swap3A_104 {strides = array<i32>} : memref<256x128xf32, #tpu.memory_space<vmem>>, vector<1x16xf32>,
      %scan3A_105 = arith.constant 0 : i32
      scf.yield %scan3A_105 : i32
    }
    %scan3A_7 = arith.constant 128 : i32
    %mul3A_8 = arith.constant 640 : i32
    %mul3A_9 = arith.muli %arg1, %mul3A_8 : i32
    %add3A_10 = arith.constant 0 : i32
    %add3A_11 = arith.addi %mul3A_9, %add3A_10 : i32
    "tpu.region"() ({
      %run_scoped3A_64 = tpu.sem_alloc : memref<!tpu.dma_semaphore, #tpu.memory_space<semaphore_mem>>
      %dma_start3A_65 = arith.constant 0 : i32
      %dma_start3A_66 = arith.constant 0 : i32
      %dma_start3A_67 = tpu.memref_slice %arg11[%dma_start3A_65, %dma_start3A_66] : memref<256x128xf32, #tpu.memory_space<vmem>> -> memref<128x128xf32, #tpu.memory_space<vmem>>
      %dma_start3A_68 = arith.constant 0 : i32
      %dma_start3A_69 = tpu.memref_slice %arg12[%add3A_11, %dma_start3A_68] : memref<10240x128xf32, #tpu.memory_space<vmem_shared>> -> memref<128x128xf32, #tpu.memory_space<vmem_shared>>
      %dma_start3A_70 = arith.constant 0 : i32
      %dma_start3A_71 = tpu.memref_slice %arg12[%add3A_11, %dma_start3A_70] : memref<10240x128xf32, #tpu.memory_space<vmem_shared>> -> memref<128x128xf32, #tpu.memory_space<vmem_shared>>
      %dma_start3A_72 = arith.constant 0 : i32
      %dma_start3A_73 = arith.constant 0 : i32
      %dma_start3A_74 = tpu.memref_slice %arg11[%dma_start3A_72, %dma_start3A_73] : memref<256x128xf32, #tpu.memory_space<vmem>> -> memref<128x128xf32, #tpu.memory_space<vmem>>
      tpu.enqueue_dma source(%dma_start3A_74 : memref<128x128xf32, #tpu.memory_space<vmem>>) target(%dma_start3A_71 : memref<128x128xf32, #tpu.memory_space<vmem_shared>>) target_semaphore(%run_scoped3A_64 : memref<!tpu.dma_semaphore, #tpu.memory_space<semaphore_mem>>)
      %dma_wait3A = arith.constant 0 : i32
      %dma_wait3A_75 = arith.constant 0 : i32
      %dma_wait3A_76 = tpu.memref_slice %arg11[%dma_wait3A, %dma_wait3A_75] : memref<256x128xf32, #tpu.memory_space<vmem>> -> memref<128x128xf32, #tpu.memory_space<vmem>>
      %dma_wait3A_77 = arith.constant 0 : i32
      %dma_wait3A_78 = tpu.memref_slice %arg12[%add3A_11, %dma_wait3A_77] : memref<10240x128xf32, #tpu.memory_space<vmem_shared>> -> memref<128x128xf32, #tpu.memory_space<vmem_shared>>
      %dma_wait3A_79 = arith.constant 0 : i32
      %dma_wait3A_80 = tpu.memref_slice %arg12[%add3A_11, %dma_wait3A_79] : memref<10240x128xf32, #tpu.memory_space<vmem_shared>> -> memref<128x128xf32, #tpu.memory_space<vmem_shared>>
      %dma_wait3A_81 = arith.constant 0 : i32
      %dma_wait3A_82 = arith.constant 0 : i32
      %dma_wait3A_83 = tpu.memref_slice %arg11[%dma_wait3A_81, %dma_wait3A_82] : memref<256x128xf32, #tpu.memory_space<vmem>> -> memref<128x128xf32, #tpu.memory_space<vmem>>
      tpu.wait_dma2 semaphore(%run_scoped3A_64 : memref<!tpu.dma_semaphore, #tpu.memory_space<semaphore_mem>>) src(%dma_wait3A_83 : memref<128x128xf32, #tpu.memory_space<vmem>>) dst(%dma_wait3A_80 : memref<128x128xf32, #tpu.memory_space<vmem_shared>>)
      tpu.yield
    }) : () -> ()
    %add3A_12 = arith.constant 128 : i32
    %add3A_13 = arith.addi %mul3A_9, %add3A_12 : i32
    "tpu.region"() ({
      %run_scoped3A_64 = tpu.sem_alloc : memref<!tpu.dma_semaphore, #tpu.memory_space<semaphore_mem>>
      %dma_start3A_65 = arith.constant 0 : i32
      %dma_start3A_66 = arith.constant 0 : i32
      %dma_start3A_67 = tpu.memref_slice %arg11[%dma_start3A_65, %dma_start3A_66] : memref<256x128xf32, #tpu.memory_space<vmem>> -> memref<128x128xf32, #tpu.memory_space<vmem>>
      %dma_start3A_68 = arith.constant 0 : i32
      %dma_start3A_69 = tpu.memref_slice %arg12[%add3A_13, %dma_start3A_68] : memref<10240x128xf32, #tpu.memory_space<vmem_shared>> -> memref<128x128xf32, #tpu.memory_space<vmem_shared>>
      %dma_start3A_70 = arith.constant 0 : i32
      %dma_start3A_71 = tpu.memref_slice %arg12[%add3A_13, %dma_start3A_70] : memref<10240x128xf32, #tpu.memory_space<vmem_shared>> -> memref<128x128xf32, #tpu.memory_space<vmem_shared>>
      %dma_start3A_72 = arith.constant 0 : i32
      %dma_start3A_73 = arith.constant 0 : i32
      %dma_start3A_74 = tpu.memref_slice %arg11[%dma_start3A_72, %dma_start3A_73] : memref<256x128xf32, #tpu.memory_space<vmem>> -> memref<128x128xf32, #tpu.memory_space<vmem>>
      tpu.enqueue_dma source(%dma_start3A_74 : memref<128x128xf32, #tpu.memory_space<vmem>>) target(%dma_start3A_71 : memref<128x128xf32, #tpu.memory_space<vmem_shared>>) target_semaphore(%run_scoped3A_64 : memref<!tpu.dma_semaphore, #tpu.memory_space<semaphore_mem>>)
      %dma_wait3A = arith.constant 0 : i32
      %dma_wait3A_75 = arith.constant 0 : i32
      %dma_wait3A_76 = tpu.memref_slice %arg11[%dma_wait3A, %dma_wait3A_75] : memref<256x128xf32, #tpu.memory_space<vmem>> -> memref<128x128xf32, #tpu.memory_space<vmem>>
      %dma_wait3A_77 = arith.constant 0 : i32
      %dma_wait3A_78 = tpu.memref_slice %arg12[%add3A_13, %dma_wait3A_77] : memref<10240x128xf32, #tpu.memory_space<vmem_shared>> -> memref<128x128xf32, #tpu.memory_space<vmem_shared>>
      %dma_wait3A_79 = arith.constant 0 : i32
      %dma_wait3A_80 = tpu.memref_slice %arg12[%add3A_13, %dma_wait3A_79] : memref<10240x128xf32, #tpu.memory_space<vmem_shared>> -> memref<128x128xf32, #tpu.memory_space<vmem_shared>>
      %dma_wait3A_81 = arith.constant 0 : i32
      %dma_wait3A_82 = arith.constant 0 : i32
      %dma_wait3A_83 = tpu.memref_slice %arg11[%dma_wait3A_81, %dma_wait3A_82] : memref<256x128xf32, #tpu.memory_space<vmem>> -> memref<128x128xf32, #tpu.memory_space<vmem>>
      tpu.wait_dma2 semaphore(%run_scoped3A_64 : memref<!tpu.dma_semaphore, #tpu.memory_space<semaphore_mem>>) src(%dma_wait3A_83 : memref<128x128xf32, #tpu.memory_space<vmem>>) dst(%dma_wait3A_80 : memref<128x128xf32, #tpu.memory_space<vmem_shared>>)
      tpu.yield
    }) : () -> ()
    %add3A_14 = arith.constant 256 : i32
    %add3A_15 = arith.addi %mul3A_9, %add3A_14 : i32
    "tpu.region"() ({
      %run_scoped3A_64 = tpu.sem_alloc : memref<!tpu.dma_semaphore, #tpu.memory_space<semaphore_mem>>
      %dma_start3A_65 = arith.constant 0 : i32
      %dma_start3A_66 = arith.constant 0 : i32
      %dma_start3A_67 = tpu.memref_slice %arg11[%dma_start3A_65, %dma_start3A_66] : memref<256x128xf32, #tpu.memory_space<vmem>> -> memref<128x128xf32, #tpu.memory_space<vmem>>
      %dma_start3A_68 = arith.constant 0 : i32
      %dma_start3A_69 = tpu.memref_slice %arg12[%add3A_15, %dma_start3A_68] : memref<10240x128xf32, #tpu.memory_space<vmem_shared>> -> memref<128x128xf32, #tpu.memory_space<vmem_shared>>
      %dma_start3A_70 = arith.constant 0 : i32
      %dma_start3A_71 = tpu.memref_slice %arg12[%add3A_15, %dma_start3A_70] : memref<10240x128xf32, #tpu.memory_space<vmem_shared>> -> memref<128x128xf32, #tpu.memory_space<vmem_shared>>
      %dma_start3A_72 = arith.constant 0 : i32
      %dma_start3A_73 = arith.constant 0 : i32
      %dma_start3A_74 = tpu.memref_slice %arg11[%dma_start3A_72, %dma_start3A_73] : memref<256x128xf32, #tpu.memory_space<vmem>> -> memref<128x128xf32, #tpu.memory_space<vmem>>
      tpu.enqueue_dma source(%dma_start3A_74 : memref<128x128xf32, #tpu.memory_space<vmem>>) target(%dma_start3A_71 : memref<128x128xf32, #tpu.memory_space<vmem_shared>>) target_semaphore(%run_scoped3A_64 : memref<!tpu.dma_semaphore, #tpu.memory_space<semaphore_mem>>)
      %dma_wait3A = arith.constant 0 : i32
      %dma_wait3A_75 = arith.constant 0 : i32
      %dma_wait3A_76 = tpu.memref_slice %arg11[%dma_wait3A, %dma_wait3A_75] : memref<256x128xf32, #tpu.memory_space<vmem>> -> memref<128x128xf32, #tpu.memory_space<vmem>>
      %dma_wait3A_77 = arith.constant 0 : i32
      %dma_wait3A_78 = tpu.memref_slice %arg12[%add3A_15, %dma_wait3A_77] : memref<10240x128xf32, #tpu.memory_space<vmem_shared>> -> memref<128x128xf32, #tpu.memory_space<vmem_shared>>
      %dma_wait3A_79 = arith.constant 0 : i32
      %dma_wait3A_80 = tpu.memref_slice %arg12[%add3A_15, %dma_wait3A_79] : memref<10240x128xf32, #tpu.memory_space<vmem_shared>> -> memref<128x128xf32, #tpu.memory_space<vmem_shared>>
      %dma_wait3A_81 = arith.constant 0 : i32
      %dma_wait3A_82 = arith.constant 0 : i32
      %dma_wait3A_83 = tpu.memref_slice %arg11[%dma_wait3A_81, %dma_wait3A_82] : memref<256x128xf32, #tpu.memory_space<vmem>> -> memref<128x128xf32, #tpu.memory_space<vmem>>
      tpu.wait_dma2 semaphore(%run_scoped3A_64 : memref<!tpu.dma_semaphore, #tpu.memory_space<semaphore_mem>>) src(%dma_wait3A_83 : memref<128x128xf32, #tpu.memory_space<vmem>>) dst(%dma_wait3A_80 : memref<128x128xf32, #tpu.memory_space<vmem_shared>>)
      tpu.yield
    }) : () -> ()
    %add3A_16 = arith.constant 384 : i32
    %add3A_17 = arith.addi %mul3A_9, %add3A_16 : i32
    "tpu.region"() ({
      %run_scoped3A_64 = tpu.sem_alloc : memref<!tpu.dma_semaphore, #tpu.memory_space<semaphore_mem>>
      %dma_start3A_65 = arith.constant 0 : i32
      %dma_start3A_66 = arith.constant 0 : i32
      %dma_start3A_67 = tpu.memref_slice %arg11[%dma_start3A_65, %dma_start3A_66] : memref<256x128xf32, #tpu.memory_space<vmem>> -> memref<128x128xf32, #tpu.memory_space<vmem>>
      %dma_start3A_68 = arith.constant 0 : i32
      %dma_start3A_69 = tpu.memref_slice %arg12[%add3A_17, %dma_start3A_68] : memref<10240x128xf32, #tpu.memory_space<vmem_shared>> -> memref<128x128xf32, #tpu.memory_space<vmem_shared>>
      %dma_start3A_70 = arith.constant 0 : i32
      %dma_start3A_71 = tpu.memref_slice %arg12[%add3A_17, %dma_start3A_70] : memref<10240x128xf32, #tpu.memory_space<vmem_shared>> -> memref<128x128xf32, #tpu.memory_space<vmem_shared>>
      %dma_start3A_72 = arith.constant 0 : i32
      %dma_start3A_73 = arith.constant 0 : i32
      %dma_start3A_74 = tpu.memref_slice %arg11[%dma_start3A_72, %dma_start3A_73] : memref<256x128xf32, #tpu.memory_space<vmem>> -> memref<128x128xf32, #tpu.memory_space<vmem>>
      tpu.enqueue_dma source(%dma_start3A_74 : memref<128x128xf32, #tpu.memory_space<vmem>>) target(%dma_start3A_71 : memref<128x128xf32, #tpu.memory_space<vmem_shared>>) target_semaphore(%run_scoped3A_64 : memref<!tpu.dma_semaphore, #tpu.memory_space<semaphore_mem>>)
      %dma_wait3A = arith.constant 0 : i32
      %dma_wait3A_75 = arith.constant 0 : i32
      %dma_wait3A_76 = tpu.memref_slice %arg11[%dma_wait3A, %dma_wait3A_75] : memref<256x128xf32, #tpu.memory_space<vmem>> -> memref<128x128xf32, #tpu.memory_space<vmem>>
      %dma_wait3A_77 = arith.constant 0 : i32
      %dma_wait3A_78 = tpu.memref_slice %arg12[%add3A_17, %dma_wait3A_77] : memref<10240x128xf32, #tpu.memory_space<vmem_shared>> -> memref<128x128xf32, #tpu.memory_space<vmem_shared>>
      %dma_wait3A_79 = arith.constant 0 : i32
      %dma_wait3A_80 = tpu.memref_slice %arg12[%add3A_17, %dma_wait3A_79] : memref<10240x128xf32, #tpu.memory_space<vmem_shared>> -> memref<128x128xf32, #tpu.memory_space<vmem_shared>>
      %dma_wait3A_81 = arith.constant 0 : i32
      %dma_wait3A_82 = arith.constant 0 : i32
      %dma_wait3A_83 = tpu.memref_slice %arg11[%dma_wait3A_81, %dma_wait3A_82] : memref<256x128xf32, #tpu.memory_space<vmem>> -> memref<128x128xf32, #tpu.memory_space<vmem>>
      tpu.wait_dma2 semaphore(%run_scoped3A_64 : memref<!tpu.dma_semaphore, #tpu.memory_space<semaphore_mem>>) src(%dma_wait3A_83 : memref<128x128xf32, #tpu.memory_space<vmem>>) dst(%dma_wait3A_80 : memref<128x128xf32, #tpu.memory_space<vmem_shared>>)
      tpu.yield
    }) : () -> ()
    %add3A_18 = arith.constant 512 : i32
    %add3A_19 = arith.addi %mul3A_9, %add3A_18 : i32
    "tpu.region"() ({
      %run_scoped3A_64 = tpu.sem_alloc : memref<!tpu.dma_semaphore, #tpu.memory_space<semaphore_mem>>
      %dma_start3A_65 = arith.constant 0 : i32
      %dma_start3A_66 = arith.constant 0 : i32
      %dma_start3A_67 = tpu.memref_slice %arg11[%dma_start3A_65, %dma_start3A_66] : memref<256x128xf32, #tpu.memory_space<vmem>> -> memref<128x128xf32, #tpu.memory_space<vmem>>
      %dma_start3A_68 = arith.constant 0 : i32
      %dma_start3A_69 = tpu.memref_slice %arg12[%add3A_19, %dma_start3A_68] : memref<10240x128xf32, #tpu.memory_space<vmem_shared>> -> memref<128x128xf32, #tpu.memory_space<vmem_shared>>
      %dma_start3A_70 = arith.constant 0 : i32
      %dma_start3A_71 = tpu.memref_slice %arg12[%add3A_19, %dma_start3A_70] : memref<10240x128xf32, #tpu.memory_space<vmem_shared>> -> memref<128x128xf32, #tpu.memory_space<vmem_shared>>
      %dma_start3A_72 = arith.constant 0 : i32
      %dma_start3A_73 = arith.constant 0 : i32
      %dma_start3A_74 = tpu.memref_slice %arg11[%dma_start3A_72, %dma_start3A_73] : memref<256x128xf32, #tpu.memory_space<vmem>> -> memref<128x128xf32, #tpu.memory_space<vmem>>
      tpu.enqueue_dma source(%dma_start3A_74 : memref<128x128xf32, #tpu.memory_space<vmem>>) target(%dma_start3A_71 : memref<128x128xf32, #tpu.memory_space<vmem_shared>>) target_semaphore(%run_scoped3A_64 : memref<!tpu.dma_semaphore, #tpu.memory_space<semaphore_mem>>)
      %dma_wait3A = arith.constant 0 : i32
      %dma_wait3A_75 = arith.constant 0 : i32
      %dma_wait3A_76 = tpu.memref_slice %arg11[%dma_wait3A, %dma_wait3A_75] : memref<256x128xf32, #tpu.memory_space<vmem>> -> memref<128x128xf32, #tpu.memory_space<vmem>>
      %dma_wait3A_77 = arith.constant 0 : i32
      %dma_wait3A_78 = tpu.memref_slice %arg12[%add3A_19, %dma_wait3A_77] : memref<10240x128xf32, #tpu.memory_space<vmem_shared>> -> memref<128x128xf32, #tpu.memory_space<vmem_shared>>
      %dma_wait3A_79 = arith.constant 0 : i32
      %dma_wait3A_80 = tpu.memref_slice %arg12[%add3A_19, %dma_wait3A_79] : memref<10240x128xf32, #tpu.memory_space<vmem_shared>> -> memref<128x128xf32, #tpu.memory_space<vmem_shared>>
      %dma_wait3A_81 = arith.constant 0 : i32
      %dma_wait3A_82 = arith.constant 0 : i32
      %dma_wait3A_83 = tpu.memref_slice %arg11[%dma_wait3A_81, %dma_wait3A_82] : memref<256x128xf32, #tpu.memory_space<vmem>> -> memref<128x128xf32, #tpu.memory_space<vmem>>
      tpu.wait_dma2 semaphore(%run_scoped3A_64 : memref<!tpu.dma_semaphore, #tpu.memory_space<semaphore_mem>>) src(%dma_wait3A_83 : memref<128x128xf32, #tpu.memory_space<vmem>>) dst(%dma_wait3A_80 : memref<128x128xf32, #tpu.memory_space<vmem_shared>>)
      tpu.yield
    }) : () -> ()
    %barrier3A = arith.constant 0 : index
    tpu.barrier barrier_id(%barrier3A)
    %run_scoped3A = arith.constant 0 : i32
    "tpu.region"() ({
      %run_scoped3A_64 = tpu.sem_alloc : memref<!tpu.dma_semaphore, #tpu.memory_space<semaphore_mem>>
      %dma_start3A_65 = arith.constant 0 : i32
      %dma_start3A_66 = tpu.memref_slice %arg3[%add3A, %run_scoped3A, %dma_start3A_65] : memref<32x160x64xi32, #tpu.memory_space<hbm>> -> memref<1x1x64xi32, #tpu.memory_space<hbm>>
      %dma_start3A_67 = tpu.memref_squeeze %dma_start3A_66 : memref<1x1x64xi32, #tpu.memory_space<hbm>> -> memref<64xi32, #tpu.memory_space<hbm>>
      %dma_start3A_68 = arith.constant 0 : i32
      %dma_start3A_69 = tpu.memref_slice %arg3[%add3A, %run_scoped3A, %dma_start3A_68] : memref<32x160x64xi32, #tpu.memory_space<hbm>> -> memref<1x1x64xi32, #tpu.memory_space<hbm>>
      %dma_start3A_70 = tpu.memref_squeeze %dma_start3A_69 : memref<1x1x64xi32, #tpu.memory_space<hbm>> -> memref<64xi32, #tpu.memory_space<hbm>>
      tpu.enqueue_dma source(%dma_start3A_70 : memref<64xi32, #tpu.memory_space<hbm>>) target(%arg6 : memref<64xi32, #tpu.memory_space<vmem>>) target_semaphore(%run_scoped3A_64 : memref<!tpu.dma_semaphore, #tpu.memory_space<semaphore_mem>>)
      %dma_wait3A = arith.constant 0 : i32
      %dma_wait3A_71 = tpu.memref_slice %arg3[%add3A, %run_scoped3A, %dma_wait3A] : memref<32x160x64xi32, #tpu.memory_space<hbm>> -> memref<1x1x64xi32, #tpu.memory_space<hbm>>
      %dma_wait3A_72 = tpu.memref_squeeze %dma_wait3A_71 : memref<1x1x64xi32, #tpu.memory_space<hbm>> -> memref<64xi32, #tpu.memory_space<hbm>>
      %dma_wait3A_73 = arith.constant 0 : i32
      %dma_wait3A_74 = tpu.memref_slice %arg3[%add3A, %run_scoped3A, %dma_wait3A_73] : memref<32x160x64xi32, #tpu.memory_space<hbm>> -> memref<1x1x64xi32, #tpu.memory_space<hbm>>
      %dma_wait3A_75 = tpu.memref_squeeze %dma_wait3A_74 : memref<1x1x64xi32, #tpu.memory_space<hbm>> -> memref<64xi32, #tpu.memory_space<hbm>>
      tpu.wait_dma2 semaphore(%run_scoped3A_64 : memref<!tpu.dma_semaphore, #tpu.memory_space<semaphore_mem>>) src(%dma_wait3A_75 : memref<64xi32, #tpu.memory_space<hbm>>) dst(%arg6 : memref<64xi32, #tpu.memory_space<vmem>>)
      tpu.yield
    }) : () -> ()
    %dma_start3A = arith.constant 0 : i32
    %dma_start3A_20 = arith.constant 0 : i32
    %dma_start3A_21 = tpu.memref_slice %arg11[%dma_start3A, %dma_start3A_20] : memref<256x128xf32, #tpu.memory_space<vmem>> -> memref<64x128xf32, #tpu.memory_space<vmem>>
    %dma_start3A_22 = arith.constant 0 : i32
    %dma_start3A_23 = arith.constant 0 : i32
    %dma_start3A_24 = tpu.memref_slice %arg2[%dma_start3A_22, %dma_start3A_23] : memref<10240x128xf32, #tpu.memory_space<hbm>> -> memref<10240x128xf32, #tpu.memory_space<hbm>>
    tpu.enqueue_indirect_dma source(%dma_start3A_24 : memref<10240x128xf32, #tpu.memory_space<hbm>>) target(%dma_start3A_21 : memref<64x128xf32, #tpu.memory_space<vmem>>) offsets(%arg6 : memref<64xi32, #tpu.memory_space<vmem>>) semaphore(%arg13 : memref<!tpu.dma_semaphore, #tpu.memory_space<semaphore_mem>>)
    %run_scoped3A_25 = arith.constant 1 : i32
    "tpu.region"() ({
      %run_scoped3A_64 = tpu.sem_alloc : memref<!tpu.dma_semaphore, #tpu.memory_space<semaphore_mem>>
      %dma_start3A_65 = arith.constant 0 : i32
      %dma_start3A_66 = tpu.memref_slice %arg3[%add3A, %run_scoped3A_25, %dma_start3A_65] : memref<32x160x64xi32, #tpu.memory_space<hbm>> -> memref<1x1x64xi32, #tpu.memory_space<hbm>>
      %dma_start3A_67 = tpu.memref_squeeze %dma_start3A_66 : memref<1x1x64xi32, #tpu.memory_space<hbm>> -> memref<64xi32, #tpu.memory_space<hbm>>
      %dma_start3A_68 = arith.constant 0 : i32
      %dma_start3A_69 = tpu.memref_slice %arg3[%add3A, %run_scoped3A_25, %dma_start3A_68] : memref<32x160x64xi32, #tpu.memory_space<hbm>> -> memref<1x1x64xi32, #tpu.memory_space<hbm>>
      %dma_start3A_70 = tpu.memref_squeeze %dma_start3A_69 : memref<1x1x64xi32, #tpu.memory_space<hbm>> -> memref<64xi32, #tpu.memory_space<hbm>>
      tpu.enqueue_dma source(%dma_start3A_70 : memref<64xi32, #tpu.memory_space<hbm>>) target(%arg7 : memref<64xi32, #tpu.memory_space<vmem>>) target_semaphore(%run_scoped3A_64 : memref<!tpu.dma_semaphore, #tpu.memory_space<semaphore_mem>>)
      %dma_wait3A = arith.constant 0 : i32
      %dma_wait3A_71 = tpu.memref_slice %arg3[%add3A, %run_scoped3A_25, %dma_wait3A] : memref<32x160x64xi32, #tpu.memory_space<hbm>> -> memref<1x1x64xi32, #tpu.memory_space<hbm>>
      %dma_wait3A_72 = tpu.memref_squeeze %dma_wait3A_71 : memref<1x1x64xi32, #tpu.memory_space<hbm>> -> memref<64xi32, #tpu.memory_space<hbm>>
      %dma_wait3A_73 = arith.constant 0 : i32
      %dma_wait3A_74 = tpu.memref_slice %arg3[%add3A, %run_scoped3A_25, %dma_wait3A_73] : memref<32x160x64xi32, #tpu.memory_space<hbm>> -> memref<1x1x64xi32, #tpu.memory_space<hbm>>
      %dma_wait3A_75 = tpu.memref_squeeze %dma_wait3A_74 : memref<1x1x64xi32, #tpu.memory_space<hbm>> -> memref<64xi32, #tpu.memory_space<hbm>>
      tpu.wait_dma2 semaphore(%run_scoped3A_64 : memref<!tpu.dma_semaphore, #tpu.memory_space<semaphore_mem>>) src(%dma_wait3A_75 : memref<64xi32, #tpu.memory_space<hbm>>) dst(%arg7 : memref<64xi32, #tpu.memory_space<vmem>>)
      tpu.yield
    }) : () -> ()
    %dma_start3A_26 = arith.constant 64 : i32
    %dma_start3A_27 = arith.constant 0 : i32
    %dma_start3A_28 = tpu.memref_slice %arg11[%dma_start3A_26, %dma_start3A_27] : memref<256x128xf32, #tpu.memory_space<vmem>> -> memref<64x128xf32, #tpu.memory_space<vmem>>
    %dma_start3A_29 = arith.constant 0 : i32
    %dma_start3A_30 = arith.constant 0 : i32
    %dma_start3A_31 = tpu.memref_slice %arg2[%dma_start3A_29, %dma_start3A_30] : memref<10240x128xf32, #tpu.memory_space<hbm>> -> memref<10240x128xf32, #tpu.memory_space<hbm>>
    tpu.enqueue_indirect_dma source(%dma_start3A_31 : memref<10240x128xf32, #tpu.memory_space<hbm>>) target(%dma_start3A_28 : memref<64x128xf32, #tpu.memory_space<vmem>>) offsets(%arg7 : memref<64xi32, #tpu.memory_space<vmem>>) semaphore(%arg14 : memref<!tpu.dma_semaphore, #tpu.memory_space<semaphore_mem>>)
    %run_scoped3A_32 = arith.constant 2 : i32
    "tpu.region"() ({
      %run_scoped3A_64 = tpu.sem_alloc : memref<!tpu.dma_semaphore, #tpu.memory_space<semaphore_mem>>
      %dma_start3A_65 = arith.constant 0 : i32
      %dma_start3A_66 = tpu.memref_slice %arg3[%add3A, %run_scoped3A_32, %dma_start3A_65] : memref<32x160x64xi32, #tpu.memory_space<hbm>> -> memref<1x1x64xi32, #tpu.memory_space<hbm>>
      %dma_start3A_67 = tpu.memref_squeeze %dma_start3A_66 : memref<1x1x64xi32, #tpu.memory_space<hbm>> -> memref<64xi32, #tpu.memory_space<hbm>>
      %dma_start3A_68 = arith.constant 0 : i32
      %dma_start3A_69 = tpu.memref_slice %arg3[%add3A, %run_scoped3A_32, %dma_start3A_68] : memref<32x160x64xi32, #tpu.memory_space<hbm>> -> memref<1x1x64xi32, #tpu.memory_space<hbm>>
      %dma_start3A_70 = tpu.memref_squeeze %dma_start3A_69 : memref<1x1x64xi32, #tpu.memory_space<hbm>> -> memref<64xi32, #tpu.memory_space<hbm>>
      tpu.enqueue_dma source(%dma_start3A_70 : memref<64xi32, #tpu.memory_space<hbm>>) target(%arg8 : memref<64xi32, #tpu.memory_space<vmem>>) target_semaphore(%run_scoped3A_64 : memref<!tpu.dma_semaphore, #tpu.memory_space<semaphore_mem>>)
      %dma_wait3A = arith.constant 0 : i32
      %dma_wait3A_71 = tpu.memref_slice %arg3[%add3A, %run_scoped3A_32, %dma_wait3A] : memref<32x160x64xi32, #tpu.memory_space<hbm>> -> memref<1x1x64xi32, #tpu.memory_space<hbm>>
      %dma_wait3A_72 = tpu.memref_squeeze %dma_wait3A_71 : memref<1x1x64xi32, #tpu.memory_space<hbm>> -> memref<64xi32, #tpu.memory_space<hbm>>
      %dma_wait3A_73 = arith.constant 0 : i32
      %dma_wait3A_74 = tpu.memref_slice %arg3[%add3A, %run_scoped3A_32, %dma_wait3A_73] : memref<32x160x64xi32, #tpu.memory_space<hbm>> -> memref<1x1x64xi32, #tpu.memory_space<hbm>>
      %dma_wait3A_75 = tpu.memref_squeeze %dma_wait3A_74 : memref<1x1x64xi32, #tpu.memory_space<hbm>> -> memref<64xi32, #tpu.memory_space<hbm>>
      tpu.wait_dma2 semaphore(%run_scoped3A_64 : memref<!tpu.dma_semaphore, #tpu.memory_space<semaphore_mem>>) src(%dma_wait3A_75 : memref<64xi32, #tpu.memory_space<hbm>>) dst(%arg8 : memref<64xi32, #tpu.memory_space<vmem>>)
      tpu.yield
    }) : () -> ()
    %dma_start3A_33 = arith.constant 128 : i32
    %dma_start3A_34 = arith.constant 0 : i32
    %dma_start3A_35 = tpu.memref_slice %arg11[%dma_start3A_33, %dma_start3A_34] : memref<256x128xf32, #tpu.memory_space<vmem>> -> memref<64x128xf32, #tpu.memory_space<vmem>>
    %dma_start3A_36 = arith.constant 0 : i32
    %dma_start3A_37 = arith.constant 0 : i32
    %dma_start3A_38 = tpu.memref_slice %arg2[%dma_start3A_36, %dma_start3A_37] : memref<10240x128xf32, #tpu.memory_space<hbm>> -> memref<10240x128xf32, #tpu.memory_space<hbm>>
    tpu.enqueue_indirect_dma source(%dma_start3A_38 : memref<10240x128xf32, #tpu.memory_space<hbm>>) target(%dma_start3A_35 : memref<64x128xf32, #tpu.memory_space<vmem>>) offsets(%arg8 : memref<64xi32, #tpu.memory_space<vmem>>) semaphore(%arg15 : memref<!tpu.dma_semaphore, #tpu.memory_space<semaphore_mem>>)
    %run_scoped3A_39 = arith.constant 3 : i32
    "tpu.region"() ({
      %run_scoped3A_64 = tpu.sem_alloc : memref<!tpu.dma_semaphore, #tpu.memory_space<semaphore_mem>>
      %dma_start3A_65 = arith.constant 0 : i32
      %dma_start3A_66 = tpu.memref_slice %arg3[%add3A, %run_scoped3A_39, %dma_start3A_65] : memref<32x160x64xi32, #tpu.memory_space<hbm>> -> memref<1x1x64xi32, #tpu.memory_space<hbm>>
      %dma_start3A_67 = tpu.memref_squeeze %dma_start3A_66 : memref<1x1x64xi32, #tpu.memory_space<hbm>> -> memref<64xi32, #tpu.memory_space<hbm>>
      %dma_start3A_68 = arith.constant 0 : i32
      %dma_start3A_69 = tpu.memref_slice %arg3[%add3A, %run_scoped3A_39, %dma_start3A_68] : memref<32x160x64xi32, #tpu.memory_space<hbm>> -> memref<1x1x64xi32, #tpu.memory_space<hbm>>
      %dma_start3A_70 = tpu.memref_squeeze %dma_start3A_69 : memref<1x1x64xi32, #tpu.memory_space<hbm>> -> memref<64xi32, #tpu.memory_space<hbm>>
      tpu.enqueue_dma source(%dma_start3A_70 : memref<64xi32, #tpu.memory_space<hbm>>) target(%arg9 : memref<64xi32, #tpu.memory_space<vmem>>) target_semaphore(%run_scoped3A_64 : memref<!tpu.dma_semaphore, #tpu.memory_space<semaphore_mem>>)
      %dma_wait3A = arith.constant 0 : i32
      %dma_wait3A_71 = tpu.memref_slice %arg3[%add3A, %run_scoped3A_39, %dma_wait3A] : memref<32x160x64xi32, #tpu.memory_space<hbm>> -> memref<1x1x64xi32, #tpu.memory_space<hbm>>
      %dma_wait3A_72 = tpu.memref_squeeze %dma_wait3A_71 : memref<1x1x64xi32, #tpu.memory_space<hbm>> -> memref<64xi32, #tpu.memory_space<hbm>>
      %dma_wait3A_73 = arith.constant 0 : i32
      %dma_wait3A_74 = tpu.memref_slice %arg3[%add3A, %run_scoped3A_39, %dma_wait3A_73] : memref<32x160x64xi32, #tpu.memory_space<hbm>> -> memref<1x1x64xi32, #tpu.memory_space<hbm>>
      %dma_wait3A_75 = tpu.memref_squeeze %dma_wait3A_74 : memref<1x1x64xi32, #tpu.memory_space<hbm>> -> memref<64xi32, #tpu.memory_space<hbm>>
      tpu.wait_dma2 semaphore(%run_scoped3A_64 : memref<!tpu.dma_semaphore, #tpu.memory_space<semaphore_mem>>) src(%dma_wait3A_75 : memref<64xi32, #tpu.memory_space<hbm>>) dst(%arg9 : memref<64xi32, #tpu.memory_space<vmem>>)
      tpu.yield
    }) : () -> ()
    %dma_start3A_40 = arith.constant 192 : i32
    %dma_start3A_41 = arith.constant 0 : i32
    %dma_start3A_42 = tpu.memref_slice %arg11[%dma_start3A_40, %dma_start3A_41] : memref<256x128xf32, #tpu.memory_space<vmem>> -> memref<64x128xf32, #tpu.memory_space<vmem>>
    %dma_start3A_43 = arith.constant 0 : i32
    %dma_start3A_44 = arith.constant 0 : i32
    %dma_start3A_45 = tpu.memref_slice %arg2[%dma_start3A_43, %dma_start3A_44] : memref<10240x128xf32, #tpu.memory_space<hbm>> -> memref<10240x128xf32, #tpu.memory_space<hbm>>
    tpu.enqueue_indirect_dma source(%dma_start3A_45 : memref<10240x128xf32, #tpu.memory_space<hbm>>) target(%dma_start3A_42 : memref<64x128xf32, #tpu.memory_space<vmem>>) offsets(%arg9 : memref<64xi32, #tpu.memory_space<vmem>>) semaphore(%arg16 : memref<!tpu.dma_semaphore, #tpu.memory_space<semaphore_mem>>)
    %scan3A_46 = arith.constant 0 : i32
    %scan3A_47 = arith.constant 0 : i32
    %scan3A_48 = arith.constant 40 : i32
    %scan3A_49 = arith.addi %scan3A_47, %scan3A_48 : i32
    %scan3A_50 = arith.constant 1 : i32
    %scan3A_51 = scf.for %scan3A_64 = %scan3A_47 to %scan3A_49 step %scan3A_50 iter_args(%scan3A_65 = %scan3A_46) -> (i32)  : i32 {
      %mul3A_66 = arith.constant 2 : i32
      %mul3A_67 = arith.muli %mul3A_66, %scan3A_64 : i32
      %dma_wait3A = arith.constant 0 : i32
      %dma_wait3A_68 = arith.constant 0 : i32
      %dma_wait3A_69 = tpu.memref_slice %arg11[%dma_wait3A, %dma_wait3A_68] : memref<256x128xf32, #tpu.memory_space<vmem>> -> memref<64x128xf32, #tpu.memory_space<vmem>>
      %dma_wait3A_70 = arith.constant 0 : i32
      %dma_wait3A_71 = arith.constant 0 : i32
      %dma_wait3A_72 = tpu.memref_slice %arg2[%dma_wait3A_70, %dma_wait3A_71] : memref<10240x128xf32, #tpu.memory_space<hbm>> -> memref<10240x128xf32, #tpu.memory_space<hbm>>
      tpu.wait_indirect_dma semaphore(%arg13 : memref<!tpu.dma_semaphore, #tpu.memory_space<semaphore_mem>>) src(%dma_wait3A_72 : memref<10240x128xf32, #tpu.memory_space<hbm>>) dst(%dma_wait3A_69 : memref<64x128xf32, #tpu.memory_space<vmem>>)
      %dma_wait3A_73 = arith.constant 64 : i32
      %dma_wait3A_74 = arith.constant 0 : i32
      %dma_wait3A_75 = tpu.memref_slice %arg11[%dma_wait3A_73, %dma_wait3A_74] : memref<256x128xf32, #tpu.memory_space<vmem>> -> memref<64x128xf32, #tpu.memory_space<vmem>>
      %dma_wait3A_76 = arith.constant 0 : i32
      %dma_wait3A_77 = arith.constant 0 : i32
      %dma_wait3A_78 = tpu.memref_slice %arg2[%dma_wait3A_76, %dma_wait3A_77] : memref<10240x128xf32, #tpu.memory_space<hbm>> -> memref<10240x128xf32, #tpu.memory_space<hbm>>
      tpu.wait_indirect_dma semaphore(%arg14 : memref<!tpu.dma_semaphore, #tpu.memory_space<semaphore_mem>>) src(%dma_wait3A_78 : memref<10240x128xf32, #tpu.memory_space<hbm>>) dst(%dma_wait3A_75 : memref<64x128xf32, #tpu.memory_space<vmem>>)
      %add3A_79 = arith.constant 0 : i32
      %add3A_80 = arith.addi %mul3A_67, %add3A_79 : i32
      "tpu.region"() ({
        %run_scoped3A_122 = tpu.sem_alloc : memref<!tpu.dma_semaphore, #tpu.memory_space<semaphore_mem>>
        %dma_start3A_123 = arith.constant 0 : i32
        %dma_start3A_124 = arith.constant 0 : i32
        %dma_start3A_125 = tpu.memref_slice %arg11[%dma_start3A_123, %dma_start3A_124] : memref<256x128xf32, #tpu.memory_space<vmem>> -> memref<128x128xf32, #tpu.memory_space<vmem>>
        %dma_start3A_126 = arith.constant 0 : i32
        %dma_start3A_127 = tpu.memref_slice %arg10[%add3A_80, %dma_start3A_126] : memref<80x128xi32, #tpu.memory_space<vmem>> -> memref<1x128xi32, #tpu.memory_space<vmem>>
        %dma_start3A_128 = tpu.memref_squeeze %dma_start3A_127 : memref<1x128xi32, #tpu.memory_space<vmem>> -> memref<128xi32, #tpu.memory_space<vmem>>
        %dma_start3A_129 = arith.constant 0 : i32
        %dma_start3A_130 = arith.constant 0 : i32
        %dma_start3A_131 = tpu.memref_slice %arg12[%dma_start3A_129, %dma_start3A_130] : memref<10240x128xf32, #tpu.memory_space<vmem_shared>> -> memref<10240x128xf32, #tpu.memory_space<vmem_shared>>
        tpu.enqueue_indirect_dma source(%dma_start3A_125 : memref<128x128xf32, #tpu.memory_space<vmem>>) target(%dma_start3A_131 : memref<10240x128xf32, #tpu.memory_space<vmem_shared>>) offsets(%dma_start3A_128 : memref<128xi32, #tpu.memory_space<vmem>>) semaphore(%run_scoped3A_122 : memref<!tpu.dma_semaphore, #tpu.memory_space<semaphore_mem>>) {add = true}
        %dma_wait3A_132 = arith.constant 0 : i32
        %dma_wait3A_133 = arith.constant 0 : i32
        %dma_wait3A_134 = tpu.memref_slice %arg11[%dma_wait3A_132, %dma_wait3A_133] : memref<256x128xf32, #tpu.memory_space<vmem>> -> memref<128x128xf32, #tpu.memory_space<vmem>>
        %dma_wait3A_135 = arith.constant 0 : i32
        %dma_wait3A_136 = tpu.memref_slice %arg10[%add3A_80, %dma_wait3A_135] : memref<80x128xi32, #tpu.memory_space<vmem>> -> memref<1x128xi32, #tpu.memory_space<vmem>>
        %dma_wait3A_137 = tpu.memref_squeeze %dma_wait3A_136 : memref<1x128xi32, #tpu.memory_space<vmem>> -> memref<128xi32, #tpu.memory_space<vmem>>
        %dma_wait3A_138 = arith.constant 0 : i32
        %dma_wait3A_139 = arith.constant 0 : i32
        %dma_wait3A_140 = tpu.memref_slice %arg12[%dma_wait3A_138, %dma_wait3A_139] : memref<10240x128xf32, #tpu.memory_space<vmem_shared>> -> memref<10240x128xf32, #tpu.memory_space<vmem_shared>>
        tpu.wait_indirect_dma semaphore(%run_scoped3A_122 : memref<!tpu.dma_semaphore, #tpu.memory_space<semaphore_mem>>) src(%dma_wait3A_134 : memref<128x128xf32, #tpu.memory_space<vmem>>) dst(%dma_wait3A_140 : memref<10240x128xf32, #tpu.memory_space<vmem_shared>>)
        tpu.yield
      }) : () -> ()
      %add3A_81 = arith.constant 0 : i32
      %add3A_82 = arith.addi %mul3A_67, %add3A_81 : i32
      %mul3A_83 = arith.constant 2 : i32
      %mul3A_84 = arith.muli %mul3A_83, %add3A_82 : i32
      %add3A_85 = arith.constant 4 : i32
      %add3A_86 = arith.addi %mul3A_84, %add3A_85 : i32
      %add3A_87 = arith.constant 2 : i32
      %add3A_88 = arith.addi %add3A_86, %add3A_87 : i32
      %sub3A = arith.constant 1 : i32
      %sub3A_89 = arith.subi %add3A_88, %sub3A : i32
      %lt3A = arith.constant 160 : i32
      %lt3A_90 = arith.cmpi slt, %sub3A_89, %lt3A : i32
      %convert_element_type3A = arith.extui %lt3A_90 : i1 to i32
      %cond3A = arith.constant 0 : i32
      %cond3A_91 = arith.cmpi ne, %convert_element_type3A, %cond3A : i32
      scf.if %cond3A_91 {
        %add3A_122 = arith.constant 0 : i32
        %add3A_123 = arith.addi %add3A_86, %add3A_122 : i32
        "tpu.region"() ({
          %run_scoped3A_138 = tpu.sem_alloc : memref<!tpu.dma_semaphore, #tpu.memory_space<semaphore_mem>>
          %dma_start3A_139 = arith.constant 0 : i32
          %dma_start3A_140 = tpu.memref_slice %arg3[%add3A, %add3A_123, %dma_start3A_139] : memref<32x160x64xi32, #tpu.memory_space<hbm>> -> memref<1x1x64xi32, #tpu.memory_space<hbm>>
          %dma_start3A_141 = tpu.memref_squeeze %dma_start3A_140 : memref<1x1x64xi32, #tpu.memory_space<hbm>> -> memref<64xi32, #tpu.memory_space<hbm>>
          %dma_start3A_142 = arith.constant 0 : i32
          %dma_start3A_143 = tpu.memref_slice %arg3[%add3A, %add3A_123, %dma_start3A_142] : memref<32x160x64xi32, #tpu.memory_space<hbm>> -> memref<1x1x64xi32, #tpu.memory_space<hbm>>
          %dma_start3A_144 = tpu.memref_squeeze %dma_start3A_143 : memref<1x1x64xi32, #tpu.memory_space<hbm>> -> memref<64xi32, #tpu.memory_space<hbm>>
          tpu.enqueue_dma source(%dma_start3A_144 : memref<64xi32, #tpu.memory_space<hbm>>) target(%arg6 : memref<64xi32, #tpu.memory_space<vmem>>) target_semaphore(%run_scoped3A_138 : memref<!tpu.dma_semaphore, #tpu.memory_space<semaphore_mem>>)
          %dma_wait3A_145 = arith.constant 0 : i32
          %dma_wait3A_146 = tpu.memref_slice %arg3[%add3A, %add3A_123, %dma_wait3A_145] : memref<32x160x64xi32, #tpu.memory_space<hbm>> -> memref<1x1x64xi32, #tpu.memory_space<hbm>>
          %dma_wait3A_147 = tpu.memref_squeeze %dma_wait3A_146 : memref<1x1x64xi32, #tpu.memory_space<hbm>> -> memref<64xi32, #tpu.memory_space<hbm>>
          %dma_wait3A_148 = arith.constant 0 : i32
          %dma_wait3A_149 = tpu.memref_slice %arg3[%add3A, %add3A_123, %dma_wait3A_148] : memref<32x160x64xi32, #tpu.memory_space<hbm>> -> memref<1x1x64xi32, #tpu.memory_space<hbm>>
          %dma_wait3A_150 = tpu.memref_squeeze %dma_wait3A_149 : memref<1x1x64xi32, #tpu.memory_space<hbm>> -> memref<64xi32, #tpu.memory_space<hbm>>
          tpu.wait_dma2 semaphore(%run_scoped3A_138 : memref<!tpu.dma_semaphore, #tpu.memory_space<semaphore_mem>>) src(%dma_wait3A_150 : memref<64xi32, #tpu.memory_space<hbm>>) dst(%arg6 : memref<64xi32, #tpu.memory_space<vmem>>)
          tpu.yield
        }) : () -> ()
        %dma_start3A_124 = arith.constant 0 : i32
        %dma_start3A_125 = arith.constant 0 : i32
        %dma_start3A_126 = tpu.memref_slice %arg11[%dma_start3A_124, %dma_start3A_125] : memref<256x128xf32, #tpu.memory_space<vmem>> -> memref<64x128xf32, #tpu.memory_space<vmem>>
        %dma_start3A_127 = arith.constant 0 : i32
        %dma_start3A_128 = arith.constant 0 : i32
        %dma_start3A_129 = tpu.memref_slice %arg2[%dma_start3A_127, %dma_start3A_128] : memref<10240x128xf32, #tpu.memory_space<hbm>> -> memref<10240x128xf32, #tpu.memory_space<hbm>>
        tpu.enqueue_indirect_dma source(%dma_start3A_129 : memref<10240x128xf32, #tpu.memory_space<hbm>>) target(%dma_start3A_126 : memref<64x128xf32, #tpu.memory_space<vmem>>) offsets(%arg6 : memref<64xi32, #tpu.memory_space<vmem>>) semaphore(%arg13 : memref<!tpu.dma_semaphore, #tpu.memory_space<semaphore_mem>>)
        %add3A_130 = arith.constant 1 : i32
        %add3A_131 = arith.addi %add3A_86, %add3A_130 : i32
        "tpu.region"() ({
          %run_scoped3A_138 = tpu.sem_alloc : memref<!tpu.dma_semaphore, #tpu.memory_space<semaphore_mem>>
          %dma_start3A_139 = arith.constant 0 : i32
          %dma_start3A_140 = tpu.memref_slice %arg3[%add3A, %add3A_131, %dma_start3A_139] : memref<32x160x64xi32, #tpu.memory_space<hbm>> -> memref<1x1x64xi32, #tpu.memory_space<hbm>>
          %dma_start3A_141 = tpu.memref_squeeze %dma_start3A_140 : memref<1x1x64xi32, #tpu.memory_space<hbm>> -> memref<64xi32, #tpu.memory_space<hbm>>
          %dma_start3A_142 = arith.constant 0 : i32
          %dma_start3A_143 = tpu.memref_slice %arg3[%add3A, %add3A_131, %dma_start3A_142] : memref<32x160x64xi32, #tpu.memory_space<hbm>> -> memref<1x1x64xi32, #tpu.memory_space<hbm>>
          %dma_start3A_144 = tpu.memref_squeeze %dma_start3A_143 : memref<1x1x64xi32, #tpu.memory_space<hbm>> -> memref<64xi32, #tpu.memory_space<hbm>>
          tpu.enqueue_dma source(%dma_start3A_144 : memref<64xi32, #tpu.memory_space<hbm>>) target(%arg7 : memref<64xi32, #tpu.memory_space<vmem>>) target_semaphore(%run_scoped3A_138 : memref<!tpu.dma_semaphore, #tpu.memory_space<semaphore_mem>>)
          %dma_wait3A_145 = arith.constant 0 : i32
          %dma_wait3A_146 = tpu.memref_slice %arg3[%add3A, %add3A_131, %dma_wait3A_145] : memref<32x160x64xi32, #tpu.memory_space<hbm>> -> memref<1x1x64xi32, #tpu.memory_space<hbm>>
          %dma_wait3A_147 = tpu.memref_squeeze %dma_wait3A_146 : memref<1x1x64xi32, #tpu.memory_space<hbm>> -> memref<64xi32, #tpu.memory_space<hbm>>
          %dma_wait3A_148 = arith.constant 0 : i32
          %dma_wait3A_149 = tpu.memref_slice %arg3[%add3A, %add3A_131, %dma_wait3A_148] : memref<32x160x64xi32, #tpu.memory_space<hbm>> -> memref<1x1x64xi32, #tpu.memory_space<hbm>>
          %dma_wait3A_150 = tpu.memref_squeeze %dma_wait3A_149 : memref<1x1x64xi32, #tpu.memory_space<hbm>> -> memref<64xi32, #tpu.memory_space<hbm>>
          tpu.wait_dma2 semaphore(%run_scoped3A_138 : memref<!tpu.dma_semaphore, #tpu.memory_space<semaphore_mem>>) src(%dma_wait3A_150 : memref<64xi32, #tpu.memory_space<hbm>>) dst(%arg7 : memref<64xi32, #tpu.memory_space<vmem>>)
          tpu.yield
        }) : () -> ()
        %dma_start3A_132 = arith.constant 64 : i32
        %dma_start3A_133 = arith.constant 0 : i32
        %dma_start3A_134 = tpu.memref_slice %arg11[%dma_start3A_132, %dma_start3A_133] : memref<256x128xf32, #tpu.memory_space<vmem>> -> memref<64x128xf32, #tpu.memory_space<vmem>>
        %dma_start3A_135 = arith.constant 0 : i32
        %dma_start3A_136 = arith.constant 0 : i32
        %dma_start3A_137 = tpu.memref_slice %arg2[%dma_start3A_135, %dma_start3A_136] : memref<10240x128xf32, #tpu.memory_space<hbm>> -> memref<10240x128xf32, #tpu.memory_space<hbm>>
        tpu.enqueue_indirect_dma source(%dma_start3A_137 : memref<10240x128xf32, #tpu.memory_space<hbm>>) target(%dma_start3A_134 : memref<64x128xf32, #tpu.memory_space<vmem>>) offsets(%arg7 : memref<64xi32, #tpu.memory_space<vmem>>) semaphore(%arg14 : memref<!tpu.dma_semaphore, #tpu.memory_space<semaphore_mem>>)
      } else {
      }
      %dma_wait3A_92 = arith.constant 128 : i32
      %dma_wait3A_93 = arith.constant 0 : i32
      %dma_wait3A_94 = tpu.memref_slice %arg11[%dma_wait3A_92, %dma_wait3A_93] : memref<256x128xf32, #tpu.memory_space<vmem>> -> memref<64x128xf32, #tpu.memory_space<vmem>>
      %dma_wait3A_95 = arith.constant 0 : i32
      %dma_wait3A_96 = arith.constant 0 : i32
      %dma_wait3A_97 = tpu.memref_slice %arg2[%dma_wait3A_95, %dma_wait3A_96] : memref<10240x128xf32, #tpu.memory_space<hbm>> -> memref<10240x128xf32, #tpu.memory_space<hbm>>
      tpu.wait_indirect_dma semaphore(%arg15 : memref<!tpu.dma_semaphore, #tpu.memory_space<semaphore_mem>>) src(%dma_wait3A_97 : memref<10240x128xf32, #tpu.memory_space<hbm>>) dst(%dma_wait3A_94 : memref<64x128xf32, #tpu.memory_space<vmem>>)
      %dma_wait3A_98 = arith.constant 192 : i32
      %dma_wait3A_99 = arith.constant 0 : i32
      %dma_wait3A_100 = tpu.memref_slice %arg11[%dma_wait3A_98, %dma_wait3A_99] : memref<256x128xf32, #tpu.memory_space<vmem>> -> memref<64x128xf32, #tpu.memory_space<vmem>>
      %dma_wait3A_101 = arith.constant 0 : i32
      %dma_wait3A_102 = arith.constant 0 : i32
      %dma_wait3A_103 = tpu.memref_slice %arg2[%dma_wait3A_101, %dma_wait3A_102] : memref<10240x128xf32, #tpu.memory_space<hbm>> -> memref<10240x128xf32, #tpu.memory_space<hbm>>
      tpu.wait_indirect_dma semaphore(%arg16 : memref<!tpu.dma_semaphore, #tpu.memory_space<semaphore_mem>>) src(%dma_wait3A_103 : memref<10240x128xf32, #tpu.memory_space<hbm>>) dst(%dma_wait3A_100 : memref<64x128xf32, #tpu.memory_space<vmem>>)
      %add3A_104 = arith.constant 1 : i32
      %add3A_105 = arith.addi %mul3A_67, %add3A_104 : i32
      "tpu.region"() ({
        %run_scoped3A_122 = tpu.sem_alloc : memref<!tpu.dma_semaphore, #tpu.memory_space<semaphore_mem>>
        %dma_start3A_123 = arith.constant 128 : i32
        %dma_start3A_124 = arith.constant 0 : i32
        %dma_start3A_125 = tpu.memref_slice %arg11[%dma_start3A_123, %dma_start3A_124] : memref<256x128xf32, #tpu.memory_space<vmem>> -> memref<128x128xf32, #tpu.memory_space<vmem>>
        %dma_start3A_126 = arith.constant 0 : i32
        %dma_start3A_127 = tpu.memref_slice %arg10[%add3A_105, %dma_start3A_126] : memref<80x128xi32, #tpu.memory_space<vmem>> -> memref<1x128xi32, #tpu.memory_space<vmem>>
        %dma_start3A_128 = tpu.memref_squeeze %dma_start3A_127 : memref<1x128xi32, #tpu.memory_space<vmem>> -> memref<128xi32, #tpu.memory_space<vmem>>
        %dma_start3A_129 = arith.constant 0 : i32
        %dma_start3A_130 = arith.constant 0 : i32
        %dma_start3A_131 = tpu.memref_slice %arg12[%dma_start3A_129, %dma_start3A_130] : memref<10240x128xf32, #tpu.memory_space<vmem_shared>> -> memref<10240x128xf32, #tpu.memory_space<vmem_shared>>
        tpu.enqueue_indirect_dma source(%dma_start3A_125 : memref<128x128xf32, #tpu.memory_space<vmem>>) target(%dma_start3A_131 : memref<10240x128xf32, #tpu.memory_space<vmem_shared>>) offsets(%dma_start3A_128 : memref<128xi32, #tpu.memory_space<vmem>>) semaphore(%run_scoped3A_122 : memref<!tpu.dma_semaphore, #tpu.memory_space<semaphore_mem>>) {add = true}
        %dma_wait3A_132 = arith.constant 128 : i32
        %dma_wait3A_133 = arith.constant 0 : i32
        %dma_wait3A_134 = tpu.memref_slice %arg11[%dma_wait3A_132, %dma_wait3A_133] : memref<256x128xf32, #tpu.memory_space<vmem>> -> memref<128x128xf32, #tpu.memory_space<vmem>>
        %dma_wait3A_135 = arith.constant 0 : i32
        %dma_wait3A_136 = tpu.memref_slice %arg10[%add3A_105, %dma_wait3A_135] : memref<80x128xi32, #tpu.memory_space<vmem>> -> memref<1x128xi32, #tpu.memory_space<vmem>>
        %dma_wait3A_137 = tpu.memref_squeeze %dma_wait3A_136 : memref<1x128xi32, #tpu.memory_space<vmem>> -> memref<128xi32, #tpu.memory_space<vmem>>
        %dma_wait3A_138 = arith.constant 0 : i32
        %dma_wait3A_139 = arith.constant 0 : i32
        %dma_wait3A_140 = tpu.memref_slice %arg12[%dma_wait3A_138, %dma_wait3A_139] : memref<10240x128xf32, #tpu.memory_space<vmem_shared>> -> memref<10240x128xf32, #tpu.memory_space<vmem_shared>>
        tpu.wait_indirect_dma semaphore(%run_scoped3A_122 : memref<!tpu.dma_semaphore, #tpu.memory_space<semaphore_mem>>) src(%dma_wait3A_134 : memref<128x128xf32, #tpu.memory_space<vmem>>) dst(%dma_wait3A_140 : memref<10240x128xf32, #tpu.memory_space<vmem_shared>>)
        tpu.yield
      }) : () -> ()
      %add3A_106 = arith.constant 1 : i32
      %add3A_107 = arith.addi %mul3A_67, %add3A_106 : i32
      %mul3A_108 = arith.constant 2 : i32
      %mul3A_109 = arith.muli %mul3A_108, %add3A_107 : i32
      %add3A_110 = arith.constant 4 : i32
      %add3A_111 = arith.addi %mul3A_109, %add3A_110 : i32
      %add3A_112 = arith.constant 2 : i32
      %add3A_113 = arith.addi %add3A_111, %add3A_112 : i32
      %sub3A_114 = arith.constant 1 : i32
      %sub3A_115 = arith.subi %add3A_113, %sub3A_114 : i32
      %lt3A_116 = arith.constant 160 : i32
      %lt3A_117 = arith.cmpi slt, %sub3A_115, %lt3A_116 : i32
      %convert_element_type3A_118 = arith.extui %lt3A_117 : i1 to i32
      %cond3A_119 = arith.constant 0 : i32
      %cond3A_120 = arith.cmpi ne, %convert_element_type3A_118, %cond3A_119 : i32
      scf.if %cond3A_120 {
        %add3A_122 = arith.constant 0 : i32
        %add3A_123 = arith.addi %add3A_111, %add3A_122 : i32
        "tpu.region"() ({
          %run_scoped3A_138 = tpu.sem_alloc : memref<!tpu.dma_semaphore, #tpu.memory_space<semaphore_mem>>
          %dma_start3A_139 = arith.constant 0 : i32
          %dma_start3A_140 = tpu.memref_slice %arg3[%add3A, %add3A_123, %dma_start3A_139] : memref<32x160x64xi32, #tpu.memory_space<hbm>> -> memref<1x1x64xi32, #tpu.memory_space<hbm>>
          %dma_start3A_141 = tpu.memref_squeeze %dma_start3A_140 : memref<1x1x64xi32, #tpu.memory_space<hbm>> -> memref<64xi32, #tpu.memory_space<hbm>>
          %dma_start3A_142 = arith.constant 0 : i32
          %dma_start3A_143 = tpu.memref_slice %arg3[%add3A, %add3A_123, %dma_start3A_142] : memref<32x160x64xi32, #tpu.memory_space<hbm>> -> memref<1x1x64xi32, #tpu.memory_space<hbm>>
          %dma_start3A_144 = tpu.memref_squeeze %dma_start3A_143 : memref<1x1x64xi32, #tpu.memory_space<hbm>> -> memref<64xi32, #tpu.memory_space<hbm>>
          tpu.enqueue_dma source(%dma_start3A_144 : memref<64xi32, #tpu.memory_space<hbm>>) target(%arg8 : memref<64xi32, #tpu.memory_space<vmem>>) target_semaphore(%run_scoped3A_138 : memref<!tpu.dma_semaphore, #tpu.memory_space<semaphore_mem>>)
          %dma_wait3A_145 = arith.constant 0 : i32
          %dma_wait3A_146 = tpu.memref_slice %arg3[%add3A, %add3A_123, %dma_wait3A_145] : memref<32x160x64xi32, #tpu.memory_space<hbm>> -> memref<1x1x64xi32, #tpu.memory_space<hbm>>
          %dma_wait3A_147 = tpu.memref_squeeze %dma_wait3A_146 : memref<1x1x64xi32, #tpu.memory_space<hbm>> -> memref<64xi32, #tpu.memory_space<hbm>>
          %dma_wait3A_148 = arith.constant 0 : i32
          %dma_wait3A_149 = tpu.memref_slice %arg3[%add3A, %add3A_123, %dma_wait3A_148] : memref<32x160x64xi32, #tpu.memory_space<hbm>> -> memref<1x1x64xi32, #tpu.memory_space<hbm>>
          %dma_wait3A_150 = tpu.memref_squeeze %dma_wait3A_149 : memref<1x1x64xi32, #tpu.memory_space<hbm>> -> memref<64xi32, #tpu.memory_space<hbm>>
          tpu.wait_dma2 semaphore(%run_scoped3A_138 : memref<!tpu.dma_semaphore, #tpu.memory_space<semaphore_mem>>) src(%dma_wait3A_150 : memref<64xi32, #tpu.memory_space<hbm>>) dst(%arg8 : memref<64xi32, #tpu.memory_space<vmem>>)
          tpu.yield
        }) : () -> ()
        %dma_start3A_124 = arith.constant 128 : i32
        %dma_start3A_125 = arith.constant 0 : i32
        %dma_start3A_126 = tpu.memref_slice %arg11[%dma_start3A_124, %dma_start3A_125] : memref<256x128xf32, #tpu.memory_space<vmem>> -> memref<64x128xf32, #tpu.memory_space<vmem>>
        %dma_start3A_127 = arith.constant 0 : i32
        %dma_start3A_128 = arith.constant 0 : i32
        %dma_start3A_129 = tpu.memref_slice %arg2[%dma_start3A_127, %dma_start3A_128] : memref<10240x128xf32, #tpu.memory_space<hbm>> -> memref<10240x128xf32, #tpu.memory_space<hbm>>
        tpu.enqueue_indirect_dma source(%dma_start3A_129 : memref<10240x128xf32, #tpu.memory_space<hbm>>) target(%dma_start3A_126 : memref<64x128xf32, #tpu.memory_space<vmem>>) offsets(%arg8 : memref<64xi32, #tpu.memory_space<vmem>>) semaphore(%arg15 : memref<!tpu.dma_semaphore, #tpu.memory_space<semaphore_mem>>)
        %add3A_130 = arith.constant 1 : i32
        %add3A_131 = arith.addi %add3A_111, %add3A_130 : i32
        "tpu.region"() ({
          %run_scoped3A_138 = tpu.sem_alloc : memref<!tpu.dma_semaphore, #tpu.memory_space<semaphore_mem>>
          %dma_start3A_139 = arith.constant 0 : i32
          %dma_start3A_140 = tpu.memref_slice %arg3[%add3A, %add3A_131, %dma_start3A_139] : memref<32x160x64xi32, #tpu.memory_space<hbm>> -> memref<1x1x64xi32, #tpu.memory_space<hbm>>
          %dma_start3A_141 = tpu.memref_squeeze %dma_start3A_140 : memref<1x1x64xi32, #tpu.memory_space<hbm>> -> memref<64xi32, #tpu.memory_space<hbm>>
          %dma_start3A_142 = arith.constant 0 : i32
          %dma_start3A_143 = tpu.memref_slice %arg3[%add3A, %add3A_131, %dma_start3A_142] : memref<32x160x64xi32, #tpu.memory_space<hbm>> -> memref<1x1x64xi32, #tpu.memory_space<hbm>>
          %dma_start3A_144 = tpu.memref_squeeze %dma_start3A_143 : memref<1x1x64xi32, #tpu.memory_space<hbm>> -> memref<64xi32, #tpu.memory_space<hbm>>
          tpu.enqueue_dma source(%dma_start3A_144 : memref<64xi32, #tpu.memory_space<hbm>>) target(%arg9 : memref<64xi32, #tpu.memory_space<vmem>>) target_semaphore(%run_scoped3A_138 : memref<!tpu.dma_semaphore, #tpu.memory_space<semaphore_mem>>)
          %dma_wait3A_145 = arith.constant 0 : i32
          %dma_wait3A_146 = tpu.memref_slice %arg3[%add3A, %add3A_131, %dma_wait3A_145] : memref<32x160x64xi32, #tpu.memory_space<hbm>> -> memref<1x1x64xi32, #tpu.memory_space<hbm>>
          %dma_wait3A_147 = tpu.memref_squeeze %dma_wait3A_146 : memref<1x1x64xi32, #tpu.memory_space<hbm>> -> memref<64xi32, #tpu.memory_space<hbm>>
          %dma_wait3A_148 = arith.constant 0 : i32
          %dma_wait3A_149 = tpu.memref_slice %arg3[%add3A, %add3A_131, %dma_wait3A_148] : memref<32x160x64xi32, #tpu.memory_space<hbm>> -> memref<1x1x64xi32, #tpu.memory_space<hbm>>
          %dma_wait3A_150 = tpu.memref_squeeze %dma_wait3A_149 : memref<1x1x64xi32, #tpu.memory_space<hbm>> -> memref<64xi32, #tpu.memory_space<hbm>>
          tpu.wait_dma2 semaphore(%run_scoped3A_138 : memref<!tpu.dma_semaphore, #tpu.memory_space<semaphore_mem>>) src(%dma_wait3A_150 : memref<64xi32, #tpu.memory_space<hbm>>) dst(%arg9 : memref<64xi32, #tpu.memory_space<vmem>>)
          tpu.yield
        }) : () -> ()
        %dma_start3A_132 = arith.constant 192 : i32
        %dma_start3A_133 = arith.constant 0 : i32
        %dma_start3A_134 = tpu.memref_slice %arg11[%dma_start3A_132, %dma_start3A_133] : memref<256x128xf32, #tpu.memory_space<vmem>> -> memref<64x128xf32, #tpu.memory_space<vmem>>
        %dma_start3A_135 = arith.constant 0 : i32
        %dma_start3A_136 = arith.constant 0 : i32
        %dma_start3A_137 = tpu.memref_slice %arg2[%dma_start3A_135, %dma_start3A_136] : memref<10240x128xf32, #tpu.memory_space<hbm>> -> memref<10240x128xf32, #tpu.memory_space<hbm>>
        tpu.enqueue_indirect_dma source(%dma_start3A_137 : memref<10240x128xf32, #tpu.memory_space<hbm>>) target(%dma_start3A_134 : memref<64x128xf32, #tpu.memory_space<vmem>>) offsets(%arg9 : memref<64xi32, #tpu.memory_space<vmem>>) semaphore(%arg16 : memref<!tpu.dma_semaphore, #tpu.memory_space<semaphore_mem>>)
      } else {
      }
      %scan3A_121 = arith.constant 0 : i32
      scf.yield %scan3A_121 : i32
    }
    %scan3A_52 = arith.constant 40 : i32
    %barrier3A_53 = arith.constant 0 : index
    tpu.barrier barrier_id(%barrier3A_53)
    %add3A_54 = arith.constant 0 : i32
    %add3A_55 = arith.addi %mul3A_9, %add3A_54 : i32
    "tpu.region"() ({
      %run_scoped3A_64 = tpu.sem_alloc : memref<!tpu.dma_semaphore, #tpu.memory_space<semaphore_mem>>
      %dma_start3A_65 = arith.constant 0 : i32
      %dma_start3A_66 = tpu.memref_slice %arg5[%arg0, %add3A_55, %dma_start3A_65] : memref<2x10240x128xf32, #tpu.memory_space<hbm>> -> memref<1x128x128xf32, #tpu.memory_space<hbm>>
      %dma_start3A_67 = tpu.memref_squeeze %dma_start3A_66 : memref<1x128x128xf32, #tpu.memory_space<hbm>> -> memref<128x128xf32, #tpu.memory_space<hbm>>
      %dma_start3A_68 = arith.constant 0 : i32
      %dma_start3A_69 = tpu.memref_slice %arg12[%add3A_55, %dma_start3A_68] : memref<10240x128xf32, #tpu.memory_space<vmem_shared>> -> memref<128x128xf32, #tpu.memory_space<vmem_shared>>
      tpu.enqueue_dma source(%dma_start3A_69 : memref<128x128xf32, #tpu.memory_space<vmem_shared>>) target(%dma_start3A_67 : memref<128x128xf32, #tpu.memory_space<hbm>>) target_semaphore(%run_scoped3A_64 : memref<!tpu.dma_semaphore, #tpu.memory_space<semaphore_mem>>)
      %dma_wait3A = arith.constant 0 : i32
      %dma_wait3A_70 = tpu.memref_slice %arg5[%arg0, %add3A_55, %dma_wait3A] : memref<2x10240x128xf32, #tpu.memory_space<hbm>> -> memref<1x128x128xf32, #tpu.memory_space<hbm>>
      %dma_wait3A_71 = tpu.memref_squeeze %dma_wait3A_70 : memref<1x128x128xf32, #tpu.memory_space<hbm>> -> memref<128x128xf32, #tpu.memory_space<hbm>>
      %dma_wait3A_72 = arith.constant 0 : i32
      %dma_wait3A_73 = tpu.memref_slice %arg12[%add3A_55, %dma_wait3A_72] : memref<10240x128xf32, #tpu.memory_space<vmem_shared>> -> memref<128x128xf32, #tpu.memory_space<vmem_shared>>
      tpu.wait_dma2 semaphore(%run_scoped3A_64 : memref<!tpu.dma_semaphore, #tpu.memory_space<semaphore_mem>>) src(%dma_wait3A_73 : memref<128x128xf32, #tpu.memory_space<vmem_shared>>) dst(%dma_wait3A_71 : memref<128x128xf32, #tpu.memory_space<hbm>>)
      tpu.yield
    }) : () -> ()
    %add3A_56 = arith.constant 128 : i32
    %add3A_57 = arith.addi %mul3A_9, %add3A_56 : i32
    "tpu.region"() ({
      %run_scoped3A_64 = tpu.sem_alloc : memref<!tpu.dma_semaphore, #tpu.memory_space<semaphore_mem>>
      %dma_start3A_65 = arith.constant 0 : i32
      %dma_start3A_66 = tpu.memref_slice %arg5[%arg0, %add3A_57, %dma_start3A_65] : memref<2x10240x128xf32, #tpu.memory_space<hbm>> -> memref<1x128x128xf32, #tpu.memory_space<hbm>>
      %dma_start3A_67 = tpu.memref_squeeze %dma_start3A_66 : memref<1x128x128xf32, #tpu.memory_space<hbm>> -> memref<128x128xf32, #tpu.memory_space<hbm>>
      %dma_start3A_68 = arith.constant 0 : i32
      %dma_start3A_69 = tpu.memref_slice %arg12[%add3A_57, %dma_start3A_68] : memref<10240x128xf32, #tpu.memory_space<vmem_shared>> -> memref<128x128xf32, #tpu.memory_space<vmem_shared>>
      tpu.enqueue_dma source(%dma_start3A_69 : memref<128x128xf32, #tpu.memory_space<vmem_shared>>) target(%dma_start3A_67 : memref<128x128xf32, #tpu.memory_space<hbm>>) target_semaphore(%run_scoped3A_64 : memref<!tpu.dma_semaphore, #tpu.memory_space<semaphore_mem>>)
      %dma_wait3A = arith.constant 0 : i32
      %dma_wait3A_70 = tpu.memref_slice %arg5[%arg0, %add3A_57, %dma_wait3A] : memref<2x10240x128xf32, #tpu.memory_space<hbm>> -> memref<1x128x128xf32, #tpu.memory_space<hbm>>
      %dma_wait3A_71 = tpu.memref_squeeze %dma_wait3A_70 : memref<1x128x128xf32, #tpu.memory_space<hbm>> -> memref<128x128xf32, #tpu.memory_space<hbm>>
      %dma_wait3A_72 = arith.constant 0 : i32
      %dma_wait3A_73 = tpu.memref_slice %arg12[%add3A_57, %dma_wait3A_72] : memref<10240x128xf32, #tpu.memory_space<vmem_shared>> -> memref<128x128xf32, #tpu.memory_space<vmem_shared>>
      tpu.wait_dma2 semaphore(%run_scoped3A_64 : memref<!tpu.dma_semaphore, #tpu.memory_space<semaphore_mem>>) src(%dma_wait3A_73 : memref<128x128xf32, #tpu.memory_space<vmem_shared>>) dst(%dma_wait3A_71 : memref<128x128xf32, #tpu.memory_space<hbm>>)
      tpu.yield
    }) : () -> ()
    %add3A_58 = arith.constant 256 : i32
    %add3A_59 = arith.addi %mul3A_9, %add3A_58 : i32
    "tpu.region"() ({
      %run_scoped3A_64 = tpu.sem_alloc : memref<!tpu.dma_semaphore, #tpu.memory_space<semaphore_mem>>
      %dma_start3A_65 = arith.constant 0 : i32
      %dma_start3A_66 = tpu.memref_slice %arg5[%arg0, %add3A_59, %dma_start3A_65] : memref<2x10240x128xf32, #tpu.memory_space<hbm>> -> memref<1x128x128xf32, #tpu.memory_space<hbm>>
      %dma_start3A_67 = tpu.memref_squeeze %dma_start3A_66 : memref<1x128x128xf32, #tpu.memory_space<hbm>> -> memref<128x128xf32, #tpu.memory_space<hbm>>
      %dma_start3A_68 = arith.constant 0 : i32
      %dma_start3A_69 = tpu.memref_slice %arg12[%add3A_59, %dma_start3A_68] : memref<10240x128xf32, #tpu.memory_space<vmem_shared>> -> memref<128x128xf32, #tpu.memory_space<vmem_shared>>
      tpu.enqueue_dma source(%dma_start3A_69 : memref<128x128xf32, #tpu.memory_space<vmem_shared>>) target(%dma_start3A_67 : memref<128x128xf32, #tpu.memory_space<hbm>>) target_semaphore(%run_scoped3A_64 : memref<!tpu.dma_semaphore, #tpu.memory_space<semaphore_mem>>)
      %dma_wait3A = arith.constant 0 : i32
      %dma_wait3A_70 = tpu.memref_slice %arg5[%arg0, %add3A_59, %dma_wait3A] : memref<2x10240x128xf32, #tpu.memory_space<hbm>> -> memref<1x128x128xf32, #tpu.memory_space<hbm>>
      %dma_wait3A_71 = tpu.memref_squeeze %dma_wait3A_70 : memref<1x128x128xf32, #tpu.memory_space<hbm>> -> memref<128x128xf32, #tpu.memory_space<hbm>>
      %dma_wait3A_72 = arith.constant 0 : i32
      %dma_wait3A_73 = tpu.memref_slice %arg12[%add3A_59, %dma_wait3A_72] : memref<10240x128xf32, #tpu.memory_space<vmem_shared>> -> memref<128x128xf32, #tpu.memory_space<vmem_shared>>
      tpu.wait_dma2 semaphore(%run_scoped3A_64 : memref<!tpu.dma_semaphore, #tpu.memory_space<semaphore_mem>>) src(%dma_wait3A_73 : memref<128x128xf32, #tpu.memory_space<vmem_shared>>) dst(%dma_wait3A_71 : memref<128x128xf32, #tpu.memory_space<hbm>>)
      tpu.yield
    }) : () -> ()
    %add3A_60 = arith.constant 384 : i32
    %add3A_61 = arith.addi %mul3A_9, %add3A_60 : i32
    "tpu.region"() ({
      %run_scoped3A_64 = tpu.sem_alloc : memref<!tpu.dma_semaphore, #tpu.memory_space<semaphore_mem>>
      %dma_start3A_65 = arith.constant 0 : i32
      %dma_start3A_66 = tpu.memref_slice %arg5[%arg0, %add3A_61, %dma_start3A_65] : memref<2x10240x128xf32, #tpu.memory_space<hbm>> -> memref<1x128x128xf32, #tpu.memory_space<hbm>>
      %dma_start3A_67 = tpu.memref_squeeze %dma_start3A_66 : memref<1x128x128xf32, #tpu.memory_space<hbm>> -> memref<128x128xf32, #tpu.memory_space<hbm>>
      %dma_start3A_68 = arith.constant 0 : i32
      %dma_start3A_69 = tpu.memref_slice %arg12[%add3A_61, %dma_start3A_68] : memref<10240x128xf32, #tpu.memory_space<vmem_shared>> -> memref<128x128xf32, #tpu.memory_space<vmem_shared>>
      tpu.enqueue_dma source(%dma_start3A_69 : memref<128x128xf32, #tpu.memory_space<vmem_shared>>) target(%dma_start3A_67 : memref<128x128xf32, #tpu.memory_space<hbm>>) target_semaphore(%run_scoped3A_64 : memref<!tpu.dma_semaphore, #tpu.memory_space<semaphore_mem>>)
      %dma_wait3A = arith.constant 0 : i32
      %dma_wait3A_70 = tpu.memref_slice %arg5[%arg0, %add3A_61, %dma_wait3A] : memref<2x10240x128xf32, #tpu.memory_space<hbm>> -> memref<1x128x128xf32, #tpu.memory_space<hbm>>
      %dma_wait3A_71 = tpu.memref_squeeze %dma_wait3A_70 : memref<1x128x128xf32, #tpu.memory_space<hbm>> -> memref<128x128xf32, #tpu.memory_space<hbm>>
      %dma_wait3A_72 = arith.constant 0 : i32
      %dma_wait3A_73 = tpu.memref_slice %arg12[%add3A_61, %dma_wait3A_72] : memref<10240x128xf32, #tpu.memory_space<vmem_shared>> -> memref<128x128xf32, #tpu.memory_space<vmem_shared>>
      tpu.wait_dma2 semaphore(%run_scoped3A_64 : memref<!tpu.dma_semaphore, #tpu.memory_space<semaphore_mem>>) src(%dma_wait3A_73 : memref<128x128xf32, #tpu.memory_space<vmem_shared>>) dst(%dma_wait3A_71 : memref<128x128xf32, #tpu.memory_space<hbm>>)
      tpu.yield
    }) : () -> ()
    %add3A_62 = arith.constant 512 : i32
    %add3A_63 = arith.addi %mul3A_9, %add3A_62 : i32
    "tpu.region"() ({
      %run_scoped3A_64 = tpu.sem_alloc : memref<!tpu.dma_semaphore, #tpu.memory_space<semaphore_mem>>
      %dma_start3A_65 = arith.constant 0 : i32
      %dma_start3A_66 = tpu.memref_slice %arg5[%arg0, %add3A_63, %dma_start3A_65] : memref<2x10240x128xf32, #tpu.memory_space<hbm>> -> memref<1x128x128xf32, #tpu.memory_space<hbm>>
      %dma_start3A_67 = tpu.memref_squeeze %dma_start3A_66 : memref<1x128x128xf32, #tpu.memory_space<hbm>> -> memref<128x128xf32, #tpu.memory_space<hbm>>
      %dma_start3A_68 = arith.constant 0 : i32
      %dma_start3A_69 = tpu.memref_slice %arg12[%add3A_63, %dma_start3A_68] : memref<10240x128xf32, #tpu.memory_space<vmem_shared>> -> memref<128x128xf32, #tpu.memory_space<vmem_shared>>
      tpu.enqueue_dma source(%dma_start3A_69 : memref<128x128xf32, #tpu.memory_space<vmem_shared>>) target(%dma_start3A_67 : memref<128x128xf32, #tpu.memory_space<hbm>>) target_semaphore(%run_scoped3A_64 : memref<!tpu.dma_semaphore, #tpu.memory_space<semaphore_mem>>)
      %dma_wait3A = arith.constant 0 : i32
      %dma_wait3A_70 = tpu.memref_slice %arg5[%arg0, %add3A_63, %dma_wait3A] : memref<2x10240x128xf32, #tpu.memory_space<hbm>> -> memref<1x128x128xf32, #tpu.memory_space<hbm>>
      %dma_wait3A_71 = tpu.memref_squeeze %dma_wait3A_70 : memref<1x128x128xf32, #tpu.memory_space<hbm>> -> memref<128x128xf32, #tpu.memory_space<hbm>>
      %dma_wait3A_72 = arith.constant 0 : i32
      %dma_wait3A_73 = tpu.memref_slice %arg12[%add3A_63, %dma_wait3A_72] : memref<10240x128xf32, #tpu.memory_space<vmem_shared>> -> memref<128x128xf32, #tpu.memory_space<vmem_shared>>
      tpu.wait_dma2 semaphore(%run_scoped3A_64 : memref<!tpu.dma_semaphore, #tpu.memory_space<semaphore_mem>>) src(%dma_wait3A_73 : memref<128x128xf32, #tpu.memory_space<vmem_shared>>) dst(%dma_wait3A_71 : memref<128x128xf32, #tpu.memory_space<hbm>>)
      tpu.yield
    }) : () -> ()
    return
  }
}

#map = affine_map<(d0, d1) -> (0, 0, 0)>
#map1 = affine_map<(d0, d1) -> (0, 0)>
module attributes {stable_mosaic.version = 14 : i64} {
  func.func @k(%arg0: i32, %arg1: i32, %arg2: memref<32x80x128xi32, #tpu.memory_space<hbm>>, %arg3: memref<128x128xf32, #tpu.memory_space<hbm>>, %arg4: memref<2x10240x128xf32, #tpu.memory_space<hbm>>, %arg5: memref<80x128xi32, #tpu.memory_space<vmem>>, %arg6: memref<128x128xf32, #tpu.memory_space<vmem>>, %arg7: memref<128x128xf32, #tpu.memory_space<vmem>>, %arg8: memref<10240x128xf32, #tpu.memory_space<vmem_shared>>, %arg9: memref<!tpu.dma_semaphore, #tpu.memory_space<semaphore_mem>>, %arg10: memref<!tpu.dma_semaphore, #tpu.memory_space<semaphore_mem>>) attributes {dimension_semantics = [#tpu.dimension_semantics<core_parallel>, #tpu.dimension_semantics<subcore_parallel>], iteration_bounds = array<i64: 2, 16>, scalar_prefetch = 0 : i64, scratch_operands = 6 : i64, tpu.core_type = #tpu.core_type<sc_vector_subcore>, window_params = [{transform_indices = #map}, {transform_indices = #map1}, {transform_indices = #map}]} {
    %mul3A = arith.constant 2 : i32
    %mul3A_0 = arith.muli %arg1, %mul3A : i32
    %add3A = arith.addi %mul3A_0, %arg0 : i32
    "tpu.region"() ({
      %run_scoped3A = tpu.sem_alloc : memref<!tpu.dma_semaphore, #tpu.memory_space<semaphore_mem>>
      %dma_start3A_51 = arith.constant 0 : i32
      %dma_start3A_52 = arith.constant 0 : i32
      %dma_start3A_53 = tpu.memref_slice %arg2[%add3A, %dma_start3A_51, %dma_start3A_52] : memref<32x80x128xi32, #tpu.memory_space<hbm>> -> memref<1x80x128xi32, #tpu.memory_space<hbm>>
      %dma_start3A_54 = tpu.memref_squeeze %dma_start3A_53 : memref<1x80x128xi32, #tpu.memory_space<hbm>> -> memref<80x128xi32, #tpu.memory_space<hbm>>
      %dma_start3A_55 = arith.constant 0 : i32
      %dma_start3A_56 = arith.constant 0 : i32
      %dma_start3A_57 = tpu.memref_slice %arg2[%add3A, %dma_start3A_55, %dma_start3A_56] : memref<32x80x128xi32, #tpu.memory_space<hbm>> -> memref<1x80x128xi32, #tpu.memory_space<hbm>>
      %dma_start3A_58 = tpu.memref_squeeze %dma_start3A_57 : memref<1x80x128xi32, #tpu.memory_space<hbm>> -> memref<80x128xi32, #tpu.memory_space<hbm>>
      tpu.enqueue_dma source(%dma_start3A_58 : memref<80x128xi32, #tpu.memory_space<hbm>>) target(%arg5 : memref<80x128xi32, #tpu.memory_space<vmem>>) target_semaphore(%run_scoped3A : memref<!tpu.dma_semaphore, #tpu.memory_space<semaphore_mem>>)
      %dma_wait3A = arith.constant 0 : i32
      %dma_wait3A_59 = arith.constant 0 : i32
      %dma_wait3A_60 = tpu.memref_slice %arg2[%add3A, %dma_wait3A, %dma_wait3A_59] : memref<32x80x128xi32, #tpu.memory_space<hbm>> -> memref<1x80x128xi32, #tpu.memory_space<hbm>>
      %dma_wait3A_61 = tpu.memref_squeeze %dma_wait3A_60 : memref<1x80x128xi32, #tpu.memory_space<hbm>> -> memref<80x128xi32, #tpu.memory_space<hbm>>
      %dma_wait3A_62 = arith.constant 0 : i32
      %dma_wait3A_63 = arith.constant 0 : i32
      %dma_wait3A_64 = tpu.memref_slice %arg2[%add3A, %dma_wait3A_62, %dma_wait3A_63] : memref<32x80x128xi32, #tpu.memory_space<hbm>> -> memref<1x80x128xi32, #tpu.memory_space<hbm>>
      %dma_wait3A_65 = tpu.memref_squeeze %dma_wait3A_64 : memref<1x80x128xi32, #tpu.memory_space<hbm>> -> memref<80x128xi32, #tpu.memory_space<hbm>>
      tpu.wait_dma2 semaphore(%run_scoped3A : memref<!tpu.dma_semaphore, #tpu.memory_space<semaphore_mem>>) src(%dma_wait3A_65 : memref<80x128xi32, #tpu.memory_space<hbm>>) dst(%arg5 : memref<80x128xi32, #tpu.memory_space<vmem>>)
      tpu.yield
    }) : () -> ()
    "tpu.region"() ({
      %run_scoped3A = tpu.sem_alloc : memref<!tpu.dma_semaphore, #tpu.memory_space<semaphore_mem>>
      tpu.enqueue_dma source(%arg3 : memref<128x128xf32, #tpu.memory_space<hbm>>) target(%arg7 : memref<128x128xf32, #tpu.memory_space<vmem>>) target_semaphore(%run_scoped3A : memref<!tpu.dma_semaphore, #tpu.memory_space<semaphore_mem>>)
      tpu.wait_dma2 semaphore(%run_scoped3A : memref<!tpu.dma_semaphore, #tpu.memory_space<semaphore_mem>>) src(%arg3 : memref<128x128xf32, #tpu.memory_space<hbm>>) dst(%arg7 : memref<128x128xf32, #tpu.memory_space<vmem>>)
      tpu.yield
    }) : () -> ()
    %broadcast_in_dim3A = arith.constant 0.000000e+00 : f32
    %broadcast_in_dim3A_1 = vector.broadcast %broadcast_in_dim3A : f32 to vector<16xf32>
    %scan3A = arith.constant 0 : i32
    %scan3A_2 = arith.constant 0 : i32
    %scan3A_3 = arith.constant 128 : i32
    %scan3A_4 = arith.addi %scan3A_2, %scan3A_3 : i32
    %scan3A_5 = arith.constant 1 : i32
    %scan3A_6 = scf.for %scan3A_51 = %scan3A_2 to %scan3A_4 step %scan3A_5 iter_args(%scan3A_52 = %scan3A) -> (i32)  : i32 {
      %swap3A = arith.index_cast %scan3A_51 : i32 to index
      %swap3A_53 = arith.constant 0 : index
      %swap3A_54 = tpu.vector_load %arg6[%swap3A, %swap3A_53] {strides = array<i32>} : memref<128x128xf32, #tpu.memory_space<vmem>>, vector<1x16xf32>,
      %swap3A_55 = vector.shape_cast %swap3A_54 : vector<1x16xf32> to vector<16xf32>
      %swap3A_56 = vector.shape_cast %broadcast_in_dim3A_1 : vector<16xf32> to vector<1x16xf32>
      tpu.vector_store %arg6[%swap3A, %swap3A_53], %swap3A_56 {strides = array<i32>} : memref<128x128xf32, #tpu.memory_space<vmem>>, vector<1x16xf32>,
      %swap3A_57 = arith.index_cast %scan3A_51 : i32 to index
      %swap3A_58 = arith.constant 16 : index
      %swap3A_59 = tpu.vector_load %arg6[%swap3A_57, %swap3A_58] {strides = array<i32>} : memref<128x128xf32, #tpu.memory_space<vmem>>, vector<1x16xf32>,
      %swap3A_60 = vector.shape_cast %swap3A_59 : vector<1x16xf32> to vector<16xf32>
      %swap3A_61 = vector.shape_cast %broadcast_in_dim3A_1 : vector<16xf32> to vector<1x16xf32>
      tpu.vector_store %arg6[%swap3A_57, %swap3A_58], %swap3A_61 {strides = array<i32>} : memref<128x128xf32, #tpu.memory_space<vmem>>, vector<1x16xf32>,
      %swap3A_62 = arith.index_cast %scan3A_51 : i32 to index
      %swap3A_63 = arith.constant 32 : index
      %swap3A_64 = tpu.vector_load %arg6[%swap3A_62, %swap3A_63] {strides = array<i32>} : memref<128x128xf32, #tpu.memory_space<vmem>>, vector<1x16xf32>,
      %swap3A_65 = vector.shape_cast %swap3A_64 : vector<1x16xf32> to vector<16xf32>
      %swap3A_66 = vector.shape_cast %broadcast_in_dim3A_1 : vector<16xf32> to vector<1x16xf32>
      tpu.vector_store %arg6[%swap3A_62, %swap3A_63], %swap3A_66 {strides = array<i32>} : memref<128x128xf32, #tpu.memory_space<vmem>>, vector<1x16xf32>,
      %swap3A_67 = arith.index_cast %scan3A_51 : i32 to index
      %swap3A_68 = arith.constant 48 : index
      %swap3A_69 = tpu.vector_load %arg6[%swap3A_67, %swap3A_68] {strides = array<i32>} : memref<128x128xf32, #tpu.memory_space<vmem>>, vector<1x16xf32>,
      %swap3A_70 = vector.shape_cast %swap3A_69 : vector<1x16xf32> to vector<16xf32>
      %swap3A_71 = vector.shape_cast %broadcast_in_dim3A_1 : vector<16xf32> to vector<1x16xf32>
      tpu.vector_store %arg6[%swap3A_67, %swap3A_68], %swap3A_71 {strides = array<i32>} : memref<128x128xf32, #tpu.memory_space<vmem>>, vector<1x16xf32>,
      %swap3A_72 = arith.index_cast %scan3A_51 : i32 to index
      %swap3A_73 = arith.constant 64 : index
      %swap3A_74 = tpu.vector_load %arg6[%swap3A_72, %swap3A_73] {strides = array<i32>} : memref<128x128xf32, #tpu.memory_space<vmem>>, vector<1x16xf32>,
      %swap3A_75 = vector.shape_cast %swap3A_74 : vector<1x16xf32> to vector<16xf32>
      %swap3A_76 = vector.shape_cast %broadcast_in_dim3A_1 : vector<16xf32> to vector<1x16xf32>
      tpu.vector_store %arg6[%swap3A_72, %swap3A_73], %swap3A_76 {strides = array<i32>} : memref<128x128xf32, #tpu.memory_space<vmem>>, vector<1x16xf32>,
      %swap3A_77 = arith.index_cast %scan3A_51 : i32 to index
      %swap3A_78 = arith.constant 80 : index
      %swap3A_79 = tpu.vector_load %arg6[%swap3A_77, %swap3A_78] {strides = array<i32>} : memref<128x128xf32, #tpu.memory_space<vmem>>, vector<1x16xf32>,
      %swap3A_80 = vector.shape_cast %swap3A_79 : vector<1x16xf32> to vector<16xf32>
      %swap3A_81 = vector.shape_cast %broadcast_in_dim3A_1 : vector<16xf32> to vector<1x16xf32>
      tpu.vector_store %arg6[%swap3A_77, %swap3A_78], %swap3A_81 {strides = array<i32>} : memref<128x128xf32, #tpu.memory_space<vmem>>, vector<1x16xf32>,
      %swap3A_82 = arith.index_cast %scan3A_51 : i32 to index
      %swap3A_83 = arith.constant 96 : index
      %swap3A_84 = tpu.vector_load %arg6[%swap3A_82, %swap3A_83] {strides = array<i32>} : memref<128x128xf32, #tpu.memory_space<vmem>>, vector<1x16xf32>,
      %swap3A_85 = vector.shape_cast %swap3A_84 : vector<1x16xf32> to vector<16xf32>
      %swap3A_86 = vector.shape_cast %broadcast_in_dim3A_1 : vector<16xf32> to vector<1x16xf32>
      tpu.vector_store %arg6[%swap3A_82, %swap3A_83], %swap3A_86 {strides = array<i32>} : memref<128x128xf32, #tpu.memory_space<vmem>>, vector<1x16xf32>,
      %swap3A_87 = arith.index_cast %scan3A_51 : i32 to index
      %swap3A_88 = arith.constant 112 : index
      %swap3A_89 = tpu.vector_load %arg6[%swap3A_87, %swap3A_88] {strides = array<i32>} : memref<128x128xf32, #tpu.memory_space<vmem>>, vector<1x16xf32>,
      %swap3A_90 = vector.shape_cast %swap3A_89 : vector<1x16xf32> to vector<16xf32>
      %swap3A_91 = vector.shape_cast %broadcast_in_dim3A_1 : vector<16xf32> to vector<1x16xf32>
      tpu.vector_store %arg6[%swap3A_87, %swap3A_88], %swap3A_91 {strides = array<i32>} : memref<128x128xf32, #tpu.memory_space<vmem>>, vector<1x16xf32>,
      %scan3A_92 = arith.constant 0 : i32
      scf.yield %scan3A_92 : i32
    }
    %scan3A_7 = arith.constant 128 : i32
    %mul3A_8 = arith.constant 640 : i32
    %mul3A_9 = arith.muli %arg1, %mul3A_8 : i32
    %add3A_10 = arith.constant 0 : i32
    %add3A_11 = arith.addi %mul3A_9, %add3A_10 : i32
    "tpu.region"() ({
      %run_scoped3A = tpu.sem_alloc : memref<!tpu.dma_semaphore, #tpu.memory_space<semaphore_mem>>
      %dma_start3A_51 = arith.constant 0 : i32
      %dma_start3A_52 = tpu.memref_slice %arg8[%add3A_11, %dma_start3A_51] : memref<10240x128xf32, #tpu.memory_space<vmem_shared>> -> memref<128x128xf32, #tpu.memory_space<vmem_shared>>
      %dma_start3A_53 = arith.constant 0 : i32
      %dma_start3A_54 = tpu.memref_slice %arg8[%add3A_11, %dma_start3A_53] : memref<10240x128xf32, #tpu.memory_space<vmem_shared>> -> memref<128x128xf32, #tpu.memory_space<vmem_shared>>
      tpu.enqueue_dma source(%arg6 : memref<128x128xf32, #tpu.memory_space<vmem>>) target(%dma_start3A_54 : memref<128x128xf32, #tpu.memory_space<vmem_shared>>) target_semaphore(%run_scoped3A : memref<!tpu.dma_semaphore, #tpu.memory_space<semaphore_mem>>)
      %dma_wait3A = arith.constant 0 : i32
      %dma_wait3A_55 = tpu.memref_slice %arg8[%add3A_11, %dma_wait3A] : memref<10240x128xf32, #tpu.memory_space<vmem_shared>> -> memref<128x128xf32, #tpu.memory_space<vmem_shared>>
      %dma_wait3A_56 = arith.constant 0 : i32
      %dma_wait3A_57 = tpu.memref_slice %arg8[%add3A_11, %dma_wait3A_56] : memref<10240x128xf32, #tpu.memory_space<vmem_shared>> -> memref<128x128xf32, #tpu.memory_space<vmem_shared>>
      tpu.wait_dma2 semaphore(%run_scoped3A : memref<!tpu.dma_semaphore, #tpu.memory_space<semaphore_mem>>) src(%arg6 : memref<128x128xf32, #tpu.memory_space<vmem>>) dst(%dma_wait3A_57 : memref<128x128xf32, #tpu.memory_space<vmem_shared>>)
      tpu.yield
    }) : () -> ()
    %add3A_12 = arith.constant 128 : i32
    %add3A_13 = arith.addi %mul3A_9, %add3A_12 : i32
    "tpu.region"() ({
      %run_scoped3A = tpu.sem_alloc : memref<!tpu.dma_semaphore, #tpu.memory_space<semaphore_mem>>
      %dma_start3A_51 = arith.constant 0 : i32
      %dma_start3A_52 = tpu.memref_slice %arg8[%add3A_13, %dma_start3A_51] : memref<10240x128xf32, #tpu.memory_space<vmem_shared>> -> memref<128x128xf32, #tpu.memory_space<vmem_shared>>
      %dma_start3A_53 = arith.constant 0 : i32
      %dma_start3A_54 = tpu.memref_slice %arg8[%add3A_13, %dma_start3A_53] : memref<10240x128xf32, #tpu.memory_space<vmem_shared>> -> memref<128x128xf32, #tpu.memory_space<vmem_shared>>
      tpu.enqueue_dma source(%arg6 : memref<128x128xf32, #tpu.memory_space<vmem>>) target(%dma_start3A_54 : memref<128x128xf32, #tpu.memory_space<vmem_shared>>) target_semaphore(%run_scoped3A : memref<!tpu.dma_semaphore, #tpu.memory_space<semaphore_mem>>)
      %dma_wait3A = arith.constant 0 : i32
      %dma_wait3A_55 = tpu.memref_slice %arg8[%add3A_13, %dma_wait3A] : memref<10240x128xf32, #tpu.memory_space<vmem_shared>> -> memref<128x128xf32, #tpu.memory_space<vmem_shared>>
      %dma_wait3A_56 = arith.constant 0 : i32
      %dma_wait3A_57 = tpu.memref_slice %arg8[%add3A_13, %dma_wait3A_56] : memref<10240x128xf32, #tpu.memory_space<vmem_shared>> -> memref<128x128xf32, #tpu.memory_space<vmem_shared>>
      tpu.wait_dma2 semaphore(%run_scoped3A : memref<!tpu.dma_semaphore, #tpu.memory_space<semaphore_mem>>) src(%arg6 : memref<128x128xf32, #tpu.memory_space<vmem>>) dst(%dma_wait3A_57 : memref<128x128xf32, #tpu.memory_space<vmem_shared>>)
      tpu.yield
    }) : () -> ()
    %add3A_14 = arith.constant 256 : i32
    %add3A_15 = arith.addi %mul3A_9, %add3A_14 : i32
    "tpu.region"() ({
      %run_scoped3A = tpu.sem_alloc : memref<!tpu.dma_semaphore, #tpu.memory_space<semaphore_mem>>
      %dma_start3A_51 = arith.constant 0 : i32
      %dma_start3A_52 = tpu.memref_slice %arg8[%add3A_15, %dma_start3A_51] : memref<10240x128xf32, #tpu.memory_space<vmem_shared>> -> memref<128x128xf32, #tpu.memory_space<vmem_shared>>
      %dma_start3A_53 = arith.constant 0 : i32
      %dma_start3A_54 = tpu.memref_slice %arg8[%add3A_15, %dma_start3A_53] : memref<10240x128xf32, #tpu.memory_space<vmem_shared>> -> memref<128x128xf32, #tpu.memory_space<vmem_shared>>
      tpu.enqueue_dma source(%arg6 : memref<128x128xf32, #tpu.memory_space<vmem>>) target(%dma_start3A_54 : memref<128x128xf32, #tpu.memory_space<vmem_shared>>) target_semaphore(%run_scoped3A : memref<!tpu.dma_semaphore, #tpu.memory_space<semaphore_mem>>)
      %dma_wait3A = arith.constant 0 : i32
      %dma_wait3A_55 = tpu.memref_slice %arg8[%add3A_15, %dma_wait3A] : memref<10240x128xf32, #tpu.memory_space<vmem_shared>> -> memref<128x128xf32, #tpu.memory_space<vmem_shared>>
      %dma_wait3A_56 = arith.constant 0 : i32
      %dma_wait3A_57 = tpu.memref_slice %arg8[%add3A_15, %dma_wait3A_56] : memref<10240x128xf32, #tpu.memory_space<vmem_shared>> -> memref<128x128xf32, #tpu.memory_space<vmem_shared>>
      tpu.wait_dma2 semaphore(%run_scoped3A : memref<!tpu.dma_semaphore, #tpu.memory_space<semaphore_mem>>) src(%arg6 : memref<128x128xf32, #tpu.memory_space<vmem>>) dst(%dma_wait3A_57 : memref<128x128xf32, #tpu.memory_space<vmem_shared>>)
      tpu.yield
    }) : () -> ()
    %add3A_16 = arith.constant 384 : i32
    %add3A_17 = arith.addi %mul3A_9, %add3A_16 : i32
    "tpu.region"() ({
      %run_scoped3A = tpu.sem_alloc : memref<!tpu.dma_semaphore, #tpu.memory_space<semaphore_mem>>
      %dma_start3A_51 = arith.constant 0 : i32
      %dma_start3A_52 = tpu.memref_slice %arg8[%add3A_17, %dma_start3A_51] : memref<10240x128xf32, #tpu.memory_space<vmem_shared>> -> memref<128x128xf32, #tpu.memory_space<vmem_shared>>
      %dma_start3A_53 = arith.constant 0 : i32
      %dma_start3A_54 = tpu.memref_slice %arg8[%add3A_17, %dma_start3A_53] : memref<10240x128xf32, #tpu.memory_space<vmem_shared>> -> memref<128x128xf32, #tpu.memory_space<vmem_shared>>
      tpu.enqueue_dma source(%arg6 : memref<128x128xf32, #tpu.memory_space<vmem>>) target(%dma_start3A_54 : memref<128x128xf32, #tpu.memory_space<vmem_shared>>) target_semaphore(%run_scoped3A : memref<!tpu.dma_semaphore, #tpu.memory_space<semaphore_mem>>)
      %dma_wait3A = arith.constant 0 : i32
      %dma_wait3A_55 = tpu.memref_slice %arg8[%add3A_17, %dma_wait3A] : memref<10240x128xf32, #tpu.memory_space<vmem_shared>> -> memref<128x128xf32, #tpu.memory_space<vmem_shared>>
      %dma_wait3A_56 = arith.constant 0 : i32
      %dma_wait3A_57 = tpu.memref_slice %arg8[%add3A_17, %dma_wait3A_56] : memref<10240x128xf32, #tpu.memory_space<vmem_shared>> -> memref<128x128xf32, #tpu.memory_space<vmem_shared>>
      tpu.wait_dma2 semaphore(%run_scoped3A : memref<!tpu.dma_semaphore, #tpu.memory_space<semaphore_mem>>) src(%arg6 : memref<128x128xf32, #tpu.memory_space<vmem>>) dst(%dma_wait3A_57 : memref<128x128xf32, #tpu.memory_space<vmem_shared>>)
      tpu.yield
    }) : () -> ()
    %add3A_18 = arith.constant 512 : i32
    %add3A_19 = arith.addi %mul3A_9, %add3A_18 : i32
    "tpu.region"() ({
      %run_scoped3A = tpu.sem_alloc : memref<!tpu.dma_semaphore, #tpu.memory_space<semaphore_mem>>
      %dma_start3A_51 = arith.constant 0 : i32
      %dma_start3A_52 = tpu.memref_slice %arg8[%add3A_19, %dma_start3A_51] : memref<10240x128xf32, #tpu.memory_space<vmem_shared>> -> memref<128x128xf32, #tpu.memory_space<vmem_shared>>
      %dma_start3A_53 = arith.constant 0 : i32
      %dma_start3A_54 = tpu.memref_slice %arg8[%add3A_19, %dma_start3A_53] : memref<10240x128xf32, #tpu.memory_space<vmem_shared>> -> memref<128x128xf32, #tpu.memory_space<vmem_shared>>
      tpu.enqueue_dma source(%arg6 : memref<128x128xf32, #tpu.memory_space<vmem>>) target(%dma_start3A_54 : memref<128x128xf32, #tpu.memory_space<vmem_shared>>) target_semaphore(%run_scoped3A : memref<!tpu.dma_semaphore, #tpu.memory_space<semaphore_mem>>)
      %dma_wait3A = arith.constant 0 : i32
      %dma_wait3A_55 = tpu.memref_slice %arg8[%add3A_19, %dma_wait3A] : memref<10240x128xf32, #tpu.memory_space<vmem_shared>> -> memref<128x128xf32, #tpu.memory_space<vmem_shared>>
      %dma_wait3A_56 = arith.constant 0 : i32
      %dma_wait3A_57 = tpu.memref_slice %arg8[%add3A_19, %dma_wait3A_56] : memref<10240x128xf32, #tpu.memory_space<vmem_shared>> -> memref<128x128xf32, #tpu.memory_space<vmem_shared>>
      tpu.wait_dma2 semaphore(%run_scoped3A : memref<!tpu.dma_semaphore, #tpu.memory_space<semaphore_mem>>) src(%arg6 : memref<128x128xf32, #tpu.memory_space<vmem>>) dst(%dma_wait3A_57 : memref<128x128xf32, #tpu.memory_space<vmem_shared>>)
      tpu.yield
    }) : () -> ()
    %barrier3A = arith.constant 0 : index
    tpu.barrier barrier_id(%barrier3A)
    %dma_start3A = arith.constant 0 : i32
    %dma_start3A_20 = arith.constant 0 : i32
    %dma_start3A_21 = tpu.memref_slice %arg5[%dma_start3A, %dma_start3A_20] : memref<80x128xi32, #tpu.memory_space<vmem>> -> memref<1x128xi32, #tpu.memory_space<vmem>>
    %dma_start3A_22 = tpu.memref_squeeze %dma_start3A_21 : memref<1x128xi32, #tpu.memory_space<vmem>> -> memref<128xi32, #tpu.memory_space<vmem>>
    %dma_start3A_23 = arith.constant 0 : i32
    %dma_start3A_24 = arith.constant 0 : i32
    %dma_start3A_25 = tpu.memref_slice %arg8[%dma_start3A_23, %dma_start3A_24] : memref<10240x128xf32, #tpu.memory_space<vmem_shared>> -> memref<10240x128xf32, #tpu.memory_space<vmem_shared>>
    tpu.enqueue_indirect_dma source(%arg7 : memref<128x128xf32, #tpu.memory_space<vmem>>) target(%dma_start3A_25 : memref<10240x128xf32, #tpu.memory_space<vmem_shared>>) offsets(%dma_start3A_22 : memref<128xi32, #tpu.memory_space<vmem>>) semaphore(%arg9 : memref<!tpu.dma_semaphore, #tpu.memory_space<semaphore_mem>>) {add = true}
    %dma_start3A_26 = arith.constant 1 : i32
    %dma_start3A_27 = arith.constant 0 : i32
    %dma_start3A_28 = tpu.memref_slice %arg5[%dma_start3A_26, %dma_start3A_27] : memref<80x128xi32, #tpu.memory_space<vmem>> -> memref<1x128xi32, #tpu.memory_space<vmem>>
    %dma_start3A_29 = tpu.memref_squeeze %dma_start3A_28 : memref<1x128xi32, #tpu.memory_space<vmem>> -> memref<128xi32, #tpu.memory_space<vmem>>
    %dma_start3A_30 = arith.constant 0 : i32
    %dma_start3A_31 = arith.constant 0 : i32
    %dma_start3A_32 = tpu.memref_slice %arg8[%dma_start3A_30, %dma_start3A_31] : memref<10240x128xf32, #tpu.memory_space<vmem_shared>> -> memref<10240x128xf32, #tpu.memory_space<vmem_shared>>
    tpu.enqueue_indirect_dma source(%arg7 : memref<128x128xf32, #tpu.memory_space<vmem>>) target(%dma_start3A_32 : memref<10240x128xf32, #tpu.memory_space<vmem_shared>>) offsets(%dma_start3A_29 : memref<128xi32, #tpu.memory_space<vmem>>) semaphore(%arg10 : memref<!tpu.dma_semaphore, #tpu.memory_space<semaphore_mem>>) {add = true}
    %scan3A_33 = arith.constant 0 : i32
    %scan3A_34 = arith.constant 0 : i32
    %scan3A_35 = arith.constant 40 : i32
    %scan3A_36 = arith.addi %scan3A_34, %scan3A_35 : i32
    %scan3A_37 = arith.constant 1 : i32
    %scan3A_38 = scf.for %scan3A_51 = %scan3A_34 to %scan3A_36 step %scan3A_37 iter_args(%scan3A_52 = %scan3A_33) -> (i32)  : i32 {
      %mul3A_53 = arith.constant 2 : i32
      %mul3A_54 = arith.muli %mul3A_53, %scan3A_51 : i32
      %dma_wait3A = arith.constant 0 : i32
      %dma_wait3A_55 = tpu.memref_slice %arg5[%mul3A_54, %dma_wait3A] : memref<80x128xi32, #tpu.memory_space<vmem>> -> memref<1x128xi32, #tpu.memory_space<vmem>>
      %dma_wait3A_56 = tpu.memref_squeeze %dma_wait3A_55 : memref<1x128xi32, #tpu.memory_space<vmem>> -> memref<128xi32, #tpu.memory_space<vmem>>
      %dma_wait3A_57 = arith.constant 0 : i32
      %dma_wait3A_58 = arith.constant 0 : i32
      %dma_wait3A_59 = tpu.memref_slice %arg8[%dma_wait3A_57, %dma_wait3A_58] : memref<10240x128xf32, #tpu.memory_space<vmem_shared>> -> memref<10240x128xf32, #tpu.memory_space<vmem_shared>>
      tpu.wait_indirect_dma semaphore(%arg9 : memref<!tpu.dma_semaphore, #tpu.memory_space<semaphore_mem>>) src(%arg7 : memref<128x128xf32, #tpu.memory_space<vmem>>) dst(%dma_wait3A_59 : memref<10240x128xf32, #tpu.memory_space<vmem_shared>>)
      %add3A_60 = arith.constant 2 : i32
      %add3A_61 = arith.addi %mul3A_54, %add3A_60 : i32
      %lt3A = arith.constant 80 : i32
      %lt3A_62 = arith.cmpi slt, %add3A_61, %lt3A : i32
      %convert_element_type3A = arith.extui %lt3A_62 : i1 to i32
      %cond3A = arith.constant 0 : i32
      %cond3A_63 = arith.cmpi ne, %convert_element_type3A, %cond3A : i32
      scf.if %cond3A_63 {
        %add3A_80 = arith.constant 2 : i32
        %add3A_81 = arith.addi %mul3A_54, %add3A_80 : i32
        %dma_start3A_82 = arith.constant 0 : i32
        %dma_start3A_83 = tpu.memref_slice %arg5[%add3A_81, %dma_start3A_82] : memref<80x128xi32, #tpu.memory_space<vmem>> -> memref<1x128xi32, #tpu.memory_space<vmem>>
        %dma_start3A_84 = tpu.memref_squeeze %dma_start3A_83 : memref<1x128xi32, #tpu.memory_space<vmem>> -> memref<128xi32, #tpu.memory_space<vmem>>
        %dma_start3A_85 = arith.constant 0 : i32
        %dma_start3A_86 = arith.constant 0 : i32
        %dma_start3A_87 = tpu.memref_slice %arg8[%dma_start3A_85, %dma_start3A_86] : memref<10240x128xf32, #tpu.memory_space<vmem_shared>> -> memref<10240x128xf32, #tpu.memory_space<vmem_shared>>
        tpu.enqueue_indirect_dma source(%arg7 : memref<128x128xf32, #tpu.memory_space<vmem>>) target(%dma_start3A_87 : memref<10240x128xf32, #tpu.memory_space<vmem_shared>>) offsets(%dma_start3A_84 : memref<128xi32, #tpu.memory_space<vmem>>) semaphore(%arg9 : memref<!tpu.dma_semaphore, #tpu.memory_space<semaphore_mem>>) {add = true}
      } else {
      }
      %add3A_64 = arith.constant 1 : i32
      %add3A_65 = arith.addi %mul3A_54, %add3A_64 : i32
      %dma_wait3A_66 = arith.constant 0 : i32
      %dma_wait3A_67 = tpu.memref_slice %arg5[%add3A_65, %dma_wait3A_66] : memref<80x128xi32, #tpu.memory_space<vmem>> -> memref<1x128xi32, #tpu.memory_space<vmem>>
      %dma_wait3A_68 = tpu.memref_squeeze %dma_wait3A_67 : memref<1x128xi32, #tpu.memory_space<vmem>> -> memref<128xi32, #tpu.memory_space<vmem>>
      %dma_wait3A_69 = arith.constant 0 : i32
      %dma_wait3A_70 = arith.constant 0 : i32
      %dma_wait3A_71 = tpu.memref_slice %arg8[%dma_wait3A_69, %dma_wait3A_70] : memref<10240x128xf32, #tpu.memory_space<vmem_shared>> -> memref<10240x128xf32, #tpu.memory_space<vmem_shared>>
      tpu.wait_indirect_dma semaphore(%arg10 : memref<!tpu.dma_semaphore, #tpu.memory_space<semaphore_mem>>) src(%arg7 : memref<128x128xf32, #tpu.memory_space<vmem>>) dst(%dma_wait3A_71 : memref<10240x128xf32, #tpu.memory_space<vmem_shared>>)
      %add3A_72 = arith.constant 3 : i32
      %add3A_73 = arith.addi %mul3A_54, %add3A_72 : i32
      %lt3A_74 = arith.constant 80 : i32
      %lt3A_75 = arith.cmpi slt, %add3A_73, %lt3A_74 : i32
      %convert_element_type3A_76 = arith.extui %lt3A_75 : i1 to i32
      %cond3A_77 = arith.constant 0 : i32
      %cond3A_78 = arith.cmpi ne, %convert_element_type3A_76, %cond3A_77 : i32
      scf.if %cond3A_78 {
        %add3A_80 = arith.constant 3 : i32
        %add3A_81 = arith.addi %mul3A_54, %add3A_80 : i32
        %dma_start3A_82 = arith.constant 0 : i32
        %dma_start3A_83 = tpu.memref_slice %arg5[%add3A_81, %dma_start3A_82] : memref<80x128xi32, #tpu.memory_space<vmem>> -> memref<1x128xi32, #tpu.memory_space<vmem>>
        %dma_start3A_84 = tpu.memref_squeeze %dma_start3A_83 : memref<1x128xi32, #tpu.memory_space<vmem>> -> memref<128xi32, #tpu.memory_space<vmem>>
        %dma_start3A_85 = arith.constant 0 : i32
        %dma_start3A_86 = arith.constant 0 : i32
        %dma_start3A_87 = tpu.memref_slice %arg8[%dma_start3A_85, %dma_start3A_86] : memref<10240x128xf32, #tpu.memory_space<vmem_shared>> -> memref<10240x128xf32, #tpu.memory_space<vmem_shared>>
        tpu.enqueue_indirect_dma source(%arg7 : memref<128x128xf32, #tpu.memory_space<vmem>>) target(%dma_start3A_87 : memref<10240x128xf32, #tpu.memory_space<vmem_shared>>) offsets(%dma_start3A_84 : memref<128xi32, #tpu.memory_space<vmem>>) semaphore(%arg10 : memref<!tpu.dma_semaphore, #tpu.memory_space<semaphore_mem>>) {add = true}
      } else {
      }
      %scan3A_79 = arith.constant 0 : i32
      scf.yield %scan3A_79 : i32
    }
    %scan3A_39 = arith.constant 40 : i32
    %barrier3A_40 = arith.constant 0 : index
    tpu.barrier barrier_id(%barrier3A_40)
    %add3A_41 = arith.constant 0 : i32
    %add3A_42 = arith.addi %mul3A_9, %add3A_41 : i32
    "tpu.region"() ({
      %run_scoped3A = tpu.sem_alloc : memref<!tpu.dma_semaphore, #tpu.memory_space<semaphore_mem>>
      %dma_start3A_51 = arith.constant 0 : i32
      %dma_start3A_52 = tpu.memref_slice %arg4[%arg0, %add3A_42, %dma_start3A_51] : memref<2x10240x128xf32, #tpu.memory_space<hbm>> -> memref<1x128x128xf32, #tpu.memory_space<hbm>>
      %dma_start3A_53 = tpu.memref_squeeze %dma_start3A_52 : memref<1x128x128xf32, #tpu.memory_space<hbm>> -> memref<128x128xf32, #tpu.memory_space<hbm>>
      %dma_start3A_54 = arith.constant 0 : i32
      %dma_start3A_55 = tpu.memref_slice %arg8[%add3A_42, %dma_start3A_54] : memref<10240x128xf32, #tpu.memory_space<vmem_shared>> -> memref<128x128xf32, #tpu.memory_space<vmem_shared>>
      tpu.enqueue_dma source(%dma_start3A_55 : memref<128x128xf32, #tpu.memory_space<vmem_shared>>) target(%dma_start3A_53 : memref<128x128xf32, #tpu.memory_space<hbm>>) target_semaphore(%run_scoped3A : memref<!tpu.dma_semaphore, #tpu.memory_space<semaphore_mem>>)
      %dma_wait3A = arith.constant 0 : i32
      %dma_wait3A_56 = tpu.memref_slice %arg4[%arg0, %add3A_42, %dma_wait3A] : memref<2x10240x128xf32, #tpu.memory_space<hbm>> -> memref<1x128x128xf32, #tpu.memory_space<hbm>>
      %dma_wait3A_57 = tpu.memref_squeeze %dma_wait3A_56 : memref<1x128x128xf32, #tpu.memory_space<hbm>> -> memref<128x128xf32, #tpu.memory_space<hbm>>
      %dma_wait3A_58 = arith.constant 0 : i32
      %dma_wait3A_59 = tpu.memref_slice %arg8[%add3A_42, %dma_wait3A_58] : memref<10240x128xf32, #tpu.memory_space<vmem_shared>> -> memref<128x128xf32, #tpu.memory_space<vmem_shared>>
      tpu.wait_dma2 semaphore(%run_scoped3A : memref<!tpu.dma_semaphore, #tpu.memory_space<semaphore_mem>>) src(%dma_wait3A_59 : memref<128x128xf32, #tpu.memory_space<vmem_shared>>) dst(%dma_wait3A_57 : memref<128x128xf32, #tpu.memory_space<hbm>>)
      tpu.yield
    }) : () -> ()
    %add3A_43 = arith.constant 128 : i32
    %add3A_44 = arith.addi %mul3A_9, %add3A_43 : i32
    "tpu.region"() ({
      %run_scoped3A = tpu.sem_alloc : memref<!tpu.dma_semaphore, #tpu.memory_space<semaphore_mem>>
      %dma_start3A_51 = arith.constant 0 : i32
      %dma_start3A_52 = tpu.memref_slice %arg4[%arg0, %add3A_44, %dma_start3A_51] : memref<2x10240x128xf32, #tpu.memory_space<hbm>> -> memref<1x128x128xf32, #tpu.memory_space<hbm>>
      %dma_start3A_53 = tpu.memref_squeeze %dma_start3A_52 : memref<1x128x128xf32, #tpu.memory_space<hbm>> -> memref<128x128xf32, #tpu.memory_space<hbm>>
      %dma_start3A_54 = arith.constant 0 : i32
      %dma_start3A_55 = tpu.memref_slice %arg8[%add3A_44, %dma_start3A_54] : memref<10240x128xf32, #tpu.memory_space<vmem_shared>> -> memref<128x128xf32, #tpu.memory_space<vmem_shared>>
      tpu.enqueue_dma source(%dma_start3A_55 : memref<128x128xf32, #tpu.memory_space<vmem_shared>>) target(%dma_start3A_53 : memref<128x128xf32, #tpu.memory_space<hbm>>) target_semaphore(%run_scoped3A : memref<!tpu.dma_semaphore, #tpu.memory_space<semaphore_mem>>)
      %dma_wait3A = arith.constant 0 : i32
      %dma_wait3A_56 = tpu.memref_slice %arg4[%arg0, %add3A_44, %dma_wait3A] : memref<2x10240x128xf32, #tpu.memory_space<hbm>> -> memref<1x128x128xf32, #tpu.memory_space<hbm>>
      %dma_wait3A_57 = tpu.memref_squeeze %dma_wait3A_56 : memref<1x128x128xf32, #tpu.memory_space<hbm>> -> memref<128x128xf32, #tpu.memory_space<hbm>>
      %dma_wait3A_58 = arith.constant 0 : i32
      %dma_wait3A_59 = tpu.memref_slice %arg8[%add3A_44, %dma_wait3A_58] : memref<10240x128xf32, #tpu.memory_space<vmem_shared>> -> memref<128x128xf32, #tpu.memory_space<vmem_shared>>
      tpu.wait_dma2 semaphore(%run_scoped3A : memref<!tpu.dma_semaphore, #tpu.memory_space<semaphore_mem>>) src(%dma_wait3A_59 : memref<128x128xf32, #tpu.memory_space<vmem_shared>>) dst(%dma_wait3A_57 : memref<128x128xf32, #tpu.memory_space<hbm>>)
      tpu.yield
    }) : () -> ()
    %add3A_45 = arith.constant 256 : i32
    %add3A_46 = arith.addi %mul3A_9, %add3A_45 : i32
    "tpu.region"() ({
      %run_scoped3A = tpu.sem_alloc : memref<!tpu.dma_semaphore, #tpu.memory_space<semaphore_mem>>
      %dma_start3A_51 = arith.constant 0 : i32
      %dma_start3A_52 = tpu.memref_slice %arg4[%arg0, %add3A_46, %dma_start3A_51] : memref<2x10240x128xf32, #tpu.memory_space<hbm>> -> memref<1x128x128xf32, #tpu.memory_space<hbm>>
      %dma_start3A_53 = tpu.memref_squeeze %dma_start3A_52 : memref<1x128x128xf32, #tpu.memory_space<hbm>> -> memref<128x128xf32, #tpu.memory_space<hbm>>
      %dma_start3A_54 = arith.constant 0 : i32
      %dma_start3A_55 = tpu.memref_slice %arg8[%add3A_46, %dma_start3A_54] : memref<10240x128xf32, #tpu.memory_space<vmem_shared>> -> memref<128x128xf32, #tpu.memory_space<vmem_shared>>
      tpu.enqueue_dma source(%dma_start3A_55 : memref<128x128xf32, #tpu.memory_space<vmem_shared>>) target(%dma_start3A_53 : memref<128x128xf32, #tpu.memory_space<hbm>>) target_semaphore(%run_scoped3A : memref<!tpu.dma_semaphore, #tpu.memory_space<semaphore_mem>>)
      %dma_wait3A = arith.constant 0 : i32
      %dma_wait3A_56 = tpu.memref_slice %arg4[%arg0, %add3A_46, %dma_wait3A] : memref<2x10240x128xf32, #tpu.memory_space<hbm>> -> memref<1x128x128xf32, #tpu.memory_space<hbm>>
      %dma_wait3A_57 = tpu.memref_squeeze %dma_wait3A_56 : memref<1x128x128xf32, #tpu.memory_space<hbm>> -> memref<128x128xf32, #tpu.memory_space<hbm>>
      %dma_wait3A_58 = arith.constant 0 : i32
      %dma_wait3A_59 = tpu.memref_slice %arg8[%add3A_46, %dma_wait3A_58] : memref<10240x128xf32, #tpu.memory_space<vmem_shared>> -> memref<128x128xf32, #tpu.memory_space<vmem_shared>>
      tpu.wait_dma2 semaphore(%run_scoped3A : memref<!tpu.dma_semaphore, #tpu.memory_space<semaphore_mem>>) src(%dma_wait3A_59 : memref<128x128xf32, #tpu.memory_space<vmem_shared>>) dst(%dma_wait3A_57 : memref<128x128xf32, #tpu.memory_space<hbm>>)
      tpu.yield
    }) : () -> ()
    %add3A_47 = arith.constant 384 : i32
    %add3A_48 = arith.addi %mul3A_9, %add3A_47 : i32
    "tpu.region"() ({
      %run_scoped3A = tpu.sem_alloc : memref<!tpu.dma_semaphore, #tpu.memory_space<semaphore_mem>>
      %dma_start3A_51 = arith.constant 0 : i32
      %dma_start3A_52 = tpu.memref_slice %arg4[%arg0, %add3A_48, %dma_start3A_51] : memref<2x10240x128xf32, #tpu.memory_space<hbm>> -> memref<1x128x128xf32, #tpu.memory_space<hbm>>
      %dma_start3A_53 = tpu.memref_squeeze %dma_start3A_52 : memref<1x128x128xf32, #tpu.memory_space<hbm>> -> memref<128x128xf32, #tpu.memory_space<hbm>>
      %dma_start3A_54 = arith.constant 0 : i32
      %dma_start3A_55 = tpu.memref_slice %arg8[%add3A_48, %dma_start3A_54] : memref<10240x128xf32, #tpu.memory_space<vmem_shared>> -> memref<128x128xf32, #tpu.memory_space<vmem_shared>>
      tpu.enqueue_dma source(%dma_start3A_55 : memref<128x128xf32, #tpu.memory_space<vmem_shared>>) target(%dma_start3A_53 : memref<128x128xf32, #tpu.memory_space<hbm>>) target_semaphore(%run_scoped3A : memref<!tpu.dma_semaphore, #tpu.memory_space<semaphore_mem>>)
      %dma_wait3A = arith.constant 0 : i32
      %dma_wait3A_56 = tpu.memref_slice %arg4[%arg0, %add3A_48, %dma_wait3A] : memref<2x10240x128xf32, #tpu.memory_space<hbm>> -> memref<1x128x128xf32, #tpu.memory_space<hbm>>
      %dma_wait3A_57 = tpu.memref_squeeze %dma_wait3A_56 : memref<1x128x128xf32, #tpu.memory_space<hbm>> -> memref<128x128xf32, #tpu.memory_space<hbm>>
      %dma_wait3A_58 = arith.constant 0 : i32
      %dma_wait3A_59 = tpu.memref_slice %arg8[%add3A_48, %dma_wait3A_58] : memref<10240x128xf32, #tpu.memory_space<vmem_shared>> -> memref<128x128xf32, #tpu.memory_space<vmem_shared>>
      tpu.wait_dma2 semaphore(%run_scoped3A : memref<!tpu.dma_semaphore, #tpu.memory_space<semaphore_mem>>) src(%dma_wait3A_59 : memref<128x128xf32, #tpu.memory_space<vmem_shared>>) dst(%dma_wait3A_57 : memref<128x128xf32, #tpu.memory_space<hbm>>)
      tpu.yield
    }) : () -> ()
    %add3A_49 = arith.constant 512 : i32
    %add3A_50 = arith.addi %mul3A_9, %add3A_49 : i32
    "tpu.region"() ({
      %run_scoped3A = tpu.sem_alloc : memref<!tpu.dma_semaphore, #tpu.memory_space<semaphore_mem>>
      %dma_start3A_51 = arith.constant 0 : i32
      %dma_start3A_52 = tpu.memref_slice %arg4[%arg0, %add3A_50, %dma_start3A_51] : memref<2x10240x128xf32, #tpu.memory_space<hbm>> -> memref<1x128x128xf32, #tpu.memory_space<hbm>>
      %dma_start3A_53 = tpu.memref_squeeze %dma_start3A_52 : memref<1x128x128xf32, #tpu.memory_space<hbm>> -> memref<128x128xf32, #tpu.memory_space<hbm>>
      %dma_start3A_54 = arith.constant 0 : i32
      %dma_start3A_55 = tpu.memref_slice %arg8[%add3A_50, %dma_start3A_54] : memref<10240x128xf32, #tpu.memory_space<vmem_shared>> -> memref<128x128xf32, #tpu.memory_space<vmem_shared>>
      tpu.enqueue_dma source(%dma_start3A_55 : memref<128x128xf32, #tpu.memory_space<vmem_shared>>) target(%dma_start3A_53 : memref<128x128xf32, #tpu.memory_space<hbm>>) target_semaphore(%run_scoped3A : memref<!tpu.dma_semaphore, #tpu.memory_space<semaphore_mem>>)
      %dma_wait3A = arith.constant 0 : i32
      %dma_wait3A_56 = tpu.memref_slice %arg4[%arg0, %add3A_50, %dma_wait3A] : memref<2x10240x128xf32, #tpu.memory_space<hbm>> -> memref<1x128x128xf32, #tpu.memory_space<hbm>>
      %dma_wait3A_57 = tpu.memref_squeeze %dma_wait3A_56 : memref<1x128x128xf32, #tpu.memory_space<hbm>> -> memref<128x128xf32, #tpu.memory_space<hbm>>
      %dma_wait3A_58 = arith.constant 0 : i32
      %dma_wait3A_59 = tpu.memref_slice %arg8[%add3A_50, %dma_wait3A_58] : memref<10240x128xf32, #tpu.memory_space<vmem_shared>> -> memref<128x128xf32, #tpu.memory_space<vmem_shared>>
      tpu.wait_dma2 semaphore(%run_scoped3A : memref<!tpu.dma_semaphore, #tpu.memory_space<semaphore_mem>>) src(%dma_wait3A_59 : memref<128x128xf32, #tpu.memory_space<vmem_shared>>) dst(%dma_wait3A_57 : memref<128x128xf32, #tpu.memory_space<hbm>>)
      tpu.yield
    }) : () -> ()
    return
  }
}

module attributes {stable_mosaic.version = 14 : i64} {
  func.func @body(%arg0: i32, %arg1: memref<256x128xf32, #tpu.memory_space<vmem>>, %arg2: memref<256x128xf32, #tpu.memory_space<vmem>>, %arg3: memref<256x128xf32, #tpu.memory_space<vmem>>, %arg4: memref<256x128xf32, #tpu.memory_space<vmem>>, %arg5: memref<256x16xf32, #tpu.memory_space<vmem>>) attributes {dimension_semantics = [#tpu.dimension_semantics<arbitrary>], iteration_bounds = array<i64: 40>, scalar_prefetch = 0 : i64, scratch_operands = 0 : i64, tpu.core_type = #tpu.core_type<tc>, window_params = [{transform_indices = @transform_0, window_bounds = array<i64: 256, 128>}, {transform_indices = @transform_1, window_bounds = array<i64: 256, 128>}, {transform_indices = @transform_2, window_bounds = array<i64: 256, 128>}, {transform_indices = @transform_3, window_bounds = array<i64: 256, 128>}, {transform_indices = @transform_4, window_bounds = array<i64: 256, 16>}]} {
    %get3A = arith.constant 0 : index
    %get3A_0 = arith.constant 0 : index
    %get3A_1 = vector.load %arg2[%get3A, %get3A_0] : memref<256x128xf32, #tpu.memory_space<vmem>>, vector<256x128xf32>
    %get3A_2 = arith.constant 0 : index
    %get3A_3 = arith.constant 0 : index
    %get3A_4 = vector.load %arg3[%get3A_2, %get3A_3] : memref<256x128xf32, #tpu.memory_space<vmem>>, vector<256x128xf32>
    %add3A = arith.addf %get3A_1, %get3A_4 : vector<256x128xf32>
    %add3A_5 = arith.constant 1.000000e+00 : f32
    %add3A_6 = vector.broadcast %add3A_5 : f32 to vector<256x128xf32>
    %add3A_7 = arith.addf %add3A, %add3A_6 : vector<256x128xf32>
    %slice3A = vector.extract_strided_slice %add3A_7 {offsets = [0, 0], sizes = [256, 16], strides = [1, 1]} : vector<256x128xf32> to vector<256x16xf32>
    %swap3A = arith.constant 0 : index
    %swap3A_8 = arith.constant 0 : index
    %swap3A_9 = vector.load %arg5[%swap3A, %swap3A_8] : memref<256x16xf32, #tpu.memory_space<vmem>>, vector<256x16xf32>
    tpu.vector_store %arg5[%swap3A, %swap3A_8], %slice3A {strides = array<i32>} : memref<256x16xf32, #tpu.memory_space<vmem>>, vector<256x16xf32>,
    %slice3A_10 = vector.extract_strided_slice %add3A_7 {offsets = [0, 0], sizes = [256, 1], strides = [1, 1]} : vector<256x128xf32> to vector<256x1xf32>
    %rsqrt3A = math.rsqrt %slice3A_10 : vector<256x1xf32>
    %get3A_11 = arith.constant 0 : index
    %get3A_12 = arith.constant 0 : index
    %get3A_13 = vector.load %arg1[%get3A_11, %get3A_12] : memref<256x128xf32, #tpu.memory_space<vmem>>, vector<256x128xf32>
    %mul3A = vector.broadcast %rsqrt3A : vector<256x1xf32> to vector<256x128xf32>
    %mul3A_14 = arith.mulf %get3A_13, %mul3A : vector<256x128xf32>
    %swap3A_15 = arith.constant 0 : index
    %swap3A_16 = arith.constant 0 : index
    %swap3A_17 = vector.load %arg4[%swap3A_15, %swap3A_16] : memref<256x128xf32, #tpu.memory_space<vmem>>, vector<256x128xf32>
    tpu.vector_store %arg4[%swap3A_15, %swap3A_16], %mul3A_14 {strides = array<i32>} : memref<256x128xf32, #tpu.memory_space<vmem>>, vector<256x128xf32>,
    return
  }
  func.func @transform_0(%arg0: i32) -> (i32, i32) {
    %c0_i32 = arith.constant 0 : i32
    %c0_i32_0 = arith.constant 0 : i32
    return %arg0, %c0_i32 : i32, i32
  }
  func.func @transform_1(%arg0: i32) -> (i32, i32) {
    %c0_i32 = arith.constant 0 : i32
    %c0_i32_0 = arith.constant 0 : i32
    return %arg0, %c0_i32 : i32, i32
  }
  func.func @transform_2(%arg0: i32) -> (i32, i32) {
    %c0_i32 = arith.constant 0 : i32
    %c0_i32_0 = arith.constant 0 : i32
    return %arg0, %c0_i32 : i32, i32
  }
  func.func @transform_3(%arg0: i32) -> (i32, i32) {
    %c0_i32 = arith.constant 0 : i32
    %c0_i32_0 = arith.constant 0 : i32
    return %arg0, %c0_i32 : i32, i32
  }
  func.func @transform_4(%arg0: i32) -> (i32, i32) {
    %c0_i32 = arith.constant 0 : i32
    %c0_i32_0 = arith.constant 0 : i32
    return %arg0, %c0_i32 : i32, i32
  }
}

module attributes {stable_mosaic.version = 14 : i64} {
  func.func @body(%arg0: i32, %arg1: memref<256x128xf32, #tpu.memory_space<vmem>>, %arg2: memref<256x128xf32, #tpu.memory_space<vmem>>, %arg3: memref<256x128xf32, #tpu.memory_space<vmem>>, %arg4: memref<256x16xf32, #tpu.memory_space<vmem>>, %arg5: memref<256x128xf32, #tpu.memory_space<vmem>>) attributes {dimension_semantics = [#tpu.dimension_semantics<arbitrary>], iteration_bounds = array<i64: 40>, scalar_prefetch = 0 : i64, scratch_operands = 0 : i64, tpu.core_type = #tpu.core_type<tc>, window_params = [{transform_indices = @transform_0, window_bounds = array<i64: 256, 128>}, {transform_indices = @transform_1, window_bounds = array<i64: 256, 128>}, {transform_indices = @transform_2, window_bounds = array<i64: 256, 128>}, {transform_indices = @transform_3, window_bounds = array<i64: 256, 16>}, {transform_indices = @transform_4, window_bounds = array<i64: 256, 128>}]} {
    %get3A = arith.constant 0 : index
    %get3A_0 = arith.constant 0 : index
    %get3A_1 = vector.load %arg1[%get3A, %get3A_0] : memref<256x128xf32, #tpu.memory_space<vmem>>, vector<256x128xf32>
    %get3A_2 = arith.constant 0 : index
    %get3A_3 = arith.constant 0 : index
    %get3A_4 = vector.load %arg2[%get3A_2, %get3A_3] : memref<256x128xf32, #tpu.memory_space<vmem>>, vector<256x128xf32>
    %add3A = arith.addf %get3A_1, %get3A_4 : vector<256x128xf32>
    %get3A_5 = arith.constant 0 : index
    %get3A_6 = arith.constant 0 : index
    %get3A_7 = vector.load %arg3[%get3A_5, %get3A_6] : memref<256x128xf32, #tpu.memory_space<vmem>>, vector<256x128xf32>
    %add3A_8 = arith.addf %add3A, %get3A_7 : vector<256x128xf32>
    %get3A_9 = arith.constant 0 : index
    %get3A_10 = arith.constant 0 : index
    %get3A_11 = vector.load %arg4[%get3A_9, %get3A_10] : memref<256x16xf32, #tpu.memory_space<vmem>>, vector<256x1xf32>
    %div3A = vector.broadcast %get3A_11 : vector<256x1xf32> to vector<256x128xf32>
    %div3A_12 = arith.divf %add3A_8, %div3A : vector<256x128xf32>
    %swap3A = arith.constant 0 : index
    %swap3A_13 = arith.constant 0 : index
    %swap3A_14 = vector.load %arg5[%swap3A, %swap3A_13] : memref<256x128xf32, #tpu.memory_space<vmem>>, vector<256x128xf32>
    tpu.vector_store %arg5[%swap3A, %swap3A_13], %div3A_12 {strides = array<i32>} : memref<256x128xf32, #tpu.memory_space<vmem>>, vector<256x128xf32>,
    return
  }
  func.func @transform_0(%arg0: i32) -> (i32, i32) {
    %c0_i32 = arith.constant 0 : i32
    %c0_i32_0 = arith.constant 0 : i32
    return %arg0, %c0_i32 : i32, i32
  }
  func.func @transform_1(%arg0: i32) -> (i32, i32) {
    %c0_i32 = arith.constant 0 : i32
    %c0_i32_0 = arith.constant 0 : i32
    return %arg0, %c0_i32 : i32, i32
  }
  func.func @transform_2(%arg0: i32) -> (i32, i32) {
    %c0_i32 = arith.constant 0 : i32
    %c0_i32_0 = arith.constant 0 : i32
    return %arg0, %c0_i32 : i32, i32
  }
  func.func @transform_3(%arg0: i32) -> (i32, i32) {
    %c0_i32 = arith.constant 0 : i32
    %c0_i32_0 = arith.constant 0 : i32
    return %arg0, %c0_i32 : i32, i32
  }
  func.func @transform_4(%arg0: i32) -> (i32, i32) {
    %c0_i32 = arith.constant 0 : i32
    %c0_i32_0 = arith.constant 0 : i32
    return %arg0, %c0_i32 : i32, i32
  }
}

module attributes {stable_mosaic.version = 14 : i64} {
  func.func @body(%arg0: i32, %arg1: memref<256x128xf32, #tpu.memory_space<vmem>>, %arg2: memref<256x128xf32, #tpu.memory_space<vmem>>, %arg3: memref<256x128xf32, #tpu.memory_space<vmem>>, %arg4: memref<256x16xf32, #tpu.memory_space<vmem>>, %arg5: memref<128x128xf32, #tpu.memory_space<vmem>>, %arg6: memref<1x128xf32, #tpu.memory_space<vmem>>, %arg7: memref<256x128xf32, #tpu.memory_space<vmem>>) attributes {dimension_semantics = [#tpu.dimension_semantics<arbitrary>], iteration_bounds = array<i64: 40>, scalar_prefetch = 0 : i64, scratch_operands = 0 : i64, tpu.core_type = #tpu.core_type<tc>, window_params = [{transform_indices = @transform_0, window_bounds = array<i64: 256, 128>}, {transform_indices = @transform_1, window_bounds = array<i64: 256, 128>}, {transform_indices = @transform_2, window_bounds = array<i64: 256, 128>}, {transform_indices = @transform_3, window_bounds = array<i64: 256, 16>}, {pipeline_mode = #tpu.pipeline_mode<synchronous>, transform_indices = @transform_4, window_bounds = array<i64: 128, 128>}, {pipeline_mode = #tpu.pipeline_mode<synchronous>, transform_indices = @transform_5, window_bounds = array<i64: 1, 128>}, {transform_indices = @transform_6, window_bounds = array<i64: 256, 128>}]} {
    %get3A = arith.constant 0 : index
    %get3A_0 = arith.constant 0 : index
    %get3A_1 = vector.load %arg1[%get3A, %get3A_0] : memref<256x128xf32, #tpu.memory_space<vmem>>, vector<256x128xf32>
    %get3A_2 = arith.constant 0 : index
    %get3A_3 = arith.constant 0 : index
    %get3A_4 = vector.load %arg2[%get3A_2, %get3A_3] : memref<256x128xf32, #tpu.memory_space<vmem>>, vector<256x128xf32>
    %add3A = arith.addf %get3A_1, %get3A_4 : vector<256x128xf32>
    %get3A_5 = arith.constant 0 : index
    %get3A_6 = arith.constant 0 : index
    %get3A_7 = vector.load %arg3[%get3A_5, %get3A_6] : memref<256x128xf32, #tpu.memory_space<vmem>>, vector<256x128xf32>
    %add3A_8 = arith.addf %add3A, %get3A_7 : vector<256x128xf32>
    %get3A_9 = arith.constant 0 : index
    %get3A_10 = arith.constant 0 : index
    %get3A_11 = vector.load %arg4[%get3A_9, %get3A_10] : memref<256x16xf32, #tpu.memory_space<vmem>>, vector<256x1xf32>
    %rsqrt3A = math.rsqrt %get3A_11 : vector<256x1xf32>
    %mul3A = vector.broadcast %rsqrt3A : vector<256x1xf32> to vector<256x128xf32>
    %mul3A_12 = arith.mulf %add3A_8, %mul3A : vector<256x128xf32>
    %get3A_13 = arith.constant 0 : index
    %get3A_14 = arith.constant 0 : index
    %get3A_15 = vector.load %arg5[%get3A_13, %get3A_14] : memref<128x128xf32, #tpu.memory_space<vmem>>, vector<128x128xf32>
    %dot_general3A = arith.constant dense<0.000000e+00> : vector<256x128xf32>
    %dot_general3A_16 = tpu.matmul %mul3A_12, %get3A_15, %dot_general3A {dimension_numbers = #tpu.dot_dimension_numbers<[1], [1], [0], [0], [0, 0, 1, 0], [], []>, transpose_lhs_hint = false} : vector<256x128xf32>, vector<128x128xf32>, vector<256x128xf32> -> vector<256x128xf32>
    %get3A_17 = arith.constant 0 : index
    %get3A_18 = arith.constant 0 : index
    %get3A_19 = vector.load %arg6[%get3A_17, %get3A_18] : memref<1x128xf32, #tpu.memory_space<vmem>>, vector<1x128xf32>
    %add3A_20 = vector.broadcast %get3A_19 : vector<1x128xf32> to vector<256x128xf32>
    %add3A_21 = arith.addf %dot_general3A_16, %add3A_20 : vector<256x128xf32>
    %reduce_max3A = arith.constant dense<0xFF800000> : vector<256xf32>
    %reduce_max3A_22 = vector.multi_reduction <maximumf>, %add3A_21, %reduce_max3A [1] : vector<256x128xf32> to vector<256xf32>
    %broadcast_in_dim3A = vector.shape_cast %reduce_max3A_22 : vector<256xf32> to vector<256x1xf32>
    %sub3A = vector.broadcast %broadcast_in_dim3A : vector<256x1xf32> to vector<256x128xf32>
    %sub3A_23 = arith.subf %add3A_21, %sub3A : vector<256x128xf32>
    %exp3A = math.exp %sub3A_23 : vector<256x128xf32>
    %reduce_sum3A = arith.constant dense<0.000000e+00> : vector<256xf32>
    %reduce_sum3A_24 = vector.multi_reduction <add>, %exp3A, %reduce_sum3A [1] : vector<256x128xf32> to vector<256xf32>
    %broadcast_in_dim3A_25 = vector.shape_cast %reduce_sum3A_24 : vector<256xf32> to vector<256x1xf32>
    %log3A = math.log %broadcast_in_dim3A_25 : vector<256x1xf32>
    %add3A_26 = arith.addf %log3A, %broadcast_in_dim3A : vector<256x1xf32>
    %sub3A_27 = vector.broadcast %add3A_26 : vector<256x1xf32> to vector<256x128xf32>
    %sub3A_28 = arith.subf %add3A_21, %sub3A_27 : vector<256x128xf32>
    %swap3A = arith.constant 0 : index
    %swap3A_29 = arith.constant 0 : index
    %swap3A_30 = vector.load %arg7[%swap3A, %swap3A_29] : memref<256x128xf32, #tpu.memory_space<vmem>>, vector<256x128xf32>
    tpu.vector_store %arg7[%swap3A, %swap3A_29], %sub3A_28 {strides = array<i32>} : memref<256x128xf32, #tpu.memory_space<vmem>>, vector<256x128xf32>,
    return
  }
  func.func @transform_0(%arg0: i32) -> (i32, i32) {
    %c0_i32 = arith.constant 0 : i32
    %c0_i32_0 = arith.constant 0 : i32
    return %arg0, %c0_i32 : i32, i32
  }
  func.func @transform_1(%arg0: i32) -> (i32, i32) {
    %c0_i32 = arith.constant 0 : i32
    %c0_i32_0 = arith.constant 0 : i32
    return %arg0, %c0_i32 : i32, i32
  }
  func.func @transform_2(%arg0: i32) -> (i32, i32) {
    %c0_i32 = arith.constant 0 : i32
    %c0_i32_0 = arith.constant 0 : i32
    return %arg0, %c0_i32 : i32, i32
  }
  func.func @transform_3(%arg0: i32) -> (i32, i32) {
    %c0_i32 = arith.constant 0 : i32
    %c0_i32_0 = arith.constant 0 : i32
    return %arg0, %c0_i32 : i32, i32
  }
  func.func @transform_4(%arg0: i32) -> (i32, i32) {
    %c0_i32 = arith.constant 0 : i32
    %c0_i32_0 = arith.constant 0 : i32
    %c0_i32_1 = arith.constant 0 : i32
    return %c0_i32, %c0_i32_0 : i32, i32
  }
  func.func @transform_5(%arg0: i32) -> (i32, i32) {
    %c0_i32 = arith.constant 0 : i32
    %c0_i32_0 = arith.constant 0 : i32
    %c0_i32_1 = arith.constant 0 : i32
    return %c0_i32, %c0_i32_0 : i32, i32
  }
  func.func @transform_6(%arg0: i32) -> (i32, i32) {
    %c0_i32 = arith.constant 0 : i32
    %c0_i32_0 = arith.constant 0 : i32
    return %arg0, %c0_i32 : i32, i32
  }
}

</mosaic_0001>

<sc_bundles>
// kernel: kernel.11.cloned.1.call-start
scs
__scs_entry_jumppad:
0x0: {  	(pc) =	sbr.rel $0x88, $3  }
0x1: {  	(tag) =	ssettag $0x0;
	lr =	simm.s32 $0x1  }
0x2: {  	[smem:$0x3F9D] =	sst lr;
	_ =	strace $0xD0000000  }
0x3: {  	_ = 	snop  }
0x4: {  	_ = 	snop  }
0x5: {  	_ = 	snop  }
0x6: {  	_ = 	snop  }
0x7: {  	_ = 	snop  }
__scs_overlays_trampoline_lowered:
0x8: {  	[smem:$0x3FAC] =	sst s0  }
0x9: {  	[smem:$0x3FAD] =	sst s1  }
0xa: {  	[smem:$0x3FAE] =	sst s2  }
0xb: {  	[smem:$0x3FAF] =	sst s3  }
0xc: {  	[smem:$0x3FB0] =	sst s4  }
0xd: {  	[smem:$0x3FB1] =	sst s5  }
0xe: {  	[smem:$0x3FB2] =	sst s6  }
0xf: {  	[smem:$0x3FB3] =	sst s7  }
0x10: {  	[smem:$0x3FB4] =	sst s8  }
0x11: {  	[smem:$0x3FB5] =	sst s9;
	s0 =	simm.s32 @!p0 $0x0  }
0x12: {  	s1 =	sld [smem:$0x3F9B];
	s0 =	simm.s32 @p0 $0x1  }
0x13: {  	[smem:$0x3FB6] =	sst s0;
	s0 =	simm.s32 @!p1 $0x0  }
0x14: {  	s2 =	sld [smem:$0x3F9A];
	s0 =	simm.s32 @p1 $0x1  }
0x15: {  	[smem:$0x3FB7] =	sst s0;
	s0 =	simm.s32 @!p2 $0x0  }
0x16: {  	s3 =	sld [smem:$0x3FDB];
	s0 =	simm.s32 @p2 $0x1  }
0x17: {  	s4 =	simm.s32 $0x1BF5;
	[smem:$0x3FB9] =	sst s0  }
0x18: {  	s0 =	sld [smem:$0x3F9C];
	_ =	swait.ge [sflag:s4], $0x0  }
0x19: {  	s7 =	sld [smem:$0x3F9D]  }
0x1a: {  	s8 =	sadd.s32 $0xFFFFE003, lr  }
0x1b: {  	s9 =	sadd.s32 $0xFFFFFEF7, lr;
	s5 =	simm.s32 $0xFFFFFFFF;
	p2 =	slt.u32 s8, $0xFFFFF086  }
0x1c: {  	p1 =	slt.u32 s9, $0xF7A;
	s5 =	simm.s32 @!p2 $0x0  }
0x1d: {  	s5 =	simm.s32 @p1 $0x1;
	p0 =	seq.s32 s7, s2  }
0x1e: {  	s7 =	smul.u32 @!p0 $0xF7A, s2;
	p2 =	seq.s32 @!p0 s5, $0x0  }
0x1f: {  	s9 =	smul.u32 $0xF7A, s1;
	s8 =	simm.s32 @!p0 $0x1BF5;
	p2 =	por !p2, p0  }
0x20: {  	[sflag:s8] =	ssyncset.s32 @!p0 $0xFFFFF086;
	s6 =	sadd.s32 @!p0 s3, s7;
	s7 =	simm.s32 @!p0 $0x108  }
0x21: {  	s3 =	sadd.s32 s3, s9;
	s6 =	sadd.s32 @!p0 $0x88, s6;
	s7 =	simm.s32 @p2 $0x1082  }
0x22: {  	[simem:s7], [sflag:s8] =	dma.local @!p0 [hbm:s6], $0xF7A  }
0x23: {  	s9 =	sor.u32 $0xD0000000, s2;
	s6 =	simm.s32 $0x108;
	_ =	swait.ge @!p0 [sflag:s8], $0x0  }
0x24: {  	s3 =	sadd.s32 $0x88, s3;
	s6 =	simm.s32 @!p1 $0x1082;
	[sflag:s4] =	ssyncset.s32 $0xFFFFF086  }
0x25: {  	[simem:s6], [sflag:s4] =	dma.local [hbm:s3], $0xF7A  }
0x26: {  	[smem:$0x3F9D] =	sst s1;
	(tag) =	ssettag s2;
	_ =	strace s9  }
0x27: {  	s1 =	sld [smem:$0x3FAD]  }
0x28: {  	s2 =	sld [smem:$0x3FAE]  }
0x29: {  	s4 =	sld [smem:$0x3FB0]  }
0x2a: {  	p0 =	seq.s32 s5, $0x0;
	s5 =	sld [smem:$0x3FB1]  }
0x2b: {  	s6 =	sld [smem:$0x3FB2]  }
0x2c: {  	s7 =	sld [smem:$0x3FB3]  }
0x2d: {  	s3 =	simm.s32 $0x108;
	s8 =	sld [smem:$0x3FB4]  }
0x2e: {  	s3 =	simm.s32 @!p0 $0x1082;
	s9 =	sld [smem:$0x3FB5]  }
0x2f: {  	lr =	sadd.s32 s0, s3;
	s0 =	sld [smem:$0x3FAC]  }
0x30: {  	s3 =	sld [smem:$0x3FAF]  }
0x31: {  	[smem:$0x3FB8] =	sst s10  }
0x32: {  	s10 =	sld [smem:$0x3FB6];
	_ =	sdelay $0x3  }
0x33: {  	p0 =	seq.s32 s10, $0x1;
	s10 =	sld [smem:$0x3FB8];
	_ =	sdelay $0x3  }
0x34: {  	[smem:$0x3FB8] =	sst s10  }
0x35: {  	s10 =	sld [smem:$0x3FB7];
	_ =	sdelay $0x3  }
0x36: {  	p1 =	seq.s32 s10, $0x1;
	s10 =	sld [smem:$0x3FB8];
	_ =	sdelay $0x3  }
0x37: {  	[smem:$0x3FB8] =	sst s10  }
0x38: {  	s10 =	sld [smem:$0x3FB9]  }
0x39: {  	_ = 	snop;
	(pc) =	sbr.ind lr, $3  }
0x3a: {  	_ = 	snop  }
0x3b: {  	_ = 	snop  }
0x3c: {  	p2 =	seq.s32 s10, $0x1;
	s10 =	sld [smem:$0x3FB8]  }
0x3d: {  	_ =	shalt  }
0x3e: {  	_ =	shalt  }
0x3f: {  	_ =	shalt  }
0x40: {  	_ =	shalt  }
0x41: {  	_ =	shalt  }
0x42: {  	_ =	shalt  }
0x43: {  	_ =	shalt  }
0x44: {  	_ =	shalt  }
0x45: {  	_ =	shalt  }
0x46: {  	_ =	shalt  }
0x47: {  	_ =	shalt  }
0x48: {  	_ =	shalt  }
0x49: {  	_ =	shalt  }
0x4a: {  	_ =	shalt  }
0x4b: {  	_ =	shalt  }
0x4c: {  	_ =	shalt  }
0x4d: {  	_ =	shalt  }
0x4e: {  	_ =	shalt  }
0x4f: {  	_ =	shalt  }
0x50: {  	_ =	shalt  }
0x51: {  	_ =	shalt  }
0x52: {  	_ =	shalt  }
0x53: {  	_ =	shalt  }
0x54: {  	_ =	shalt  }
0x55: {  	_ =	shalt  }
0x56: {  	_ =	shalt  }
0x57: {  	_ =	shalt  }
0x58: {  	_ =	shalt  }
0x59: {  	_ =	shalt  }
0x5a: {  	_ =	shalt  }
0x5b: {  	_ =	shalt  }
0x5c: {  	_ =	shalt  }
0x5d: {  	_ =	shalt  }
0x5e: {  	_ =	shalt  }
0x5f: {  	_ =	shalt  }
0x60: {  	_ =	shalt  }
0x61: {  	_ =	shalt  }
0x62: {  	_ =	shalt  }
0x63: {  	_ =	shalt  }
0x64: {  	_ =	shalt  }
0x65: {  	_ =	shalt  }
0x66: {  	_ =	shalt  }
0x67: {  	_ =	shalt  }
0x68: {  	_ =	shalt  }
0x69: {  	_ =	shalt  }
0x6a: {  	_ =	shalt  }
0x6b: {  	_ =	shalt  }
0x6c: {  	_ =	shalt  }
0x6d: {  	_ =	shalt  }
0x6e: {  	_ =	shalt  }
0x6f: {  	_ =	shalt  }
0x70: {  	_ =	shalt  }
0x71: {  	_ =	shalt  }
0x72: {  	_ =	shalt  }
0x73: {  	_ =	shalt  }
0x74: {  	_ =	shalt  }
0x75: {  	_ =	shalt  }
0x76: {  	_ =	shalt  }
0x77: {  	_ =	shalt  }
0x78: {  	_ =	shalt  }
0x79: {  	_ =	shalt  }
0x7a: {  	_ =	shalt  }
0x7b: {  	_ =	shalt  }
0x7c: {  	_ =	shalt  }
0x7d: {  	_ =	shalt  }
0x7e: {  	_ =	shalt  }
0x7f: {  	_ =	shalt  }
0x80: {  	_ =	shalt  }
0x81: {  	_ =	shalt  }
0x82: {  	_ =	shalt  }
0x83: {  	_ =	shalt  }
0x84: {  	_ =	shalt  }
0x85: {  	_ =	shalt  }
0x86: {  	_ =	shalt  }
0x87: {  	_ =	shalt  }
.Lfunc_end0:
.L_simem_size_0:
called_computation.1_lowered:
.L_overlay_start_0:
0x88: {  	s2 =	sld [smem:$0x3FD9]  }
0x89: {  	s3 =	sld [smem:$0x3FFE];
	_ =	sdelay $0x1  }
0x8a: {  	s1 =	srdreg.scid  }
0x8b: {  	s0 =	sand.u32 $0x1, s1  }
0x8c: {  	s17 =	sshll.u32 s0, $0xA;
	s2 =	sadd.s32 s3, s2  }
0x8d: {  	s2 =	sadd.s32 s2, s17  }
0x8e: {  	[smem:$0x3FC4] =	sst s2  }
0x8f: {  	_ = 	snop  }
0x90: {  	s2 =	sld [smem:$0x3FD0];
	(tm) =	ssettm $0x1  }
0x91: {  	s18 =	sld [smem:$0x3FFB];
	_ =	sdelay $0x3  }
0x92: {  	_ =	strace s18  }
0x93: {  	s3 =	sld [smem:$0x3FFC];
	_ =	sdelay $0x3  }
0x94: {  	_ =	strace s3  }
0x95: {  	s3 =	sld [smem:$0x3FFD];
	_ =	sdelay $0x3  }
0x96: {  	_ =	strace s3  }
0x97: {  	_ =	strace $0x8FFFFFFF  }
0x98: {  	s19 =	sld [smem:$0x3FDB];
	_ =	sdelay $0x1  }
0x99: {  	s4 =	simm.s32 $_scs_section_size  }
0x9a: {  	s5 =	simm.s32 $_size__tile_overlayer_lowered;
	s6 =	simm.s32 $_tile_overlayer_lowered  }
0x9b: {  	s22 =	simm.s32 $0x1BFF;
	s21 =	sshll.u32 s6, $0x1;
	s3 =	sadd.s32 s4, s19  }
0x9c: {  	s7 =	simm.s32 $0x0;
	s20 =	sshll.u32 s5, $0x1;
	s5 =	sadd.s32 s21, s3  }
0x9d: {  	[timem:s7], [sflag:s22] =	dma.local [hbm:s5], s20  }
0x9e: {  	_ =	swait.ge [sflag:s22], s20  }
0x9f: {  	s4 =	ssub.s32 $0x0, s20;
	[sflag:s22] =	ssyncset.done $0x0  }
0xa0: {  	[sflag:s22] =	ssyncadd.s32 s4;
	_ =	sdelay $0x1  }
0xa1: {  	s23 =	simm.s32 $0x1B8B  }
0xa2: {  	_ =	swait.ge [sflag:s23], $0x1  }
0xa3: {  	[sflag:s23] =	ssyncset.done $0x0  }
0xa4: {  	s25 =	simm.s32 $0x1B8E;
	s24 =	sld [smem:$0x3FFE];
	[sflag:s23] =	ssyncadd.s32 $0xFFFFFFFF  }
0xa5: {  	s26 =	simm.s32 $execute0_lowered;
	[smem:$0x3FD2] =	sst s25  }
0xa6: {  	s5 =	sshll.u32 s26, $0x1;
	_ =	strace $0x80000049;
	[dreg:$0x1] =	wrdreg $0xFFFFFFFF  }
0xa7: {  	s28 =	simm.s32 $_size_execute0_lowered;
	s3 =	sadd.s32 s3, s5;
	[dreg:$0x0] =	wrdreg $0x0  }
0xa8: {  	s5 =	sshll.u32 s28, $0x1;
	[dreg:$0x2] =	wrdreg s3  }
0xa9: {  	[dreg:$0x3] =	wrdreg s5  }
0xaa: {  	[dreg:$0x4] =	wrdreg $0xC0  }
0xab: {  	_ =	task [dreg:s7], $0x5FFFF  }
0xac: {  	[dreg:$0x1] =	wrdreg $0xFFFFFFFF  }
0xad: {  	[dreg:$0x0] =	wrdreg $0x60  }
0xae: {  	[dreg:$0x2] =	wrdreg s24  }
0xaf: {  	[dreg:$0x3] =	wrdreg s2  }
0xb0: {  	[dreg:$0x4] =	wrdreg $0xAA000  }
0xb1: {  	[dreg:$0x5] =	wrdreg $0x9  }
0xb2: {  	_ =	task.clear_ibuf [dreg:s7], $0x6FFFF;
	_ =	strace $0x90000049  }
0xb3: {  	s29 =	simm.s32 $0x9;
	_ =	strace $0x8000004B  }
0xb4: {  	_ =	swait.ge [sflag:s29], $0x1  }
0xb5: {  	[sflag:s29] =	ssyncadd.s32 $0xFFFFFFFF  }
0xb6: {  	_ =	strace $0x9000004B  }
0xb7: {  	_ =	sfence  }
0xb8: {  	s30 =	sld [smem:$0x0];
	_ =	sdelay $0x2  }
0xb9: {  	s31 =	sshll.u32 s1, $0xD;
	s1 =	sshrl.u32 s1, $0x2  }
0xba: {  	s3 =	sand.u32 $0x4000, s31;
	s1 =	sadd.s32 s1, s30  }
0xbb: {  	s0 =	sor.u32 s3, s0;
	s1 =	sshll.u32 s1, $0x11  }
0xbc: {  	s0 =	sor.u32 s1, s0  }
0xbd: {  	s0 =	sadd.s32 $0x8F2B, s0  }
0xbe: {  	[sflag:s0] =	ssyncadd.remote.s32 $0x1  }
0xbf: {  	_ =	sfence.sel $0xFFFF  }
0xc0: {  	[dreg:$0x0] =	wrdreg $0xFFFFFFFF;
	(pc) =	sbr.abs _section_cstart, $3  }
0xc1: {  	[dreg:$0x1] =	wrdreg $0xFFFFFFFF  }
0xc2: {  	_ =	task.clear_ibuf [dreg:s7], $0x2FFFF;
	_ =	strace $0x9FFFFFFF  }
0xc3: {  	(tm) =	ssettm $0x7FFFFFFF  }
tec
execute0_lowered:
.L_overlay_start_1:
0x0: {  	(tag) =	ssettag $0x1  }
0x1: {  	s0 =	rddreg [dreg:$0x0]  }
0x2: {  	s2 =	rddreg [dreg:$0x1]  }
0x3: {  	s3 =	rddreg [dreg:$0x2]  }
0x4: {  	s1 =	srdreg.scid;
	s11 =	stileid.u32;
	s4 =	simm.s32 $0x0  }
0x5: {  	s28 =	simm.s32 $0x80;
	s30 =	simm.s32 $0x100;
	s31 =	simm.s32 $0x6A00  }
0x6: {  	s29 =	simm.s32 $0x2;
	s1 =	sand.u32 $0x1, s1;
	s9 =	smul.u32 $0x50000, s11  }
0x7: {  	s5 =	sshll.u32 s11, $0x1;
	[smem:$0x7FF] =	sst s4;
	s14 =	smul.u32 $0x14000, s11  }
0x8: {  	s6 =	sor.u32 s1, s5;
	s8 =	ssub.s32 $0x2, s1;
	s1 =	smul.u32 $0x140000, s1  }
0x9: {  	_ =	strace $0x8000004A;
	s5 =	sadd.s32 $0xC800, s0;
	s7 =	smul.u32 $0x500, s6  }
0xa: {  	s10 =	sshrl.u32 s8, $0x1;
	s19 =	sshrl.u32 s9, $0x2;
	s16 =	sadd.s32 $0x4000, s14  }
0xb: {  	s20 =	sadd.s32 $0x8000, s14;
	s17 =	sadd.s32 $0xC000, s14;
	s15 =	ssub.s32 s8, s10  }
0xc: {  	s8 =	sadd.s32 s19, s3;
	s9 =	sadd.s32 s16, s3;
	s10 =	sadd.s32 s20, s3  }
0xd: {  	s19 =	sadd.s32 $0x10000, s14;
	s12 =	sadd.s32 s17, s3;
	s14 =	sadd.s32 s14, s1  }
0xe: {  	s16 =	sadd.s32 s1, s16;
	s25 =	sadd.s32 s1, s17;
	s7 =	sadd.s32 s7, s0  }
0xf: {  	s0 =	sadd.s32 $0x5C800, s0;
	s13 =	sadd.s32 s19, s3;
	s14 =	sshrl.u32 s14, $0x3  }
0x10: {  	s16 =	sshrl.u32 s16, $0x3;
	s26 =	sshrl.u32 s25, $0x3;
	s7 =	sadd.s32 $0x2800, s7  }
0x11: {  	s25 =	simm.s32 $0x2A00;
	s23 =	sadd.s32 s0, s14;
	[dreg:$0x4] =	wrdreg s7  }
0x12: {  	s24 =	sadd.s32 s0, s16;
	s14 =	simm.s32 $0x4;
	[dreg:$0x9] =	wrdreg s23  }
0x13: {  	s7 =	smul.u32 $0x5000, s6;
	[dreg:$0xa] =	wrdreg s24;
	s6 =	sadd.s32 s1, s20  }
0x14: {  	s1 =	sadd.s32 s1, s19;
	s24 =	simm.s32 $0x5;
	s6 =	sshrl.u32 s6, $0x3  }
0x15: {  	s23 =	simm.s32 $0x1;
	s21 =	sshrl.u32 s7, $0x3;
	s6 =	sadd.s32 s0, s6  }
0x16: {  	s1 =	sshrl.u32 s1, $0x3;
	s11 =	sadd.s32 s2, s21;
	[dreg:$0xb] =	wrdreg s6  }
0x17: {  	s6 =	sadd.s32 s0, s26;
	s0 =	sadd.s32 s0, s1;
	[dreg:$0x5] =	wrdreg s11  }
.Ltmp0:
0x18: {  	s26 =	simm.s32 $0x40;
	[dreg:$0xc] =	wrdreg s6;
	(pc) =	sbr.rel .LBB2_1-.Ltmp0, $4  }
0x19: {  	s1 =	simm.s32 $0x8A00;
	s18 =	sadd.s32 $0x10, s11;
	[dreg:$0xd] =	wrdreg s0  }
0x1a: {  	s22 =	sadd.s32 $0x20, s11;
	s11 =	sadd.s32 $0x30, s11;
	[dreg:$0x6] =	wrdreg s18  }
0x1b: {  	s0 =	simm.s32 $0x180;
	s6 =	simm.s32 $0x3;
	[dreg:$0x7] =	wrdreg s22  }
0x1c: {  	v0 =	vimm.f32 $0.0e+00;
	[dreg:$0x8] =	wrdreg s11;
	s22 =	smax.u32 s15, $0x1;
	s15 =	simm.s32 $0x0  }
.LBB2_6:
0x1d: {  	s11 =	stileid.u32  }
0x1e: {  	[bflag:$0x0] =	sbarrier.arrive $0xFFFF;
	s11 =	sshll.u32 s11, $0x6  }
0x1f: {  	s16 =	sshrl.u32 s8, $0x3;
	s17 =	rddreg [dreg:$0x9];
	s11 =	sor.u32 $0x1C05, s11  }
0x20: {  	[hbm:s17], [sflag:s11] =	dma.local [spmem:s16], $0x800  }
0x21: {  	_ =	swait.ge [sflag:s24], $0x800  }
0x22: {  	[sflag:s24] =	ssyncset.done $0x0  }
0x23: {  	s18 =	sshrl.u32 s9, $0x3;
	s19 =	rddreg [dreg:$0xa];
	[sflag:s24] =	ssyncadd.s32 $0xFFFFF800  }
0x24: {  	[hbm:s19], [sflag:s11] =	dma.local [spmem:s18], $0x800  }
0x25: {  	_ =	swait.ge [sflag:s24], $0x800  }
0x26: {  	[sflag:s24] =	ssyncset.done $0x0  }
0x27: {  	s20 =	sshrl.u32 s10, $0x3;
	s21 =	rddreg [dreg:$0xb];
	[sflag:s24] =	ssyncadd.s32 $0xFFFFF800  }
0x28: {  	[hbm:s21], [sflag:s11] =	dma.local [spmem:s20], $0x800  }
0x29: {  	_ =	swait.ge [sflag:s24], $0x800  }
0x2a: {  	[sflag:s24] =	ssyncset.done $0x0  }
0x2b: {  	s18 =	sshrl.u32 s12, $0x3;
	s19 =	rddreg [dreg:$0xc];
	[sflag:s24] =	ssyncadd.s32 $0xFFFFF800  }
0x2c: {  	[hbm:s19], [sflag:s11] =	dma.local [spmem:s18], $0x800  }
0x2d: {  	s15 =	sadd.s32 $0x1, s15;
	_ =	swait.ge [sflag:s24], $0x800  }
0x2e: {  	p0 =	sne.s32 s15, s22;
	s20 =	sshrl.u32 s13, $0x3;
	[sflag:s24] =	ssyncset.done $0x0  }
.Ltmp1:
0x2f: {  	s21 =	rddreg [dreg:$0xd];
	[sflag:s24] =	ssyncadd.s32 $0xFFFFF800;
	(pc) =	sbr.rel @!p0 .LBB2_7-.Ltmp1, $4  }
0x30: {  	[hbm:s21], [sflag:s11] =	dma.local [spmem:s20], $0x800  }
0x31: {  	_ =	swait.ge [sflag:s24], $0x800  }
0x32: {  	[sflag:s24] =	ssyncset.done $0x0  }
0x33: {  	[sflag:s24] =	ssyncadd.s32 $0xFFFFF800  }
.LBB2_1:
0x34: {  	s11 =	rddreg [dreg:$0x4];
	s16 =	simm.s32 $0x200  }
0x35: {  	[tilespmem:s16], [sflag:$0x5] =	stream.linear.gather [hbm4b:s11+s4], $0x2800, $0x38;
	[tilespmem:$0x1EA00] =	vst v63  }
0x36: {  	_ =	swait.ge [sflag:s24], $0x2800  }
0x37: {  	[sflag:s24] =	ssyncset.done $0x0  }
0x38: {  	s17 =	simm.s32 $0x200;
	s16 =	simm.s32 $0x0;
	[sflag:s24] =	ssyncadd.s32 $0xFFFFD800  }
.LBB2_2:
0x39: {  	p0 =	sne.s32 s17, $0xFE00;
	[tilespmem:s16+$0x2A70] =	vst v0  }
0x3a: {  	[tilespmem:s16+$0x2A00] =	vst v0  }
0x3b: {  	[tilespmem:s16+$0x2A10] =	vst v0  }
.Ltmp2:
0x3c: {  	[tilespmem:s16+$0x2A20] =	vst v0;
	(pc) =	sbr.rel @p0 .LBB2_2-.Ltmp2, $4  }
0x3d: {  	[tilespmem:s16+$0x2A30] =	vst v0  }
0x3e: {  	[tilespmem:s16+$0x2A40] =	vst v0  }
0x3f: {  	[tilespmem:s16+$0x2A50] =	vst v0  }
0x40: {  	[tilespmem:s16+$0x2A60] =	vst v0;
	s16 =	sshra.s32 s17, $0x2;
	s17 =	sadd.s32 $0x200, s17  }
0x41: {  	[tilespmem:s16+$0x2A70] =	vst v0  }
0x42: {  	[tilespmem:s16+$0x2A00] =	vst v0  }
0x43: {  	[tilespmem:s16+$0x2A10] =	vst v0  }
0x44: {  	[tilespmem:s16+$0x2A20] =	vst v0  }
0x45: {  	[tilespmem:s16+$0x2A30] =	vst v0  }
0x46: {  	[tilespmem:s16+$0x2A40] =	vst v0  }
0x47: {  	[tilespmem:s16+$0x2A50] =	vst v0  }
0x48: {  	[tilespmem:s16+$0x2A60] =	vst v0  }
0x49: {  	[spmem:s8] =	stream.linear.scatter [tilespmem:s25], [sflag:$0x5], $0x4000, $0x38;
	[tilespmem:$0x1EA00] =	vst v63  }
0x4a: {  	_ =	swait.ge [sflag:s24], $0x4000  }
0x4b: {  	[sflag:s24] =	ssyncset.done $0x0  }
0x4c: {  	[sflag:s24] =	ssyncadd.s32 $0xFFFFC000  }
0x4d: {  	[spmem:s9] =	stream.linear.scatter [tilespmem:s25], [sflag:$0x5], $0x4000, $0x38;
	[tilespmem:$0x1EA00] =	vst v63  }
0x4e: {  	_ =	swait.ge [sflag:s24], $0x4000  }
0x4f: {  	[sflag:s24] =	ssyncset.done $0x0  }
0x50: {  	[sflag:s24] =	ssyncadd.s32 $0xFFFFC000  }
0x51: {  	[spmem:s10] =	stream.linear.scatter [tilespmem:s25], [sflag:$0x5], $0x4000, $0x38;
	[tilespmem:$0x1EA00] =	vst v63  }
0x52: {  	_ =	swait.ge [sflag:s24], $0x4000  }
0x53: {  	[sflag:s24] =	ssyncset.done $0x0  }
0x54: {  	[sflag:s24] =	ssyncadd.s32 $0xFFFFC000  }
0x55: {  	[spmem:s12] =	stream.linear.scatter [tilespmem:s25], [sflag:$0x5], $0x4000, $0x38;
	[tilespmem:$0x1EA00] =	vst v63  }
0x56: {  	_ =	swait.ge [sflag:s24], $0x4000  }
0x57: {  	[sflag:s24] =	ssyncset.done $0x0  }
0x58: {  	[sflag:s24] =	ssyncadd.s32 $0xFFFFC000  }
0x59: {  	[spmem:s13] =	stream.linear.scatter [tilespmem:s25], [sflag:$0x5], $0x4000, $0x38;
	[tilespmem:$0x1EA00] =	vst v63  }
0x5a: {  	_ =	swait.ge [sflag:s24], $0x4000  }
0x5b: {  	[sflag:s24] =	ssyncset.done $0x0  }
0x5c: {  	[sflag:s24] =	ssyncadd.s32 $0xFFFFC000  }
0x5d: {  	[bflag:$0x0] =	sbarrier.arrive $0xFFFF  }
0x5e: {  	s11 =	rddreg [dreg:$0x5]  }
0x5f: {  	[tilespmem:s4], [sflag:$0x5] =	stream.linear.gather [hbm4b:s11+s4], $0x80, $0x38;
	[tilespmem:$0x1EA00] =	vst v63  }
0x60: {  	_ =	swait.ge [sflag:s24], $0x80  }
0x61: {  	[sflag:s24] =	ssyncset.done $0x0  }
0x62: {  	[sflag:s24] =	ssyncadd.s32 $0xFFFFFF80  }
0x63: {  	[tilespmem:s25], [sflag:$0x1] =	stream.indirect.gather [hbm4b:s5+s26], $0x80, s4, s26, $0xb8;
	[tilespmem:$0x1EA00] =	vst v63  }
0x64: {  	s18 =	rddreg [dreg:$0x6]  }
0x65: {  	[tilespmem:s28], [sflag:$0x5] =	stream.linear.gather [hbm4b:s18+s4], $0x80, $0x38;
	[tilespmem:$0x1EA00] =	vst v63  }
0x66: {  	_ =	swait.ge [sflag:s24], $0x80  }
0x67: {  	[sflag:s24] =	ssyncset.done $0x0  }
0x68: {  	s19 =	simm.s32 $0x4A00;
	[sflag:s24] =	ssyncadd.s32 $0xFFFFFF80  }
0x69: {  	[tilespmem:s19], [sflag:$0x2] =	stream.indirect.gather [hbm4b:s5+s26], $0x80, s28, s26, $0xb8;
	[tilespmem:$0x1EA00] =	vst v63  }
0x6a: {  	s20 =	rddreg [dreg:$0x7]  }
0x6b: {  	[tilespmem:s30], [sflag:$0x5] =	stream.linear.gather [hbm4b:s20+s4], $0x80, $0x38;
	[tilespmem:$0x1EA00] =	vst v63  }
0x6c: {  	_ =	swait.ge [sflag:s24], $0x80  }
0x6d: {  	[sflag:s24] =	ssyncset.done $0x0  }
0x6e: {  	[sflag:s24] =	ssyncadd.s32 $0xFFFFFF80  }
0x6f: {  	[tilespmem:s31], [sflag:$0x3] =	stream.indirect.gather [hbm4b:s5+s26], $0x80, s30, s26, $0xb8;
	[tilespmem:$0x1EA00] =	vst v63  }
0x70: {  	s21 =	rddreg [dreg:$0x8]  }
0x71: {  	[tilespmem:s0], [sflag:$0x5] =	stream.linear.gather [hbm4b:s21+s4], $0x80, $0x38;
	[tilespmem:$0x1EA00] =	vst v63  }
0x72: {  	_ =	swait.ge [sflag:s24], $0x80  }
0x73: {  	[sflag:s24] =	ssyncset.done $0x0  }
0x74: {  	s16 =	simm.s32 $0x380;
	s17 =	simm.s32 $0x200;
	[sflag:s24] =	ssyncadd.s32 $0xFFFFFF80  }
0x75: {  	[tilespmem:s1], [sflag:$0x4] =	stream.indirect.gather [hbm4b:s5+s26], $0x80, s0, s26, $0xb8;
	[tilespmem:$0x1EA00] =	vst v63  }
.LBB2_4:
0x76: {  	_ =	swait.ge [sflag:s23], $0x2000  }
0x77: {  	[sflag:s23] =	ssyncset.done $0x0  }
0x78: {  	p0 =	seq.s32 s16, $0x5180;
	[sflag:s23] =	ssyncadd.s32 $0xFFFFE000  }
0x79: {  	s18 =	sadd.s32 @!p0 $0xFFFFFE80, s16;
	_ =	swait.ge [sflag:s29], $0x2000  }
0x7a: {  	s19 =	sand.u32 @!p0 $0xFC00, s18;
	[sflag:s29] =	ssyncset.done $0x0  }
0x7b: {  	s18 =	sand.u32 @!p0 $0x200, s18;
	s19 =	sadd.s32 @!p0 s7, s19;
	[sflag:s29] =	ssyncadd.s32 $0xFFFFE000  }
0x7c: {  	[spmem:s3] =	stream.indirect.scatter.add.f32 [tilespmem:s25], [sflag:$0x5], $0x80, s17, s28, $0xb8;
	[tilespmem:$0x1EA00] =	vst v63  }
0x7d: {  	s18 =	sor.u32 @!p0 s18, s19;
	_ =	swait.ge [sflag:s24], $0x4000  }
0x7e: {  	s18 =	sshrl.u32 @!p0 s18, $0x3;
	[sflag:s24] =	ssyncset.done $0x0  }
0x7f: {  	s19 =	simm.s32 @!p0 $0x0;
	s18 =	sadd.s32 @!p0 s2, s18;
	[sflag:s24] =	ssyncadd.s32 $0xFFFFC000  }
0x80: {  	[tilespmem:s19], [sflag:$0x5] =	stream.linear.gather @!p0 [hbm4b:s18+s19], $0x80, $0x38;
	[tilespmem:$0x1EA00] =	vst v63  }
0x81: {  	s18 =	simm.s32 @!p0 $0x5  }
0x82: {  	_ =	swait.ge @!p0 [sflag:s18], $0x80  }
0x83: {  	s20 =	sadd.s32 @!p0 $0xFFFFFF00, s16;
	[sflag:s18] =	ssyncset.done @!p0 $0x0  }
0x84: {  	s21 =	simm.s32 @!p0 $0x40;
	s11 =	simm.s32 @!p0 $0x2A00;
	[sflag:s18] =	ssyncadd.s32 @!p0 $0xFFFFFF80  }
0x85: {  	[tilespmem:s11], [sflag:$0x1] =	stream.indirect.gather @!p0 [hbm4b:s5+s21], $0x80, s19, s21, $0xb8;
	[tilespmem:$0x1EA00] =	vst v63  }
0x86: {  	s11 =	sand.u32 @!p0 $0xFC00, s20  }
0x87: {  	s20 =	sand.u32 @!p0 $0x280, s20;
	s11 =	sadd.s32 @!p0 s7, s11  }
0x88: {  	s11 =	sor.u32 @!p0 s20, s11  }
0x89: {  	s11 =	sshrl.u32 @!p0 s11, $0x3  }
0x8a: {  	s20 =	simm.s32 @!p0 $0x80;
	s11 =	sadd.s32 @!p0 s2, s11  }
0x8b: {  	[tilespmem:s20], [sflag:$0x5] =	stream.linear.gather @!p0 [hbm4b:s11+s19], $0x80, $0x38;
	[tilespmem:$0x1EA00] =	vst v63  }
0x8c: {  	_ =	swait.ge @!p0 [sflag:s18], $0x80  }
0x8d: {  	[sflag:s18] =	ssyncset.done @!p0 $0x0  }
0x8e: {  	s11 =	simm.s32 @!p0 $0x4A00;
	[sflag:s18] =	ssyncadd.s32 @!p0 $0xFFFFFF80  }
0x8f: {  	[tilespmem:s11], [sflag:$0x2] =	stream.indirect.gather @!p0 [hbm4b:s5+s21], $0x80, s20, s21, $0xb8;
	[tilespmem:$0x1EA00] =	vst v63  }
0x90: {  	_ =	swait.ge [sflag:s6], $0x2000  }
0x91: {  	[sflag:s6] =	ssyncset.done $0x0  }
0x92: {  	[sflag:s6] =	ssyncadd.s32 $0xFFFFE000  }
0x93: {  	_ =	swait.ge [sflag:s14], $0x2000  }
0x94: {  	[sflag:s14] =	ssyncset.done $0x0  }
.Ltmp3:
0x95: {  	s21 =	sadd.s32 $0x80, s17;
	[sflag:s14] =	ssyncadd.s32 $0xFFFFE000;
	(pc) =	sbr.rel @p0 .LBB2_6-.Ltmp3, $4  }
0x96: {  	[spmem:s3] =	stream.indirect.scatter.add.f32 [tilespmem:s31], [sflag:$0x5], $0x80, s21, s28, $0xb8;
	[tilespmem:$0x1EA00] =	vst v63  }
0x97: {  	_ =	swait.ge [sflag:s24], $0x4000  }
0x98: {  	[sflag:s24] =	ssyncset.done $0x0  }
0x99: {  	[sflag:s24] =	ssyncadd.s32 $0xFFFFC000  }
0x9a: {  	s11 =	sadd.s32 $0xFFFFFF80, s16  }
0x9b: {  	s18 =	sand.u32 $0xFC00, s11  }
0x9c: {  	s11 =	sand.u32 $0x300, s11;
	s18 =	sadd.s32 s7, s18  }
0x9d: {  	s11 =	sor.u32 s11, s18  }
0x9e: {  	s11 =	sshrl.u32 s11, $0x3  }
0x9f: {  	s20 =	sand.u32 $0xFC00, s16;
	s11 =	sadd.s32 s2, s11  }
0xa0: {  	[tilespmem:s30], [sflag:$0x5] =	stream.linear.gather [hbm4b:s11+s4], $0x80, $0x38;
	[tilespmem:$0x1EA00] =	vst v63  }
0xa1: {  	s21 =	sand.u32 $0x380, s16;
	s11 =	sadd.s32 s7, s20;
	_ =	swait.ge [sflag:s24], $0x80  }
0xa2: {  	s11 =	sor.u32 s21, s11;
	[sflag:s24] =	ssyncset.done $0x0  }
0xa3: {  	s11 =	sshrl.u32 s11, $0x3;
	[sflag:s24] =	ssyncadd.s32 $0xFFFFFF80  }
0xa4: {  	[tilespmem:s31], [sflag:$0x3] =	stream.indirect.gather [hbm4b:s5+s26], $0x80, s30, s26, $0xb8;
	[tilespmem:$0x1EA00] =	vst v63  }
0xa5: {  	s11 =	sadd.s32 s2, s11  }
0xa6: {  	[tilespmem:s0], [sflag:$0x5] =	stream.linear.gather [hbm4b:s11+s4], $0x80, $0x38;
	[tilespmem:$0x1EA00] =	vst v63  }
.Ltmp4:
0xa7: {  	_ = 	snop;
	(pc) =	sbr.rel .LBB2_4-.Ltmp4, $4  }
0xa8: {  	_ =	swait.ge [sflag:s24], $0x80  }
0xa9: {  	[sflag:s24] =	ssyncset.done $0x0  }
0xaa: {  	s16 =	sadd.s32 $0x200, s16;
	s17 =	sadd.s32 $0x100, s17;
	[sflag:s24] =	ssyncadd.s32 $0xFFFFFF80  }
0xab: {  	[tilespmem:s1], [sflag:$0x4] =	stream.indirect.gather [hbm4b:s5+s26], $0x80, s0, s26, $0xb8;
	[tilespmem:$0x1EA00] =	vst v63  }
.LBB2_7:
0xac: {  	_ =	sfence.sel $0x180000  }
0xad: {  	[bflag:$0x0] =	sbarrier.arrive $0xFFFF  }
0xae: {  	_ =	strace $0x9000004A  }
0xaf: {  	s0 =	stileid.u32;
	[bflag:$0x2] =	sbarrier.arrive $0xFFFF  }
0xb0: {  	p0 =	sne.s32 s0, $0x0;
	s0 =	rddreg [dreg:$0x3]  }
0xb1: {  	s0 =	sadd.s32 @!p0 $0x100000, s0  }
0xb2: {  	[sflag:s0] =	ssyncadd.tile.s32 @!p0 $0x1;
	_ =	shalt  }
.Lfunc_end2:
_tile_overlayer_lowered:
.L_overlay_start_2:
0xb3: {  	(tag) =	ssettag $0x2  }
0xb4: {  	s0 =	rddreg [dreg:$0x0];
	s2 =	stileid.u32  }
0xb5: {  	s1 =	rddreg [dreg:$0x1];
	p0 =	sne.s32 s2, $0x0  }
0xb6: {  	s3 =	rddreg [dreg:$0x2];
	[bflag:$0x3] =	sbarrier.arrive $0xFFFF;
	s2 =	simm.s32 @!p0 $0x1C05  }
0xb7: {  	[timem:s3], [sflag:s2] =	dma.local @!p0 [hbm:s0], s1  }
0xb8: {  	s0 =	simm.s32 @!p0 $0x5  }
0xb9: {  	_ =	swait.ge @!p0 [sflag:s0], s1  }
0xba: {  	s1 =	ssub.s32 @!p0 $0x0, s1;
	[sflag:s0] =	ssyncset.done @!p0 $0x0  }
0xbb: {  	[sflag:s0] =	ssyncadd.s32 @!p0 s1  }
0xbc: {  	[bflag:$0x3] =	sbarrier.arrive $0xFFFF  }
0xbd: {  	_ =	shalt  }

// kernel: kernel.14.cloned.1.call-start
scs
__scs_entry_jumppad:
0x0: {  	(pc) =	sbr.rel $0x88, $3  }
0x1: {  	(tag) =	ssettag $0x0;
	lr =	simm.s32 $0x1  }
0x2: {  	[smem:$0x3F9D] =	sst lr;
	_ =	strace $0xD0000000  }
0x3: {  	_ = 	snop  }
0x4: {  	_ = 	snop  }
0x5: {  	_ = 	snop  }
0x6: {  	_ = 	snop  }
0x7: {  	_ = 	snop  }
__scs_overlays_trampoline_lowered:
0x8: {  	[smem:$0x3FAC] =	sst s0  }
0x9: {  	[smem:$0x3FAD] =	sst s1  }
0xa: {  	[smem:$0x3FAE] =	sst s2  }
0xb: {  	[smem:$0x3FAF] =	sst s3  }
0xc: {  	[smem:$0x3FB0] =	sst s4  }
0xd: {  	[smem:$0x3FB1] =	sst s5  }
0xe: {  	[smem:$0x3FB2] =	sst s6  }
0xf: {  	[smem:$0x3FB3] =	sst s7  }
0x10: {  	[smem:$0x3FB4] =	sst s8  }
0x11: {  	[smem:$0x3FB5] =	sst s9;
	s0 =	simm.s32 @!p0 $0x0  }
0x12: {  	s1 =	sld [smem:$0x3F9B];
	s0 =	simm.s32 @p0 $0x1  }
0x13: {  	[smem:$0x3FB6] =	sst s0;
	s0 =	simm.s32 @!p1 $0x0  }
0x14: {  	s2 =	sld [smem:$0x3F9A];
	s0 =	simm.s32 @p1 $0x1  }
0x15: {  	[smem:$0x3FB7] =	sst s0;
	s0 =	simm.s32 @!p2 $0x0  }
0x16: {  	s3 =	sld [smem:$0x3FDB];
	s0 =	simm.s32 @p2 $0x1  }
0x17: {  	s4 =	simm.s32 $0x1BF5;
	[smem:$0x3FB9] =	sst s0  }
0x18: {  	s0 =	sld [smem:$0x3F9C];
	_ =	swait.ge [sflag:s4], $0x0  }
0x19: {  	s7 =	sld [smem:$0x3F9D]  }
0x1a: {  	s8 =	sadd.s32 $0xFFFFE003, lr  }
0x1b: {  	s9 =	sadd.s32 $0xFFFFFEF7, lr;
	s5 =	simm.s32 $0xFFFFFFFF;
	p2 =	slt.u32 s8, $0xFFFFF086  }
0x1c: {  	p1 =	slt.u32 s9, $0xF7A;
	s5 =	simm.s32 @!p2 $0x0  }
0x1d: {  	s5 =	simm.s32 @p1 $0x1;
	p0 =	seq.s32 s7, s2  }
0x1e: {  	s7 =	smul.u32 @!p0 $0xF7A, s2;
	p2 =	seq.s32 @!p0 s5, $0x0  }
0x1f: {  	s9 =	smul.u32 $0xF7A, s1;
	s8 =	simm.s32 @!p0 $0x1BF5;
	p2 =	por !p2, p0  }
0x20: {  	[sflag:s8] =	ssyncset.s32 @!p0 $0xFFFFF086;
	s6 =	sadd.s32 @!p0 s3, s7;
	s7 =	simm.s32 @!p0 $0x108  }
0x21: {  	s3 =	sadd.s32 s3, s9;
	s6 =	sadd.s32 @!p0 $0x88, s6;
	s7 =	simm.s32 @p2 $0x1082  }
0x22: {  	[simem:s7], [sflag:s8] =	dma.local @!p0 [hbm:s6], $0xF7A  }
0x23: {  	s9 =	sor.u32 $0xD0000000, s2;
	s6 =	simm.s32 $0x108;
	_ =	swait.ge @!p0 [sflag:s8], $0x0  }
0x24: {  	s3 =	sadd.s32 $0x88, s3;
	s6 =	simm.s32 @!p1 $0x1082;
	[sflag:s4] =	ssyncset.s32 $0xFFFFF086  }
0x25: {  	[simem:s6], [sflag:s4] =	dma.local [hbm:s3], $0xF7A  }
0x26: {  	[smem:$0x3F9D] =	sst s1;
	(tag) =	ssettag s2;
	_ =	strace s9  }
0x27: {  	s1 =	sld [smem:$0x3FAD]  }
0x28: {  	s2 =	sld [smem:$0x3FAE]  }
0x29: {  	s4 =	sld [smem:$0x3FB0]  }
0x2a: {  	p0 =	seq.s32 s5, $0x0;
	s5 =	sld [smem:$0x3FB1]  }
0x2b: {  	s6 =	sld [smem:$0x3FB2]  }
0x2c: {  	s7 =	sld [smem:$0x3FB3]  }
0x2d: {  	s3 =	simm.s32 $0x108;
	s8 =	sld [smem:$0x3FB4]  }
0x2e: {  	s3 =	simm.s32 @!p0 $0x1082;
	s9 =	sld [smem:$0x3FB5]  }
0x2f: {  	lr =	sadd.s32 s0, s3;
	s0 =	sld [smem:$0x3FAC]  }
0x30: {  	s3 =	sld [smem:$0x3FAF]  }
0x31: {  	[smem:$0x3FB8] =	sst s10  }
0x32: {  	s10 =	sld [smem:$0x3FB6];
	_ =	sdelay $0x3  }
0x33: {  	p0 =	seq.s32 s10, $0x1;
	s10 =	sld [smem:$0x3FB8];
	_ =	sdelay $0x3  }
0x34: {  	[smem:$0x3FB8] =	sst s10  }
0x35: {  	s10 =	sld [smem:$0x3FB7];
	_ =	sdelay $0x3  }
0x36: {  	p1 =	seq.s32 s10, $0x1;
	s10 =	sld [smem:$0x3FB8];
	_ =	sdelay $0x3  }
0x37: {  	[smem:$0x3FB8] =	sst s10  }
0x38: {  	s10 =	sld [smem:$0x3FB9]  }
0x39: {  	_ = 	snop;
	(pc) =	sbr.ind lr, $3  }
0x3a: {  	_ = 	snop  }
0x3b: {  	_ = 	snop  }
0x3c: {  	p2 =	seq.s32 s10, $0x1;
	s10 =	sld [smem:$0x3FB8]  }
0x3d: {  	_ =	shalt  }
0x3e: {  	_ =	shalt  }
0x3f: {  	_ =	shalt  }
0x40: {  	_ =	shalt  }
0x41: {  	_ =	shalt  }
0x42: {  	_ =	shalt  }
0x43: {  	_ =	shalt  }
0x44: {  	_ =	shalt  }
0x45: {  	_ =	shalt  }
0x46: {  	_ =	shalt  }
0x47: {  	_ =	shalt  }
0x48: {  	_ =	shalt  }
0x49: {  	_ =	shalt  }
0x4a: {  	_ =	shalt  }
0x4b: {  	_ =	shalt  }
0x4c: {  	_ =	shalt  }
0x4d: {  	_ =	shalt  }
0x4e: {  	_ =	shalt  }
0x4f: {  	_ =	shalt  }
0x50: {  	_ =	shalt  }
0x51: {  	_ =	shalt  }
0x52: {  	_ =	shalt  }
0x53: {  	_ =	shalt  }
0x54: {  	_ =	shalt  }
0x55: {  	_ =	shalt  }
0x56: {  	_ =	shalt  }
0x57: {  	_ =	shalt  }
0x58: {  	_ =	shalt  }
0x59: {  	_ =	shalt  }
0x5a: {  	_ =	shalt  }
0x5b: {  	_ =	shalt  }
0x5c: {  	_ =	shalt  }
0x5d: {  	_ =	shalt  }
0x5e: {  	_ =	shalt  }
0x5f: {  	_ =	shalt  }
0x60: {  	_ =	shalt  }
0x61: {  	_ =	shalt  }
0x62: {  	_ =	shalt  }
0x63: {  	_ =	shalt  }
0x64: {  	_ =	shalt  }
0x65: {  	_ =	shalt  }
0x66: {  	_ =	shalt  }
0x67: {  	_ =	shalt  }
0x68: {  	_ =	shalt  }
0x69: {  	_ =	shalt  }
0x6a: {  	_ =	shalt  }
0x6b: {  	_ =	shalt  }
0x6c: {  	_ =	shalt  }
0x6d: {  	_ =	shalt  }
0x6e: {  	_ =	shalt  }
0x6f: {  	_ =	shalt  }
0x70: {  	_ =	shalt  }
0x71: {  	_ =	shalt  }
0x72: {  	_ =	shalt  }
0x73: {  	_ =	shalt  }
0x74: {  	_ =	shalt  }
0x75: {  	_ =	shalt  }
0x76: {  	_ =	shalt  }
0x77: {  	_ =	shalt  }
0x78: {  	_ =	shalt  }
0x79: {  	_ =	shalt  }
0x7a: {  	_ =	shalt  }
0x7b: {  	_ =	shalt  }
0x7c: {  	_ =	shalt  }
0x7d: {  	_ =	shalt  }
0x7e: {  	_ =	shalt  }
0x7f: {  	_ =	shalt  }
0x80: {  	_ =	shalt  }
0x81: {  	_ =	shalt  }
0x82: {  	_ =	shalt  }
0x83: {  	_ =	shalt  }
0x84: {  	_ =	shalt  }
0x85: {  	_ =	shalt  }
0x86: {  	_ =	shalt  }
0x87: {  	_ =	shalt  }
.Lfunc_end0:
.L_simem_size_0:
called_computation.2_lowered:
.L_overlay_start_0:
0x88: {  	s2 =	sld [smem:$0x3FD9]  }
0x89: {  	s3 =	sld [smem:$0x3FFE];
	_ =	sdelay $0x1  }
0x8a: {  	s1 =	srdreg.scid  }
0x8b: {  	s0 =	sand.u32 $0x1, s1  }
0x8c: {  	s17 =	sshll.u32 s0, $0xA;
	s2 =	sadd.s32 s3, s2  }
0x8d: {  	s2 =	sadd.s32 s2, s17  }
0x8e: {  	[smem:$0x3FC4] =	sst s2  }
0x8f: {  	_ = 	snop  }
0x90: {  	s2 =	sld [smem:$0x3FD0];
	(tm) =	ssettm $0x1  }
0x91: {  	s18 =	sld [smem:$0x3FFB];
	_ =	sdelay $0x3  }
0x92: {  	_ =	strace s18  }
0x93: {  	s3 =	sld [smem:$0x3FFC];
	_ =	sdelay $0x3  }
0x94: {  	_ =	strace s3  }
0x95: {  	s3 =	sld [smem:$0x3FFD];
	_ =	sdelay $0x3  }
0x96: {  	_ =	strace s3  }
0x97: {  	_ =	strace $0x8FFFFFFF  }
0x98: {  	s19 =	sld [smem:$0x3FDB];
	_ =	sdelay $0x1  }
0x99: {  	s4 =	simm.s32 $_scs_section_size  }
0x9a: {  	s5 =	simm.s32 $_size__tile_overlayer_lowered;
	s6 =	simm.s32 $_tile_overlayer_lowered  }
0x9b: {  	s22 =	simm.s32 $0x1BFF;
	s21 =	sshll.u32 s6, $0x1;
	s3 =	sadd.s32 s4, s19  }
0x9c: {  	s7 =	simm.s32 $0x0;
	s20 =	sshll.u32 s5, $0x1;
	s5 =	sadd.s32 s21, s3  }
0x9d: {  	[timem:s7], [sflag:s22] =	dma.local [hbm:s5], s20  }
0x9e: {  	_ =	swait.ge [sflag:s22], s20  }
0x9f: {  	s4 =	ssub.s32 $0x0, s20;
	[sflag:s22] =	ssyncset.done $0x0  }
0xa0: {  	[sflag:s22] =	ssyncadd.s32 s4;
	_ =	sdelay $0x1  }
0xa1: {  	s23 =	simm.s32 $0x1B8B  }
0xa2: {  	_ =	swait.ge [sflag:s23], $0x1  }
0xa3: {  	[sflag:s23] =	ssyncset.done $0x0  }
0xa4: {  	s25 =	simm.s32 $0x1B8E;
	s24 =	sld [smem:$0x3FFE];
	[sflag:s23] =	ssyncadd.s32 $0xFFFFFFFF  }
0xa5: {  	s26 =	simm.s32 $execute0_lowered;
	[smem:$0x3FD2] =	sst s25  }
0xa6: {  	s5 =	sshll.u32 s26, $0x1;
	_ =	strace $0x8000004C;
	[dreg:$0x1] =	wrdreg $0xFFFFFFFF  }
0xa7: {  	s28 =	simm.s32 $_size_execute0_lowered;
	s3 =	sadd.s32 s3, s5;
	[dreg:$0x0] =	wrdreg $0x0  }
0xa8: {  	s5 =	sshll.u32 s28, $0x1;
	[dreg:$0x2] =	wrdreg s3  }
0xa9: {  	[dreg:$0x3] =	wrdreg s5  }
0xaa: {  	[dreg:$0x4] =	wrdreg $0xC0  }
0xab: {  	_ =	task [dreg:s7], $0x5FFFF  }
0xac: {  	[dreg:$0x1] =	wrdreg $0xFFFFFFFF  }
0xad: {  	[dreg:$0x0] =	wrdreg $0x60  }
0xae: {  	[dreg:$0x2] =	wrdreg s24  }
0xaf: {  	[dreg:$0x3] =	wrdreg s2  }
0xb0: {  	[dreg:$0x4] =	wrdreg $0xAA000  }
0xb1: {  	[dreg:$0x5] =	wrdreg $0x9  }
0xb2: {  	_ =	task.clear_ibuf [dreg:s7], $0x6FFFF;
	_ =	strace $0x9000004C  }
0xb3: {  	s29 =	simm.s32 $0x9;
	_ =	strace $0x8000004E  }
0xb4: {  	_ =	swait.ge [sflag:s29], $0x1  }
0xb5: {  	[sflag:s29] =	ssyncadd.s32 $0xFFFFFFFF  }
0xb6: {  	_ =	strace $0x9000004E  }
0xb7: {  	_ =	sfence  }
0xb8: {  	s30 =	sld [smem:$0x0];
	_ =	sdelay $0x2  }
0xb9: {  	s31 =	sshll.u32 s1, $0xD;
	s1 =	sshrl.u32 s1, $0x2  }
0xba: {  	s3 =	sand.u32 $0x4000, s31;
	s1 =	sadd.s32 s1, s30  }
0xbb: {  	s0 =	sor.u32 s3, s0;
	s1 =	sshll.u32 s1, $0x11  }
0xbc: {  	s0 =	sor.u32 s1, s0  }
0xbd: {  	s0 =	sadd.s32 $0x8F2B, s0  }
0xbe: {  	[sflag:s0] =	ssyncadd.remote.s32 $0x1  }
0xbf: {  	_ =	sfence.sel $0xFFFF  }
0xc0: {  	[dreg:$0x0] =	wrdreg $0xFFFFFFFF;
	(pc) =	sbr.abs _section_cstart, $3  }
0xc1: {  	[dreg:$0x1] =	wrdreg $0xFFFFFFFF  }
0xc2: {  	_ =	task.clear_ibuf [dreg:s7], $0x2FFFF;
	_ =	strace $0x9FFFFFFF  }
0xc3: {  	(tm) =	ssettm $0x7FFFFFFF  }
tec
execute0_lowered:
.L_overlay_start_1:
0x0: {  	(tag) =	ssettag $0x1  }
0x1: {  	s0 =	rddreg [dreg:$0x0]  }
0x2: {  	s2 =	rddreg [dreg:$0x1]  }
0x3: {  	s3 =	rddreg [dreg:$0x2]  }
0x4: {  	s1 =	srdreg.scid;
	s11 =	stileid.u32;
	s4 =	simm.s32 $0x0  }
0x5: {  	s28 =	simm.s32 $0x80;
	s30 =	simm.s32 $0x100;
	s31 =	simm.s32 $0x6A00  }
0x6: {  	s29 =	simm.s32 $0x2;
	s1 =	sand.u32 $0x1, s1;
	s9 =	smul.u32 $0x50000, s11  }
0x7: {  	s5 =	sshll.u32 s11, $0x1;
	[smem:$0x7FF] =	sst s4;
	s14 =	smul.u32 $0x14000, s11  }
0x8: {  	s6 =	sor.u32 s1, s5;
	s8 =	ssub.s32 $0x2, s1;
	s1 =	smul.u32 $0x140000, s1  }
0x9: {  	_ =	strace $0x8000004D;
	s5 =	sadd.s32 $0xC800, s0;
	s7 =	smul.u32 $0x500, s6  }
0xa: {  	s10 =	sshrl.u32 s8, $0x1;
	s19 =	sshrl.u32 s9, $0x2;
	s16 =	sadd.s32 $0x4000, s14  }
0xb: {  	s20 =	sadd.s32 $0x8000, s14;
	s17 =	sadd.s32 $0xC000, s14;
	s15 =	ssub.s32 s8, s10  }
0xc: {  	s8 =	sadd.s32 s19, s3;
	s9 =	sadd.s32 s16, s3;
	s10 =	sadd.s32 s20, s3  }
0xd: {  	s19 =	sadd.s32 $0x10000, s14;
	s12 =	sadd.s32 s17, s3;
	s14 =	sadd.s32 s14, s1  }
0xe: {  	s16 =	sadd.s32 s1, s16;
	s25 =	sadd.s32 s1, s17;
	s7 =	sadd.s32 s7, s0  }
0xf: {  	s0 =	sadd.s32 $0x5C800, s0;
	s13 =	sadd.s32 s19, s3;
	s14 =	sshrl.u32 s14, $0x3  }
0x10: {  	s16 =	sshrl.u32 s16, $0x3;
	s26 =	sshrl.u32 s25, $0x3;
	s7 =	sadd.s32 $0x2800, s7  }
0x11: {  	s25 =	simm.s32 $0x2A00;
	s23 =	sadd.s32 s0, s14;
	[dreg:$0x4] =	wrdreg s7  }
0x12: {  	s24 =	sadd.s32 s0, s16;
	s14 =	simm.s32 $0x4;
	[dreg:$0x9] =	wrdreg s23  }
0x13: {  	s7 =	smul.u32 $0x5000, s6;
	[dreg:$0xa] =	wrdreg s24;
	s6 =	sadd.s32 s1, s20  }
0x14: {  	s1 =	sadd.s32 s1, s19;
	s24 =	simm.s32 $0x5;
	s6 =	sshrl.u32 s6, $0x3  }
0x15: {  	s23 =	simm.s32 $0x1;
	s21 =	sshrl.u32 s7, $0x3;
	s6 =	sadd.s32 s0, s6  }
0x16: {  	s1 =	sshrl.u32 s1, $0x3;
	s11 =	sadd.s32 s2, s21;
	[dreg:$0xb] =	wrdreg s6  }
0x17: {  	s6 =	sadd.s32 s0, s26;
	s0 =	sadd.s32 s0, s1;
	[dreg:$0x5] =	wrdreg s11  }
.Ltmp0:
0x18: {  	s26 =	simm.s32 $0x40;
	[dreg:$0xc] =	wrdreg s6;
	(pc) =	sbr.rel .LBB2_1-.Ltmp0, $4  }
0x19: {  	s1 =	simm.s32 $0x8A00;
	s18 =	sadd.s32 $0x10, s11;
	[dreg:$0xd] =	wrdreg s0  }
0x1a: {  	s22 =	sadd.s32 $0x20, s11;
	s11 =	sadd.s32 $0x30, s11;
	[dreg:$0x6] =	wrdreg s18  }
0x1b: {  	s0 =	simm.s32 $0x180;
	s6 =	simm.s32 $0x3;
	[dreg:$0x7] =	wrdreg s22  }
0x1c: {  	v0 =	vimm.f32 $0.0e+00;
	[dreg:$0x8] =	wrdreg s11;
	s22 =	smax.u32 s15, $0x1;
	s15 =	simm.s32 $0x0  }
.LBB2_6:
0x1d: {  	s11 =	stileid.u32  }
0x1e: {  	[bflag:$0x0] =	sbarrier.arrive $0xFFFF;
	s11 =	sshll.u32 s11, $0x6  }
0x1f: {  	s16 =	sshrl.u32 s8, $0x3;
	s17 =	rddreg [dreg:$0x9];
	s11 =	sor.u32 $0x1C05, s11  }
0x20: {  	[hbm:s17], [sflag:s11] =	dma.local [spmem:s16], $0x800  }
0x21: {  	_ =	swait.ge [sflag:s24], $0x800  }
0x22: {  	[sflag:s24] =	ssyncset.done $0x0  }
0x23: {  	s18 =	sshrl.u32 s9, $0x3;
	s19 =	rddreg [dreg:$0xa];
	[sflag:s24] =	ssyncadd.s32 $0xFFFFF800  }
0x24: {  	[hbm:s19], [sflag:s11] =	dma.local [spmem:s18], $0x800  }
0x25: {  	_ =	swait.ge [sflag:s24], $0x800  }
0x26: {  	[sflag:s24] =	ssyncset.done $0x0  }
0x27: {  	s20 =	sshrl.u32 s10, $0x3;
	s21 =	rddreg [dreg:$0xb];
	[sflag:s24] =	ssyncadd.s32 $0xFFFFF800  }
0x28: {  	[hbm:s21], [sflag:s11] =	dma.local [spmem:s20], $0x800  }
0x29: {  	_ =	swait.ge [sflag:s24], $0x800  }
0x2a: {  	[sflag:s24] =	ssyncset.done $0x0  }
0x2b: {  	s18 =	sshrl.u32 s12, $0x3;
	s19 =	rddreg [dreg:$0xc];
	[sflag:s24] =	ssyncadd.s32 $0xFFFFF800  }
0x2c: {  	[hbm:s19], [sflag:s11] =	dma.local [spmem:s18], $0x800  }
0x2d: {  	s15 =	sadd.s32 $0x1, s15;
	_ =	swait.ge [sflag:s24], $0x800  }
0x2e: {  	p0 =	sne.s32 s15, s22;
	s20 =	sshrl.u32 s13, $0x3;
	[sflag:s24] =	ssyncset.done $0x0  }
.Ltmp1:
0x2f: {  	s21 =	rddreg [dreg:$0xd];
	[sflag:s24] =	ssyncadd.s32 $0xFFFFF800;
	(pc) =	sbr.rel @!p0 .LBB2_7-.Ltmp1, $4  }
0x30: {  	[hbm:s21], [sflag:s11] =	dma.local [spmem:s20], $0x800  }
0x31: {  	_ =	swait.ge [sflag:s24], $0x800  }
0x32: {  	[sflag:s24] =	ssyncset.done $0x0  }
0x33: {  	[sflag:s24] =	ssyncadd.s32 $0xFFFFF800  }
.LBB2_1:
0x34: {  	s11 =	rddreg [dreg:$0x4];
	s16 =	simm.s32 $0x200  }
0x35: {  	[tilespmem:s16], [sflag:$0x5] =	stream.linear.gather [hbm4b:s11+s4], $0x2800, $0x38;
	[tilespmem:$0x1EA00] =	vst v63  }
0x36: {  	_ =	swait.ge [sflag:s24], $0x2800  }
0x37: {  	[sflag:s24] =	ssyncset.done $0x0  }
0x38: {  	s17 =	simm.s32 $0x200;
	s16 =	simm.s32 $0x0;
	[sflag:s24] =	ssyncadd.s32 $0xFFFFD800  }
.LBB2_2:
0x39: {  	p0 =	sne.s32 s17, $0xFE00;
	[tilespmem:s16+$0x2A70] =	vst v0  }
0x3a: {  	[tilespmem:s16+$0x2A00] =	vst v0  }
0x3b: {  	[tilespmem:s16+$0x2A10] =	vst v0  }
.Ltmp2:
0x3c: {  	[tilespmem:s16+$0x2A20] =	vst v0;
	(pc) =	sbr.rel @p0 .LBB2_2-.Ltmp2, $4  }
0x3d: {  	[tilespmem:s16+$0x2A30] =	vst v0  }
0x3e: {  	[tilespmem:s16+$0x2A40] =	vst v0  }
0x3f: {  	[tilespmem:s16+$0x2A50] =	vst v0  }
0x40: {  	[tilespmem:s16+$0x2A60] =	vst v0;
	s16 =	sshra.s32 s17, $0x2;
	s17 =	sadd.s32 $0x200, s17  }
0x41: {  	[tilespmem:s16+$0x2A70] =	vst v0  }
0x42: {  	[tilespmem:s16+$0x2A00] =	vst v0  }
0x43: {  	[tilespmem:s16+$0x2A10] =	vst v0  }
0x44: {  	[tilespmem:s16+$0x2A20] =	vst v0  }
0x45: {  	[tilespmem:s16+$0x2A30] =	vst v0  }
0x46: {  	[tilespmem:s16+$0x2A40] =	vst v0  }
0x47: {  	[tilespmem:s16+$0x2A50] =	vst v0  }
0x48: {  	[tilespmem:s16+$0x2A60] =	vst v0  }
0x49: {  	[spmem:s8] =	stream.linear.scatter [tilespmem:s25], [sflag:$0x5], $0x4000, $0x38;
	[tilespmem:$0x1EA00] =	vst v63  }
0x4a: {  	_ =	swait.ge [sflag:s24], $0x4000  }
0x4b: {  	[sflag:s24] =	ssyncset.done $0x0  }
0x4c: {  	[sflag:s24] =	ssyncadd.s32 $0xFFFFC000  }
0x4d: {  	[spmem:s9] =	stream.linear.scatter [tilespmem:s25], [sflag:$0x5], $0x4000, $0x38;
	[tilespmem:$0x1EA00] =	vst v63  }
0x4e: {  	_ =	swait.ge [sflag:s24], $0x4000  }
0x4f: {  	[sflag:s24] =	ssyncset.done $0x0  }
0x50: {  	[sflag:s24] =	ssyncadd.s32 $0xFFFFC000  }
0x51: {  	[spmem:s10] =	stream.linear.scatter [tilespmem:s25], [sflag:$0x5], $0x4000, $0x38;
	[tilespmem:$0x1EA00] =	vst v63  }
0x52: {  	_ =	swait.ge [sflag:s24], $0x4000  }
0x53: {  	[sflag:s24] =	ssyncset.done $0x0  }
0x54: {  	[sflag:s24] =	ssyncadd.s32 $0xFFFFC000  }
0x55: {  	[spmem:s12] =	stream.linear.scatter [tilespmem:s25], [sflag:$0x5], $0x4000, $0x38;
	[tilespmem:$0x1EA00] =	vst v63  }
0x56: {  	_ =	swait.ge [sflag:s24], $0x4000  }
0x57: {  	[sflag:s24] =	ssyncset.done $0x0  }
0x58: {  	[sflag:s24] =	ssyncadd.s32 $0xFFFFC000  }
0x59: {  	[spmem:s13] =	stream.linear.scatter [tilespmem:s25], [sflag:$0x5], $0x4000, $0x38;
	[tilespmem:$0x1EA00] =	vst v63  }
0x5a: {  	_ =	swait.ge [sflag:s24], $0x4000  }
0x5b: {  	[sflag:s24] =	ssyncset.done $0x0  }
0x5c: {  	[sflag:s24] =	ssyncadd.s32 $0xFFFFC000  }
0x5d: {  	[bflag:$0x0] =	sbarrier.arrive $0xFFFF  }
0x5e: {  	s11 =	rddreg [dreg:$0x5]  }
0x5f: {  	[tilespmem:s4], [sflag:$0x5] =	stream.linear.gather [hbm4b:s11+s4], $0x80, $0x38;
	[tilespmem:$0x1EA00] =	vst v63  }
0x60: {  	_ =	swait.ge [sflag:s24], $0x80  }
0x61: {  	[sflag:s24] =	ssyncset.done $0x0  }
0x62: {  	[sflag:s24] =	ssyncadd.s32 $0xFFFFFF80  }
0x63: {  	[tilespmem:s25], [sflag:$0x1] =	stream.indirect.gather [hbm4b:s5+s26], $0x80, s4, s26, $0xb8;
	[tilespmem:$0x1EA00] =	vst v63  }
0x64: {  	s18 =	rddreg [dreg:$0x6]  }
0x65: {  	[tilespmem:s28], [sflag:$0x5] =	stream.linear.gather [hbm4b:s18+s4], $0x80, $0x38;
	[tilespmem:$0x1EA00] =	vst v63  }
0x66: {  	_ =	swait.ge [sflag:s24], $0x80  }
0x67: {  	[sflag:s24] =	ssyncset.done $0x0  }
0x68: {  	s19 =	simm.s32 $0x4A00;
	[sflag:s24] =	ssyncadd.s32 $0xFFFFFF80  }
0x69: {  	[tilespmem:s19], [sflag:$0x2] =	stream.indirect.gather [hbm4b:s5+s26], $0x80, s28, s26, $0xb8;
	[tilespmem:$0x1EA00] =	vst v63  }
0x6a: {  	s20 =	rddreg [dreg:$0x7]  }
0x6b: {  	[tilespmem:s30], [sflag:$0x5] =	stream.linear.gather [hbm4b:s20+s4], $0x80, $0x38;
	[tilespmem:$0x1EA00] =	vst v63  }
0x6c: {  	_ =	swait.ge [sflag:s24], $0x80  }
0x6d: {  	[sflag:s24] =	ssyncset.done $0x0  }
0x6e: {  	[sflag:s24] =	ssyncadd.s32 $0xFFFFFF80  }
0x6f: {  	[tilespmem:s31], [sflag:$0x3] =	stream.indirect.gather [hbm4b:s5+s26], $0x80, s30, s26, $0xb8;
	[tilespmem:$0x1EA00] =	vst v63  }
0x70: {  	s21 =	rddreg [dreg:$0x8]  }
0x71: {  	[tilespmem:s0], [sflag:$0x5] =	stream.linear.gather [hbm4b:s21+s4], $0x80, $0x38;
	[tilespmem:$0x1EA00] =	vst v63  }
0x72: {  	_ =	swait.ge [sflag:s24], $0x80  }
0x73: {  	[sflag:s24] =	ssyncset.done $0x0  }
0x74: {  	s16 =	simm.s32 $0x380;
	s17 =	simm.s32 $0x200;
	[sflag:s24] =	ssyncadd.s32 $0xFFFFFF80  }
0x75: {  	[tilespmem:s1], [sflag:$0x4] =	stream.indirect.gather [hbm4b:s5+s26], $0x80, s0, s26, $0xb8;
	[tilespmem:$0x1EA00] =	vst v63  }
.LBB2_4:
0x76: {  	_ =	swait.ge [sflag:s23], $0x2000  }
0x77: {  	[sflag:s23] =	ssyncset.done $0x0  }
0x78: {  	p0 =	seq.s32 s16, $0x5180;
	[sflag:s23] =	ssyncadd.s32 $0xFFFFE000  }
0x79: {  	s18 =	sadd.s32 @!p0 $0xFFFFFE80, s16;
	_ =	swait.ge [sflag:s29], $0x2000  }
0x7a: {  	s19 =	sand.u32 @!p0 $0xFC00, s18;
	[sflag:s29] =	ssyncset.done $0x0  }
0x7b: {  	s18 =	sand.u32 @!p0 $0x200, s18;
	s19 =	sadd.s32 @!p0 s7, s19;
	[sflag:s29] =	ssyncadd.s32 $0xFFFFE000  }
0x7c: {  	[spmem:s3] =	stream.indirect.scatter.add.f32 [tilespmem:s25], [sflag:$0x5], $0x80, s17, s28, $0xb8;
	[tilespmem:$0x1EA00] =	vst v63  }
0x7d: {  	s18 =	sor.u32 @!p0 s18, s19;
	_ =	swait.ge [sflag:s24], $0x4000  }
0x7e: {  	s18 =	sshrl.u32 @!p0 s18, $0x3;
	[sflag:s24] =	ssyncset.done $0x0  }
0x7f: {  	s19 =	simm.s32 @!p0 $0x0;
	s18 =	sadd.s32 @!p0 s2, s18;
	[sflag:s24] =	ssyncadd.s32 $0xFFFFC000  }
0x80: {  	[tilespmem:s19], [sflag:$0x5] =	stream.linear.gather @!p0 [hbm4b:s18+s19], $0x80, $0x38;
	[tilespmem:$0x1EA00] =	vst v63  }
0x81: {  	s18 =	simm.s32 @!p0 $0x5  }
0x82: {  	_ =	swait.ge @!p0 [sflag:s18], $0x80  }
0x83: {  	s20 =	sadd.s32 @!p0 $0xFFFFFF00, s16;
	[sflag:s18] =	ssyncset.done @!p0 $0x0  }
0x84: {  	s21 =	simm.s32 @!p0 $0x40;
	s11 =	simm.s32 @!p0 $0x2A00;
	[sflag:s18] =	ssyncadd.s32 @!p0 $0xFFFFFF80  }
0x85: {  	[tilespmem:s11], [sflag:$0x1] =	stream.indirect.gather @!p0 [hbm4b:s5+s21], $0x80, s19, s21, $0xb8;
	[tilespmem:$0x1EA00] =	vst v63  }
0x86: {  	s11 =	sand.u32 @!p0 $0xFC00, s20  }
0x87: {  	s20 =	sand.u32 @!p0 $0x280, s20;
	s11 =	sadd.s32 @!p0 s7, s11  }
0x88: {  	s11 =	sor.u32 @!p0 s20, s11  }
0x89: {  	s11 =	sshrl.u32 @!p0 s11, $0x3  }
0x8a: {  	s20 =	simm.s32 @!p0 $0x80;
	s11 =	sadd.s32 @!p0 s2, s11  }
0x8b: {  	[tilespmem:s20], [sflag:$0x5] =	stream.linear.gather @!p0 [hbm4b:s11+s19], $0x80, $0x38;
	[tilespmem:$0x1EA00] =	vst v63  }
0x8c: {  	_ =	swait.ge @!p0 [sflag:s18], $0x80  }
0x8d: {  	[sflag:s18] =	ssyncset.done @!p0 $0x0  }
0x8e: {  	s11 =	simm.s32 @!p0 $0x4A00;
	[sflag:s18] =	ssyncadd.s32 @!p0 $0xFFFFFF80  }
0x8f: {  	[tilespmem:s11], [sflag:$0x2] =	stream.indirect.gather @!p0 [hbm4b:s5+s21], $0x80, s20, s21, $0xb8;
	[tilespmem:$0x1EA00] =	vst v63  }
0x90: {  	_ =	swait.ge [sflag:s6], $0x2000  }
0x91: {  	[sflag:s6] =	ssyncset.done $0x0  }
0x92: {  	[sflag:s6] =	ssyncadd.s32 $0xFFFFE000  }
0x93: {  	_ =	swait.ge [sflag:s14], $0x2000  }
0x94: {  	[sflag:s14] =	ssyncset.done $0x0  }
.Ltmp3:
0x95: {  	s21 =	sadd.s32 $0x80, s17;
	[sflag:s14] =	ssyncadd.s32 $0xFFFFE000;
	(pc) =	sbr.rel @p0 .LBB2_6-.Ltmp3, $4  }
0x96: {  	[spmem:s3] =	stream.indirect.scatter.add.f32 [tilespmem:s31], [sflag:$0x5], $0x80, s21, s28, $0xb8;
	[tilespmem:$0x1EA00] =	vst v63  }
0x97: {  	_ =	swait.ge [sflag:s24], $0x4000  }
0x98: {  	[sflag:s24] =	ssyncset.done $0x0  }
0x99: {  	[sflag:s24] =	ssyncadd.s32 $0xFFFFC000  }
0x9a: {  	s11 =	sadd.s32 $0xFFFFFF80, s16  }
0x9b: {  	s18 =	sand.u32 $0xFC00, s11  }
0x9c: {  	s11 =	sand.u32 $0x300, s11;
	s18 =	sadd.s32 s7, s18  }
0x9d: {  	s11 =	sor.u32 s11, s18  }
0x9e: {  	s11 =	sshrl.u32 s11, $0x3  }
0x9f: {  	s20 =	sand.u32 $0xFC00, s16;
	s11 =	sadd.s32 s2, s11  }
0xa0: {  	[tilespmem:s30], [sflag:$0x5] =	stream.linear.gather [hbm4b:s11+s4], $0x80, $0x38;
	[tilespmem:$0x1EA00] =	vst v63  }
0xa1: {  	s21 =	sand.u32 $0x380, s16;
	s11 =	sadd.s32 s7, s20;
	_ =	swait.ge [sflag:s24], $0x80  }
0xa2: {  	s11 =	sor.u32 s21, s11;
	[sflag:s24] =	ssyncset.done $0x0  }
0xa3: {  	s11 =	sshrl.u32 s11, $0x3;
	[sflag:s24] =	ssyncadd.s32 $0xFFFFFF80  }
0xa4: {  	[tilespmem:s31], [sflag:$0x3] =	stream.indirect.gather [hbm4b:s5+s26], $0x80, s30, s26, $0xb8;
	[tilespmem:$0x1EA00] =	vst v63  }
0xa5: {  	s11 =	sadd.s32 s2, s11  }
0xa6: {  	[tilespmem:s0], [sflag:$0x5] =	stream.linear.gather [hbm4b:s11+s4], $0x80, $0x38;
	[tilespmem:$0x1EA00] =	vst v63  }
.Ltmp4:
0xa7: {  	_ = 	snop;
	(pc) =	sbr.rel .LBB2_4-.Ltmp4, $4  }
0xa8: {  	_ =	swait.ge [sflag:s24], $0x80  }
0xa9: {  	[sflag:s24] =	ssyncset.done $0x0  }
0xaa: {  	s16 =	sadd.s32 $0x200, s16;
	s17 =	sadd.s32 $0x100, s17;
	[sflag:s24] =	ssyncadd.s32 $0xFFFFFF80  }
0xab: {  	[tilespmem:s1], [sflag:$0x4] =	stream.indirect.gather [hbm4b:s5+s26], $0x80, s0, s26, $0xb8;
	[tilespmem:$0x1EA00] =	vst v63  }
.LBB2_7:
0xac: {  	_ =	sfence.sel $0x180000  }
0xad: {  	[bflag:$0x0] =	sbarrier.arrive $0xFFFF  }
0xae: {  	_ =	strace $0x9000004D  }
0xaf: {  	s0 =	stileid.u32;
	[bflag:$0x2] =	sbarrier.arrive $0xFFFF  }
0xb0: {  	p0 =	sne.s32 s0, $0x0;
	s0 =	rddreg [dreg:$0x3]  }
0xb1: {  	s0 =	sadd.s32 @!p0 $0x100000, s0  }
0xb2: {  	[sflag:s0] =	ssyncadd.tile.s32 @!p0 $0x1;
	_ =	shalt  }
.Lfunc_end2:
_tile_overlayer_lowered:
.L_overlay_start_2:
0xb3: {  	(tag) =	ssettag $0x2  }
0xb4: {  	s0 =	rddreg [dreg:$0x0];
	s2 =	stileid.u32  }
0xb5: {  	s1 =	rddreg [dreg:$0x1];
	p0 =	sne.s32 s2, $0x0  }
0xb6: {  	s3 =	rddreg [dreg:$0x2];
	[bflag:$0x3] =	sbarrier.arrive $0xFFFF;
	s2 =	simm.s32 @!p0 $0x1C05  }
0xb7: {  	[timem:s3], [sflag:s2] =	dma.local @!p0 [hbm:s0], s1  }
0xb8: {  	s0 =	simm.s32 @!p0 $0x5  }
0xb9: {  	_ =	swait.ge @!p0 [sflag:s0], s1  }
0xba: {  	s1 =	ssub.s32 @!p0 $0x0, s1;
	[sflag:s0] =	ssyncset.done @!p0 $0x0  }
0xbb: {  	[sflag:s0] =	ssyncadd.s32 @!p0 s1  }
0xbc: {  	[bflag:$0x3] =	sbarrier.arrive $0xFFFF  }
0xbd: {  	_ =	shalt  }

// kernel: kernel.8.cloned.1.call-start
scs
__scs_entry_jumppad:
0x0: {  	(pc) =	sbr.rel $0x88, $3  }
0x1: {  	(tag) =	ssettag $0x0;
	lr =	simm.s32 $0x1  }
0x2: {  	[smem:$0x3F9D] =	sst lr;
	_ =	strace $0xD0000000  }
0x3: {  	_ = 	snop  }
0x4: {  	_ = 	snop  }
0x5: {  	_ = 	snop  }
0x6: {  	_ = 	snop  }
0x7: {  	_ = 	snop  }
__scs_overlays_trampoline_lowered:
0x8: {  	[smem:$0x3FAC] =	sst s0  }
0x9: {  	[smem:$0x3FAD] =	sst s1  }
0xa: {  	[smem:$0x3FAE] =	sst s2  }
0xb: {  	[smem:$0x3FAF] =	sst s3  }
0xc: {  	[smem:$0x3FB0] =	sst s4  }
0xd: {  	[smem:$0x3FB1] =	sst s5  }
0xe: {  	[smem:$0x3FB2] =	sst s6  }
0xf: {  	[smem:$0x3FB3] =	sst s7  }
0x10: {  	[smem:$0x3FB4] =	sst s8  }
0x11: {  	[smem:$0x3FB5] =	sst s9;
	s0 =	simm.s32 @!p0 $0x0  }
0x12: {  	s1 =	sld [smem:$0x3F9B];
	s0 =	simm.s32 @p0 $0x1  }
0x13: {  	[smem:$0x3FB6] =	sst s0;
	s0 =	simm.s32 @!p1 $0x0  }
0x14: {  	s2 =	sld [smem:$0x3F9A];
	s0 =	simm.s32 @p1 $0x1  }
0x15: {  	[smem:$0x3FB7] =	sst s0;
	s0 =	simm.s32 @!p2 $0x0  }
0x16: {  	s3 =	sld [smem:$0x3FDB];
	s0 =	simm.s32 @p2 $0x1  }
0x17: {  	s4 =	simm.s32 $0x1BF5;
	[smem:$0x3FB9] =	sst s0  }
0x18: {  	s0 =	sld [smem:$0x3F9C];
	_ =	swait.ge [sflag:s4], $0x0  }
0x19: {  	s7 =	sld [smem:$0x3F9D]  }
0x1a: {  	s8 =	sadd.s32 $0xFFFFE003, lr  }
0x1b: {  	s9 =	sadd.s32 $0xFFFFFEF7, lr;
	s5 =	simm.s32 $0xFFFFFFFF;
	p2 =	slt.u32 s8, $0xFFFFF086  }
0x1c: {  	p1 =	slt.u32 s9, $0xF7A;
	s5 =	simm.s32 @!p2 $0x0  }
0x1d: {  	s5 =	simm.s32 @p1 $0x1;
	p0 =	seq.s32 s7, s2  }
0x1e: {  	s7 =	smul.u32 @!p0 $0xF7A, s2;
	p2 =	seq.s32 @!p0 s5, $0x0  }
0x1f: {  	s9 =	smul.u32 $0xF7A, s1;
	s8 =	simm.s32 @!p0 $0x1BF5;
	p2 =	por !p2, p0  }
0x20: {  	[sflag:s8] =	ssyncset.s32 @!p0 $0xFFFFF086;
	s6 =	sadd.s32 @!p0 s3, s7;
	s7 =	simm.s32 @!p0 $0x108  }
0x21: {  	s3 =	sadd.s32 s3, s9;
	s6 =	sadd.s32 @!p0 $0x88, s6;
	s7 =	simm.s32 @p2 $0x1082  }
0x22: {  	[simem:s7], [sflag:s8] =	dma.local @!p0 [hbm:s6], $0xF7A  }
0x23: {  	s9 =	sor.u32 $0xD0000000, s2;
	s6 =	simm.s32 $0x108;
	_ =	swait.ge @!p0 [sflag:s8], $0x0  }
0x24: {  	s3 =	sadd.s32 $0x88, s3;
	s6 =	simm.s32 @!p1 $0x1082;
	[sflag:s4] =	ssyncset.s32 $0xFFFFF086  }
0x25: {  	[simem:s6], [sflag:s4] =	dma.local [hbm:s3], $0xF7A  }
0x26: {  	[smem:$0x3F9D] =	sst s1;
	(tag) =	ssettag s2;
	_ =	strace s9  }
0x27: {  	s1 =	sld [smem:$0x3FAD]  }
0x28: {  	s2 =	sld [smem:$0x3FAE]  }
0x29: {  	s4 =	sld [smem:$0x3FB0]  }
0x2a: {  	p0 =	seq.s32 s5, $0x0;
	s5 =	sld [smem:$0x3FB1]  }
0x2b: {  	s6 =	sld [smem:$0x3FB2]  }
0x2c: {  	s7 =	sld [smem:$0x3FB3]  }
0x2d: {  	s3 =	simm.s32 $0x108;
	s8 =	sld [smem:$0x3FB4]  }
0x2e: {  	s3 =	simm.s32 @!p0 $0x1082;
	s9 =	sld [smem:$0x3FB5]  }
0x2f: {  	lr =	sadd.s32 s0, s3;
	s0 =	sld [smem:$0x3FAC]  }
0x30: {  	s3 =	sld [smem:$0x3FAF]  }
0x31: {  	[smem:$0x3FB8] =	sst s10  }
0x32: {  	s10 =	sld [smem:$0x3FB6];
	_ =	sdelay $0x3  }
0x33: {  	p0 =	seq.s32 s10, $0x1;
	s10 =	sld [smem:$0x3FB8];
	_ =	sdelay $0x3  }
0x34: {  	[smem:$0x3FB8] =	sst s10  }
0x35: {  	s10 =	sld [smem:$0x3FB7];
	_ =	sdelay $0x3  }
0x36: {  	p1 =	seq.s32 s10, $0x1;
	s10 =	sld [smem:$0x3FB8];
	_ =	sdelay $0x3  }
0x37: {  	[smem:$0x3FB8] =	sst s10  }
0x38: {  	s10 =	sld [smem:$0x3FB9]  }
0x39: {  	_ = 	snop;
	(pc) =	sbr.ind lr, $3  }
0x3a: {  	_ = 	snop  }
0x3b: {  	_ = 	snop  }
0x3c: {  	p2 =	seq.s32 s10, $0x1;
	s10 =	sld [smem:$0x3FB8]  }
0x3d: {  	_ =	shalt  }
0x3e: {  	_ =	shalt  }
0x3f: {  	_ =	shalt  }
0x40: {  	_ =	shalt  }
0x41: {  	_ =	shalt  }
0x42: {  	_ =	shalt  }
0x43: {  	_ =	shalt  }
0x44: {  	_ =	shalt  }
0x45: {  	_ =	shalt  }
0x46: {  	_ =	shalt  }
0x47: {  	_ =	shalt  }
0x48: {  	_ =	shalt  }
0x49: {  	_ =	shalt  }
0x4a: {  	_ =	shalt  }
0x4b: {  	_ =	shalt  }
0x4c: {  	_ =	shalt  }
0x4d: {  	_ =	shalt  }
0x4e: {  	_ =	shalt  }
0x4f: {  	_ =	shalt  }
0x50: {  	_ =	shalt  }
0x51: {  	_ =	shalt  }
0x52: {  	_ =	shalt  }
0x53: {  	_ =	shalt  }
0x54: {  	_ =	shalt  }
0x55: {  	_ =	shalt  }
0x56: {  	_ =	shalt  }
0x57: {  	_ =	shalt  }
0x58: {  	_ =	shalt  }
0x59: {  	_ =	shalt  }
0x5a: {  	_ =	shalt  }
0x5b: {  	_ =	shalt  }
0x5c: {  	_ =	shalt  }
0x5d: {  	_ =	shalt  }
0x5e: {  	_ =	shalt  }
0x5f: {  	_ =	shalt  }
0x60: {  	_ =	shalt  }
0x61: {  	_ =	shalt  }
0x62: {  	_ =	shalt  }
0x63: {  	_ =	shalt  }
0x64: {  	_ =	shalt  }
0x65: {  	_ =	shalt  }
0x66: {  	_ =	shalt  }
0x67: {  	_ =	shalt  }
0x68: {  	_ =	shalt  }
0x69: {  	_ =	shalt  }
0x6a: {  	_ =	shalt  }
0x6b: {  	_ =	shalt  }
0x6c: {  	_ =	shalt  }
0x6d: {  	_ =	shalt  }
0x6e: {  	_ =	shalt  }
0x6f: {  	_ =	shalt  }
0x70: {  	_ =	shalt  }
0x71: {  	_ =	shalt  }
0x72: {  	_ =	shalt  }
0x73: {  	_ =	shalt  }
0x74: {  	_ =	shalt  }
0x75: {  	_ =	shalt  }
0x76: {  	_ =	shalt  }
0x77: {  	_ =	shalt  }
0x78: {  	_ =	shalt  }
0x79: {  	_ =	shalt  }
0x7a: {  	_ =	shalt  }
0x7b: {  	_ =	shalt  }
0x7c: {  	_ =	shalt  }
0x7d: {  	_ =	shalt  }
0x7e: {  	_ =	shalt  }
0x7f: {  	_ =	shalt  }
0x80: {  	_ =	shalt  }
0x81: {  	_ =	shalt  }
0x82: {  	_ =	shalt  }
0x83: {  	_ =	shalt  }
0x84: {  	_ =	shalt  }
0x85: {  	_ =	shalt  }
0x86: {  	_ =	shalt  }
0x87: {  	_ =	shalt  }
.Lfunc_end0:
.L_simem_size_0:
called_computation_lowered:
.L_overlay_start_0:
0x88: {  	s2 =	sld [smem:$0x3FD9]  }
0x89: {  	s3 =	sld [smem:$0x3FFE];
	_ =	sdelay $0x1  }
0x8a: {  	s1 =	srdreg.scid  }
0x8b: {  	s0 =	sand.u32 $0x1, s1  }
0x8c: {  	s16 =	sshll.u32 s0, $0xA;
	s2 =	sadd.s32 s3, s2  }
0x8d: {  	s2 =	sadd.s32 s2, s16  }
0x8e: {  	[smem:$0x3FC4] =	sst s2  }
0x8f: {  	_ = 	snop  }
0x90: {  	(tm) =	ssettm $0x1  }
0x91: {  	s17 =	sld [smem:$0x3FFB];
	_ =	sdelay $0x3  }
0x92: {  	_ =	strace s17  }
0x93: {  	s2 =	sld [smem:$0x3FFC];
	_ =	sdelay $0x3  }
0x94: {  	_ =	strace s2  }
0x95: {  	s2 =	sld [smem:$0x3FFD];
	_ =	sdelay $0x3  }
0x96: {  	_ =	strace s2  }
0x97: {  	_ =	strace $0x8FFFFFFF  }
0x98: {  	s18 =	sld [smem:$0x3FDB];
	_ =	sdelay $0x1  }
0x99: {  	s19 =	simm.s32 $_scs_section_size  }
0x9a: {  	s4 =	simm.s32 $_size__tile_overlayer_lowered;
	s5 =	simm.s32 $_tile_overlayer_lowered  }
0x9b: {  	s22 =	simm.s32 $0x1BFF;
	s21 =	sshll.u32 s5, $0x1;
	s2 =	sadd.s32 s19, s18  }
0x9c: {  	s6 =	simm.s32 $0x0;
	s20 =	sshll.u32 s4, $0x1;
	s4 =	sadd.s32 s21, s2  }
0x9d: {  	[timem:s6], [sflag:s22] =	dma.local [hbm:s4], s20  }
0x9e: {  	_ =	swait.ge [sflag:s22], s20  }
0x9f: {  	s3 =	ssub.s32 $0x0, s20;
	[sflag:s22] =	ssyncset.done $0x0  }
0xa0: {  	[sflag:s22] =	ssyncadd.s32 s3;
	_ =	sdelay $0x1  }
0xa1: {  	s23 =	simm.s32 $0x1B8B  }
0xa2: {  	_ =	swait.ge [sflag:s23], $0x1  }
0xa3: {  	[sflag:s23] =	ssyncset.done $0x0  }
0xa4: {  	s25 =	simm.s32 $0x1B8E;
	s24 =	sld [smem:$0x3FFE];
	[sflag:s23] =	ssyncadd.s32 $0xFFFFFFFF  }
0xa5: {  	s26 =	simm.s32 $execute0_lowered;
	[smem:$0x3FD2] =	sst s25  }
0xa6: {  	s4 =	sshll.u32 s26, $0x1;
	_ =	strace $0x80000046;
	[dreg:$0x1] =	wrdreg $0xFFFFFFFF  }
0xa7: {  	s28 =	simm.s32 $_size_execute0_lowered;
	s2 =	sadd.s32 s2, s4;
	[dreg:$0x0] =	wrdreg $0x0  }
0xa8: {  	s4 =	sshll.u32 s28, $0x1;
	[dreg:$0x2] =	wrdreg s2  }
0xa9: {  	[dreg:$0x3] =	wrdreg s4  }
0xaa: {  	[dreg:$0x4] =	wrdreg $0xC0  }
0xab: {  	_ =	task [dreg:s6], $0x5FFFF  }
0xac: {  	[dreg:$0x1] =	wrdreg $0xFFFFFFFF  }
0xad: {  	[dreg:$0x0] =	wrdreg $0x60  }
0xae: {  	[dreg:$0x2] =	wrdreg s24  }
0xaf: {  	[dreg:$0x3] =	wrdreg $0xA8000  }
0xb0: {  	[dreg:$0x4] =	wrdreg $0x9  }
0xb1: {  	_ =	task.clear_ibuf [dreg:s6], $0x5FFFF;
	_ =	strace $0x90000046  }
0xb2: {  	s29 =	simm.s32 $0x9;
	_ =	strace $0x80000048  }
0xb3: {  	_ =	swait.ge [sflag:s29], $0x1  }
0xb4: {  	[sflag:s29] =	ssyncadd.s32 $0xFFFFFFFF  }
0xb5: {  	_ =	strace $0x90000048  }
0xb6: {  	_ =	sfence  }
0xb7: {  	s30 =	sld [smem:$0x0];
	_ =	sdelay $0x2  }
0xb8: {  	s31 =	sshll.u32 s1, $0xD;
	s1 =	sshrl.u32 s1, $0x2  }
0xb9: {  	s3 =	sand.u32 $0x4000, s31;
	s1 =	sadd.s32 s1, s30  }
0xba: {  	s0 =	sor.u32 s3, s0;
	s1 =	sshll.u32 s1, $0x11  }
0xbb: {  	s0 =	sor.u32 s1, s0  }
0xbc: {  	s0 =	sadd.s32 $0x8F2B, s0  }
0xbd: {  	[sflag:s0] =	ssyncadd.remote.s32 $0x1  }
0xbe: {  	_ =	sfence.sel $0xFFFF  }
0xbf: {  	[dreg:$0x0] =	wrdreg $0xFFFFFFFF;
	(pc) =	sbr.abs _section_cstart, $3  }
0xc0: {  	[dreg:$0x1] =	wrdreg $0xFFFFFFFF  }
0xc1: {  	_ =	task.clear_ibuf [dreg:s6], $0x2FFFF;
	_ =	strace $0x9FFFFFFF  }
0xc2: {  	(tm) =	ssettm $0x7FFFFFFF  }
0xc3: {  	_ =	shalt  }
tec
execute0_lowered:
.L_overlay_start_1:
0x0: {  	(tag) =	ssettag $0x1  }
0x1: {  	s1 =	srdreg.scid;
	s5 =	rddreg [dreg:$0x0]  }
0x2: {  	s0 =	stileid.u32;
	s2 =	rddreg [dreg:$0x1]  }
0x3: {  	s3 =	simm.s32 $0x0;
	s20 =	simm.s32 $0x80;
	s21 =	simm.s32 $0x1  }
0x4: {  	s22 =	simm.s32 $0x2;
	s23 =	simm.s32 $0x0;
	s7 =	sand.u32 $0x1, s1  }
0x5: {  	s26 =	sshll.u32 s0, $0x1;
	s1 =	rddreg [dreg:$0x2];
	s9 =	smul.u32 $0x50000, s0  }
0x6: {  	[smem:$0x7FF] =	sst s3;
	s15 =	sadd.s32 $0xD000, s5;
	s10 =	smul.u32 $0x14000, s0  }
0x7: {  	s4 =	sor.u32 s7, s26;
	s8 =	ssub.s32 $0x2, s7;
	s13 =	smul.u32 $0x140000, s7  }
0x8: {  	_ =	strace $0x80000047;
	s4 =	smul.u32 $0x500, s4;
	s28 =	sshrl.u32 s8, $0x1  }
0x9: {  	s29 =	sshrl.u32 s9, $0x2;
	s11 =	sadd.s32 $0x4000, s10;
	s14 =	sadd.s32 $0x8000, s10  }
0xa: {  	s17 =	sadd.s32 $0xC000, s10;
	s18 =	sadd.s32 $0x10000, s10;
	s16 =	ssub.s32 s8, s28  }
0xb: {  	s7 =	sadd.s32 s11, s2;
	s8 =	sadd.s32 s14, s2;
	s9 =	sadd.s32 s17, s2  }
0xc: {  	s12 =	sadd.s32 s10, s13;
	s19 =	sadd.s32 s13, s11;
	s10 =	sadd.s32 s18, s2  }
0xd: {  	s14 =	sadd.s32 s13, s14;
	s17 =	sadd.s32 s13, s17;
	s18 =	sadd.s32 s13, s18  }
0xe: {  	s6 =	sadd.s32 s4, s5;
	s4 =	sadd.s32 $0xC800, s5;
	s12 =	sshrl.u32 s12, $0x3  }
0xf: {  	s30 =	sshrl.u32 s19, $0x3;
	s14 =	sshrl.u32 s14, $0x3;
	s17 =	sshrl.u32 s17, $0x3  }
0x10: {  	s31 =	sshrl.u32 s18, $0x3;
	s16 =	smax.u32 s16, $0x1;
	s18 =	simm.s32 $0x6800  }
0x11: {  	s19 =	simm.s32 $0x2800;
	s5 =	sadd.s32 $0x2800, s6;
	s6 =	sadd.s32 s29, s2  }
0x12: {  	s11 =	sadd.s32 s15, s12;
	s12 =	sadd.s32 s15, s30;
	s13 =	sadd.s32 s15, s14  }
0x13: {  	v0 =	vimm.f32 $0.0e+00;
	s14 =	sadd.s32 s15, s17;
	s15 =	sadd.s32 s15, s31;
	s17 =	simm.s32 $0x3  }
.LBB2_1:
0x14: {  	[tilespmem:s3], [sflag:$0x3] =	stream.linear.gather [hbm4b:s5+s3], $0x2800, $0x38;
	[tilespmem:$0x1E800] =	vst v63  }
0x15: {  	_ =	swait.ge [sflag:s17], $0x2800  }
0x16: {  	[sflag:s17] =	ssyncset.done $0x0  }
0x17: {  	[sflag:s17] =	ssyncadd.s32 $0xFFFFD800  }
0x18: {  	[tilespmem:s18], [sflag:$0x3] =	stream.linear.gather [hbm4b:s4+s3], $0x4000, $0x38;
	[tilespmem:$0x1E800] =	vst v63  }
0x19: {  	_ =	swait.ge [sflag:s17], $0x4000  }
0x1a: {  	[sflag:s17] =	ssyncset.done $0x0  }
0x1b: {  	s24 =	simm.s32 $0x0;
	s25 =	simm.s32 $0x200;
	[sflag:s17] =	ssyncadd.s32 $0xFFFFC000  }
.LBB2_2:
0x1c: {  	p0 =	sne.s32 s25, $0xFE00;
	[tilespmem:s24+$0x2870] =	vst v0  }
0x1d: {  	[tilespmem:s24+$0x2800] =	vst v0  }
0x1e: {  	[tilespmem:s24+$0x2810] =	vst v0  }
.Ltmp0:
0x1f: {  	[tilespmem:s24+$0x2820] =	vst v0;
	(pc) =	sbr.rel @p0 .LBB2_2-.Ltmp0, $4  }
0x20: {  	[tilespmem:s24+$0x2830] =	vst v0  }
0x21: {  	[tilespmem:s24+$0x2840] =	vst v0  }
0x22: {  	[tilespmem:s24+$0x2850] =	vst v0  }
0x23: {  	[tilespmem:s24+$0x2860] =	vst v0;
	s24 =	sshra.s32 s25, $0x2;
	s25 =	sadd.s32 $0x200, s25  }
0x24: {  	[tilespmem:s24+$0x2870] =	vst v0  }
0x25: {  	[tilespmem:s24+$0x2800] =	vst v0  }
0x26: {  	[tilespmem:s24+$0x2810] =	vst v0  }
0x27: {  	[tilespmem:s24+$0x2820] =	vst v0  }
0x28: {  	[tilespmem:s24+$0x2830] =	vst v0  }
0x29: {  	[tilespmem:s24+$0x2840] =	vst v0  }
0x2a: {  	[tilespmem:s24+$0x2850] =	vst v0  }
0x2b: {  	[tilespmem:s24+$0x2860] =	vst v0  }
0x2c: {  	[spmem:s6] =	stream.linear.scatter [tilespmem:s19], [sflag:$0x3], $0x4000, $0x38;
	[tilespmem:$0x1E800] =	vst v63  }
0x2d: {  	_ =	swait.ge [sflag:s17], $0x4000  }
0x2e: {  	[sflag:s17] =	ssyncset.done $0x0  }
0x2f: {  	[sflag:s17] =	ssyncadd.s32 $0xFFFFC000  }
0x30: {  	[spmem:s7] =	stream.linear.scatter [tilespmem:s19], [sflag:$0x3], $0x4000, $0x38;
	[tilespmem:$0x1E800] =	vst v63  }
0x31: {  	_ =	swait.ge [sflag:s17], $0x4000  }
0x32: {  	[sflag:s17] =	ssyncset.done $0x0  }
0x33: {  	[sflag:s17] =	ssyncadd.s32 $0xFFFFC000  }
0x34: {  	[spmem:s8] =	stream.linear.scatter [tilespmem:s19], [sflag:$0x3], $0x4000, $0x38;
	[tilespmem:$0x1E800] =	vst v63  }
0x35: {  	_ =	swait.ge [sflag:s17], $0x4000  }
0x36: {  	[sflag:s17] =	ssyncset.done $0x0  }
0x37: {  	[sflag:s17] =	ssyncadd.s32 $0xFFFFC000  }
0x38: {  	[spmem:s9] =	stream.linear.scatter [tilespmem:s19], [sflag:$0x3], $0x4000, $0x38;
	[tilespmem:$0x1E800] =	vst v63  }
0x39: {  	_ =	swait.ge [sflag:s17], $0x4000  }
0x3a: {  	[sflag:s17] =	ssyncset.done $0x0  }
0x3b: {  	[sflag:s17] =	ssyncadd.s32 $0xFFFFC000  }
0x3c: {  	[spmem:s10] =	stream.linear.scatter [tilespmem:s19], [sflag:$0x3], $0x4000, $0x38;
	[tilespmem:$0x1E800] =	vst v63  }
0x3d: {  	_ =	swait.ge [sflag:s17], $0x4000  }
0x3e: {  	[sflag:s17] =	ssyncset.done $0x0  }
0x3f: {  	[sflag:s17] =	ssyncadd.s32 $0xFFFFC000  }
0x40: {  	[bflag:$0x0] =	sbarrier.arrive $0xFFFF  }
0x41: {  	[spmem:s2] =	stream.indirect.scatter.add.f32 [tilespmem:s18], [sflag:$0x1], $0x80, s3, s20, $0xb8;
	[tilespmem:$0x1E800] =	vst v63  }
0x42: {  	_ = 	snop  }
0x43: {  	[spmem:s2] =	stream.indirect.scatter.add.f32 [tilespmem:s18], [sflag:$0x2], $0x80, s20, s20, $0xb8;
	[tilespmem:$0x1E800] =	vst v63  }
0x44: {  	_ =	swait.ge [sflag:s21], $0x4000  }
0x45: {  	[sflag:s21] =	ssyncset.done $0x0  }
0x46: {  	s31 =	simm.s32 $0x100;
	[sflag:s21] =	ssyncadd.s32 $0xFFFFC000  }
0x47: {  	[spmem:s2] =	stream.indirect.scatter.add.f32 [tilespmem:s18], [sflag:$0x1], $0x80, s31, s20, $0xb8;
	[tilespmem:$0x1E800] =	vst v63  }
0x48: {  	_ =	swait.ge [sflag:s22], $0x4000  }
0x49: {  	[sflag:s22] =	ssyncset.done $0x0  }
0x4a: {  	s24 =	simm.s32 $0xFFFF6800;
	s25 =	simm.s32 $0x180;
	[sflag:s22] =	ssyncadd.s32 $0xFFFFC000  }
.LBB2_4:
0x4b: {  	[spmem:s2] =	stream.indirect.scatter.add.f32 [tilespmem:s18], [sflag:$0x2], $0x80, s25, s20, $0xb8;
	[tilespmem:$0x1E800] =	vst v63  }
0x4c: {  	s25 =	smov.u32 s24  }
0x4d: {  	p0 =	sne.s32 s24, $0xFFFFFC00;
	s24 =	sadd.s32 $0x400, s24;
	_ =	swait.ge [sflag:s21], $0x4000  }
0x4e: {  	s25 =	sshra.s32 s25, $0x2;
	[sflag:s21] =	ssyncset.done $0x0  }
.Ltmp1:
0x4f: {  	s26 =	sadd.s32 $0x2800, s25;
	[sflag:s21] =	ssyncadd.s32 $0xFFFFC000;
	(pc) =	sbr.rel @p0 .LBB2_4-.Ltmp1, $4  }
0x50: {  	[spmem:s2] =	stream.indirect.scatter.add.f32 [tilespmem:s18], [sflag:$0x1], $0x80, s26, s20, $0xb8;
	[tilespmem:$0x1E800] =	vst v63  }
0x51: {  	_ =	swait.ge [sflag:s22], $0x4000  }
0x52: {  	[sflag:s22] =	ssyncset.done $0x0  }
0x53: {  	s25 =	sadd.s32 $0x2880, s25;
	[sflag:s22] =	ssyncadd.s32 $0xFFFFC000  }
0x54: {  	[spmem:s2] =	stream.indirect.scatter.add.f32 [tilespmem:s18], [sflag:$0x2], $0x80, s25, s20, $0xb8;
	[tilespmem:$0x1E800] =	vst v63  }
0x55: {  	_ =	swait.ge [sflag:s21], $0x4000  }
0x56: {  	[sflag:s21] =	ssyncset.done $0x0  }
0x57: {  	[sflag:s21] =	ssyncadd.s32 $0xFFFFC000  }
0x58: {  	_ =	swait.ge [sflag:s22], $0x4000  }
0x59: {  	[sflag:s22] =	ssyncset.done $0x0  }
0x5a: {  	s24 =	sshll.u32 s0, $0x6;
	[sflag:s22] =	ssyncadd.s32 $0xFFFFC000  }
0x5b: {  	s26 =	sshrl.u32 s6, $0x3;
	s24 =	sor.u32 $0x1C03, s24;
	[bflag:$0x0] =	sbarrier.arrive $0xFFFF  }
0x5c: {  	[hbm:s11], [sflag:s24] =	dma.local [spmem:s26], $0x800  }
0x5d: {  	_ =	swait.ge [sflag:s17], $0x800  }
0x5e: {  	[sflag:s17] =	ssyncset.done $0x0  }
0x5f: {  	s28 =	sshrl.u32 s7, $0x3;
	[sflag:s17] =	ssyncadd.s32 $0xFFFFF800  }
0x60: {  	[hbm:s12], [sflag:s24] =	dma.local [spmem:s28], $0x800  }
0x61: {  	_ =	swait.ge [sflag:s17], $0x800  }
0x62: {  	[sflag:s17] =	ssyncset.done $0x0  }
0x63: {  	s29 =	sshrl.u32 s8, $0x3;
	[sflag:s17] =	ssyncadd.s32 $0xFFFFF800  }
0x64: {  	[hbm:s13], [sflag:s24] =	dma.local [spmem:s29], $0x800  }
0x65: {  	_ =	swait.ge [sflag:s17], $0x800  }
0x66: {  	[sflag:s17] =	ssyncset.done $0x0  }
0x67: {  	s30 =	sshrl.u32 s9, $0x3;
	[sflag:s17] =	ssyncadd.s32 $0xFFFFF800  }
0x68: {  	[hbm:s14], [sflag:s24] =	dma.local [spmem:s30], $0x800  }
0x69: {  	s23 =	sadd.s32 $0x1, s23;
	_ =	swait.ge [sflag:s17], $0x800  }
0x6a: {  	p0 =	sne.s32 s23, s16;
	[sflag:s17] =	ssyncset.done $0x0  }
.Ltmp2:
0x6b: {  	s31 =	sshrl.u32 s10, $0x3;
	[sflag:s17] =	ssyncadd.s32 $0xFFFFF800;
	(pc) =	sbr.rel @p0 .LBB2_1-.Ltmp2, $4  }
0x6c: {  	[hbm:s15], [sflag:s24] =	dma.local [spmem:s31], $0x800  }
0x6d: {  	_ =	swait.ge [sflag:s17], $0x800  }
0x6e: {  	[sflag:s17] =	ssyncset.done $0x0  }
0x6f: {  	[sflag:s17] =	ssyncadd.s32 $0xFFFFF800  }
0x70: {  	_ =	sfence.sel $0x180000  }
0x71: {  	[bflag:$0x0] =	sbarrier.arrive $0xFFFF  }
0x72: {  	p0 =	sne.s32 s0, $0x0;
	_ =	strace $0x90000047  }
0x73: {  	s0 =	sadd.s32 @!p0 $0x100000, s1;
	[bflag:$0x2] =	sbarrier.arrive $0xFFFF  }
0x74: {  	[sflag:s0] =	ssyncadd.tile.s32 @!p0 $0x1;
	_ =	shalt  }
.Lfunc_end2:
_tile_overlayer_lowered:
.L_overlay_start_2:
0x75: {  	(tag) =	ssettag $0x2  }
0x76: {  	s0 =	rddreg [dreg:$0x0];
	s2 =	stileid.u32  }
0x77: {  	s1 =	rddreg [dreg:$0x1];
	p0 =	sne.s32 s2, $0x0  }
0x78: {  	s3 =	rddreg [dreg:$0x2];
	[bflag:$0x3] =	sbarrier.arrive $0xFFFF;
	s2 =	simm.s32 @!p0 $0x1C03  }
0x79: {  	[timem:s3], [sflag:s2] =	dma.local @!p0 [hbm:s0], s1  }
0x7a: {  	s0 =	simm.s32 @!p0 $0x3  }
0x7b: {  	_ =	swait.ge @!p0 [sflag:s0], s1  }
0x7c: {  	s1 =	ssub.s32 @!p0 $0x0, s1;
	[sflag:s0] =	ssyncset.done @!p0 $0x0  }
0x7d: {  	[sflag:s0] =	ssyncadd.s32 @!p0 s1  }
0x7e: {  	[bflag:$0x3] =	sbarrier.arrive $0xFFFF  }
0x7f: {  	_ =	shalt  }

</sc_bundles>
